<compile_context>
chip_gen: v7x
topology: tpu7x:2x2x1
jax: 0.10.2.dev20260603
libtpu: 0.0.44.dev20260713+nightly
codegen_flags: <defaults>
</compile_context>

<pallas_src>
import functools

import jax
import jax.numpy as jnp
from jax import lax
from jax.experimental import pallas as pl
from jax.experimental.pallas import tpu as pltpu
from jax.experimental.pallas import tpu_sc as plsc

D_MODEL = 1024
N_HEADS = 16
D_HEAD = 64
TAU = 0.001
ITERS = 2
T_SEQ = 2048
QB = 256
NQB = T_SEQ // QB

SC_CORES = 2
SC_SUBCORES = 16
NW = SC_CORES * SC_SUBCORES
P_TOTAL = T_SEQ * N_HEADS
PPW = P_TOTAL // NW
CHUNK = 128
NCHUNK = PPW // CHUNK
RING = 4


def _qkv_body(x_ref, wq_ref, wk_ref, wv_ref, q_ref, k_ref, v_ref):
    xb = x_ref[...]
    q_ref[...] = jnp.dot(xb, wq_ref[...], preferred_element_type=jnp.float32)
    k_ref[...] = jnp.dot(xb, wk_ref[...], preferred_element_type=jnp.float32)
    v_ref[...] = jnp.dot(xb, wv_ref[...], preferred_element_type=jnp.float32)


def _qkv_proj(x2, Wq, Wk, Wv):
    w_spec = pl.BlockSpec((D_MODEL, D_MODEL), lambda i: (0, 0))
    return pl.pallas_call(
        _qkv_body,
        grid=(NQB,),
        in_specs=[
            pl.BlockSpec((QB, D_MODEL), lambda i: (i, 0)),
            w_spec, w_spec, w_spec,
        ],
        out_specs=[
            pl.BlockSpec((QB, D_MODEL), lambda i: (i, 0)),
            pl.BlockSpec((QB, D_MODEL), lambda i: (i, 0)),
            pl.BlockSpec((QB, D_MODEL), lambda i: (i, 0)),
        ],
        out_shape=[
            jax.ShapeDtypeStruct((T_SEQ, D_MODEL), jnp.float32),
            jax.ShapeDtypeStruct((T_SEQ, D_MODEL), jnp.float32),
            jax.ShapeDtypeStruct((T_SEQ, D_MODEL), jnp.float32),
        ],
    )(x2, Wq, Wk, Wv)


def _top2_body(q_ref, k_ref, ij_ref, ik_ref):
    qb = pl.program_id(0)
    neg = jnp.float32(-jnp.inf)
    big = jnp.float32(T_SEQ)
    shape = (QB, T_SEQ)
    col = lax.broadcasted_iota(jnp.int32, shape, 1)
    row = qb * QB + lax.broadcasted_iota(jnp.int32, shape, 0)
    colf = col.astype(jnp.float32)
    selfm = col == row
    ij_cols = []
    ik_cols = []
    for h in range(N_HEADS):
        qh = q_ref[:, h * D_HEAD:(h + 1) * D_HEAD]
        kh = k_ref[:, h * D_HEAD:(h + 1) * D_HEAD]
        s = lax.dot_general(qh, kh, (((1,), (1,)), ((), ())),
                            preferred_element_type=jnp.float32)
        s = jnp.where(selfm, neg, s)
        m1 = jnp.max(s, axis=1, keepdims=True)
        i1f = jnp.min(jnp.where(s == m1, colf, big), axis=1, keepdims=True)
        s2 = jnp.where(colf == i1f, neg, s)
        m2 = jnp.max(s2, axis=1, keepdims=True)
        i2f = jnp.min(jnp.where(s2 == m2, colf, big), axis=1, keepdims=True)
        ij_cols.append(i1f.astype(jnp.int32) * N_HEADS + h)
        ik_cols.append(i2f.astype(jnp.int32) * N_HEADS + h)
    ij_ref[...] = jnp.concatenate(ij_cols, axis=1)
    ik_ref[...] = jnp.concatenate(ik_cols, axis=1)


def _top2(q, k):
    idx_shape = jax.ShapeDtypeStruct((T_SEQ, N_HEADS), jnp.int32)
    idx_spec = pl.BlockSpec((QB, N_HEADS), lambda qb: (qb, 0))
    return pl.pallas_call(
        _top2_body,
        grid=(NQB,),
        in_specs=[
            pl.BlockSpec((QB, D_MODEL), lambda qb: (qb, 0)),
            pl.BlockSpec((T_SEQ, D_MODEL), lambda qb: (0, 0)),
        ],
        out_specs=[idx_spec, idx_spec],
        out_shape=[idx_shape, idx_shape],
    )(q, k)


def _sc_gather(vtab, idxj, idxk):
    mesh = plsc.VectorSubcoreMesh(core_axis_name="c", subcore_axis_name="s")

    @functools.partial(
        pl.kernel,
        mesh=mesh,
        compiler_params=pltpu.CompilerParams(use_tc_tiling_on_sc=False),
        out_type=[
            jax.ShapeDtypeStruct((NW * NCHUNK, CHUNK, D_HEAD), jnp.float32),
            jax.ShapeDtypeStruct((NW * NCHUNK, CHUNK, D_HEAD), jnp.float32),
        ],
        scratch_types=(
            [pltpu.VMEM((NCHUNK, CHUNK), jnp.int32),
             pltpu.VMEM((NCHUNK, CHUNK), jnp.int32),
             pltpu.VMEM((RING, CHUNK, D_HEAD), jnp.float32),
             pltpu.VMEM((RING, CHUNK, D_HEAD), jnp.float32)]
            + [pltpu.SemaphoreType.DMA] * (4 * RING)
        ),
    )
    def gather_kernel(vtab_hbm, idxj_hbm, idxk_hbm, outj_hbm, outk_hbm,
                      ij_v, ik_v, rj_v, rk_v, *sems):
        wid = lax.axis_index("s") * SC_CORES + lax.axis_index("c")
        gj = sems[0:RING]
        gk = sems[RING:2 * RING]
        wj = sems[2 * RING:3 * RING]
        wk = sems[3 * RING:4 * RING]
        pltpu.sync_copy(idxj_hbm.at[wid], ij_v)
        pltpu.sync_copy(idxk_hbm.at[wid], ik_v)
        gathers_j = [None] * NCHUNK
        gathers_k = [None] * NCHUNK
        writes_j = [None] * NCHUNK
        writes_k = [None] * NCHUNK
        for c in range(NCHUNK + 1):
            if c < NCHUNK:
                p = c % RING
                if c >= RING:
                    writes_j[c - RING].wait()
                    writes_k[c - RING].wait()
                gathers_j[c] = pltpu.async_copy(
                    vtab_hbm.at[ij_v.at[c]], rj_v.at[p], gj[p])
                gathers_k[c] = pltpu.async_copy(
                    vtab_hbm.at[ik_v.at[c]], rk_v.at[p], gk[p])
            if c >= 1:
                q = (c - 1) % RING
                gathers_j[c - 1].wait()
                writes_j[c - 1] = pltpu.async_copy(
                    rj_v.at[q], outj_hbm.at[wid * NCHUNK + c - 1], wj[q])
                gathers_k[c - 1].wait()
                writes_k[c - 1] = pltpu.async_copy(
                    rk_v.at[q], outk_hbm.at[wid * NCHUNK + c - 1], wk[q])
        for c in range(max(0, NCHUNK - RING), NCHUNK):
            writes_j[c].wait()
            writes_k[c].wait()

    outj, outk = gather_kernel(vtab, idxj.reshape(NW, NCHUNK, CHUNK),
                               idxk.reshape(NW, NCHUNK, CHUNK))
    return outj.reshape(P_TOTAL, D_HEAD), outk.reshape(P_TOTAL, D_HEAD)


def _softmed_out_body(vi_ref, vj_ref, vk_ref, wo_ref, out_ref):
    a = vi_ref[...]
    b = vj_ref[...]
    c = vk_ref[...]
    u = jnp.maximum(jnp.minimum(a, b), jnp.minimum(jnp.maximum(a, b), c))
    for _ in range(ITERS):
        ra, rb, rc = u - a, u - b, u - c
        g = (jnp.clip(ra, -TAU, TAU) + jnp.clip(rb, -TAU, TAU)
             + jnp.clip(rc, -TAU, TAU))
        hh = ((jnp.abs(ra) <= TAU).astype(jnp.float32)
              + (jnp.abs(rb) <= TAU).astype(jnp.float32)
              + (jnp.abs(rc) <= TAU).astype(jnp.float32))
        step = jnp.where(hh > 0, g / jnp.clip(hh, 1e-06, None),
                         jnp.zeros_like(g))
        u = u - step
    out_ref[...] = jnp.dot(u, wo_ref[...], preferred_element_type=jnp.float32)


def _softmed_out(vi, vj, vk, Wo):
    blk = pl.BlockSpec((QB, D_MODEL), lambda i: (i, 0))
    return pl.pallas_call(
        _softmed_out_body,
        grid=(NQB,),
        in_specs=[blk, blk, blk,
                  pl.BlockSpec((D_MODEL, D_MODEL), lambda i: (0, 0))],
        out_specs=blk,
        out_shape=jax.ShapeDtypeStruct((T_SEQ, D_MODEL), jnp.float32),
    )(vi, vj, vk, Wo)


def kernel(x, Wq, Wk, Wv, Wo):
    B, T, D = x.shape
    x2 = x.reshape(T, D)
    q, k, v2d = _qkv_proj(x2, Wq, Wk, Wv)
    vtab = v2d.reshape(P_TOTAL, D_HEAD)
    ij2, ik2 = _top2(q, k)
    idxj = ij2.reshape(-1)
    idxk = ik2.reshape(-1)
    vj, vk = _sc_gather(vtab, idxj, idxk)
    vi = v2d
    out = _softmed_out(vi, vj.reshape(T, N_HEADS * D_HEAD),
                       vk.reshape(T, N_HEADS * D_HEAD), Wo)
    return out.reshape(B, T, N_HEADS * D_HEAD)

# --- scband reference (transcript-rebuilt; emitter-appended) ---
"""Pipeline reference for scband-triadic-attention-23167053594752 (READ-ONLY COPY).

The authoritative reference and input builder live on the scoring server;
editing this copy changes nothing except your own understanding.
"""

import jax, jax.numpy as jnp
import numpy as np

D_MODEL = 1024
N_HEADS = 16
D_HEAD = 64
TAU = 0.001
ITERS = 2


def huber_grad(u, x, tau):
    r = u - x
    abs_r = jnp.abs(r)
    mask = (abs_r <= tau).astype(r.dtype)
    return mask * r + (1.0 - mask) * tau * jnp.sign(r)


def huber_hess(u, x, tau):
    return (jnp.abs(u - x) <= tau).astype(u.dtype)


def soft_median_3(a, b, c, tau=TAU, iters=ITERS):
    stacked = jnp.stack([a, b, c], axis=-2)
    u = jnp.median(stacked, axis=-2)
    for _ in range(iters):
        g = huber_grad(u, a, tau) + huber_grad(u, b, tau) + huber_grad(u, c, tau)
        H = huber_hess(u, a, tau) + huber_hess(u, b, tau) + huber_hess(u, c, tau)
        step = jnp.where(H > 0, g / jnp.clip(H, 1e-06, None), jnp.zeros_like(g))
        u = u - step
    return u


def setup_inputs(seed: int = 0) -> dict:
    key = jax.random.key(seed)
    ks = jax.random.split(key, 5)
    B, T = 1, 2048
    x = jax.random.normal(ks[0], (B, T, D_MODEL), dtype=jnp.float32)
    w_scale = D_MODEL ** -0.5
    Wq = jax.random.normal(ks[1], (D_MODEL, N_HEADS * D_HEAD), dtype=jnp.float32) * w_scale
    Wk = jax.random.normal(ks[2], (D_MODEL, N_HEADS * D_HEAD), dtype=jnp.float32) * w_scale
    Wv = jax.random.normal(ks[3], (D_MODEL, N_HEADS * D_HEAD), dtype=jnp.float32) * w_scale
    Wo = jax.random.normal(ks[4], (N_HEADS * D_HEAD, D_MODEL), dtype=jnp.float32) * w_scale
    return {"x": x, "Wq": Wq, "Wk": Wk, "Wv": Wv, "Wo": Wo}


def reference(x, Wq, Wk, Wv, Wo):
    B, T, D = x.shape
    q = (x @ Wq).reshape(B, T, N_HEADS, D_HEAD).transpose(0, 2, 1, 3)
    k = (x @ Wk).reshape(B, T, N_HEADS, D_HEAD).transpose(0, 2, 1, 3)
    v = (x @ Wv).reshape(B, T, N_HEADS, D_HEAD).transpose(0, 2, 1, 3)
    scale = D_HEAD ** (-0.5)
    scores = jnp.einsum('bhtd,bhTd->bhtT', q, k) * scale
    self_mask = jnp.eye(T, dtype=bool)
    neg_inf = jnp.array(-jnp.inf, dtype=scores.dtype)
    scores_masked = jnp.where(self_mask[None, None, :, :], neg_inf, scores)
    _, top2_idx = jax.lax.top_k(scores_masked, 2)
    idx_j = top2_idx[..., 0]
    idx_k = top2_idx[..., 1]
    v_i = v
    v_j = jnp.take_along_axis(v, idx_j[..., None], axis=2)
    v_k = jnp.take_along_axis(v, idx_k[..., None], axis=2)
    y = soft_median_3(v_i, v_j, v_k, tau=TAU)
    y = y.transpose(0, 2, 1, 3).reshape(B, T, N_HEADS * D_HEAD)
    out = y @ Wo
    return out

if __name__ == "__main__":
    import jax
    _d = setup_inputs()
    print(jax.jit(kernel)(*tuple(_d.values())))

</pallas_src>

<mosaic_0001>
#map = affine_map<(d0, d1) -> (0, 0)>
#map1 = affine_map<(d0, d1) -> (0, 0, 0)>
module attributes {stable_mosaic.version = 14 : i64} {
  func.func @gather_kernel(%arg0: i32, %arg1: i32, %arg2: memref<32768x64xf32, #tpu.memory_space<hbm>>, %arg3: memref<32x8x128xi32, #tpu.memory_space<hbm>>, %arg4: memref<32x8x128xi32, #tpu.memory_space<hbm>>, %arg5: memref<256x128x64xf32, #tpu.memory_space<hbm>>, %arg6: memref<256x128x64xf32, #tpu.memory_space<hbm>>, %arg7: memref<8x128xi32, #tpu.memory_space<vmem>>, %arg8: memref<8x128xi32, #tpu.memory_space<vmem>>, %arg9: memref<4x128x64xf32, #tpu.memory_space<vmem>>, %arg10: memref<4x128x64xf32, #tpu.memory_space<vmem>>, %arg11: memref<!tpu.dma_semaphore, #tpu.memory_space<semaphore_mem>>, %arg12: memref<!tpu.dma_semaphore, #tpu.memory_space<semaphore_mem>>, %arg13: memref<!tpu.dma_semaphore, #tpu.memory_space<semaphore_mem>>, %arg14: memref<!tpu.dma_semaphore, #tpu.memory_space<semaphore_mem>>, %arg15: memref<!tpu.dma_semaphore, #tpu.memory_space<semaphore_mem>>, %arg16: memref<!tpu.dma_semaphore, #tpu.memory_space<semaphore_mem>>, %arg17: memref<!tpu.dma_semaphore, #tpu.memory_space<semaphore_mem>>, %arg18: memref<!tpu.dma_semaphore, #tpu.memory_space<semaphore_mem>>, %arg19: memref<!tpu.dma_semaphore, #tpu.memory_space<semaphore_mem>>, %arg20: memref<!tpu.dma_semaphore, #tpu.memory_space<semaphore_mem>>, %arg21: memref<!tpu.dma_semaphore, #tpu.memory_space<semaphore_mem>>, %arg22: memref<!tpu.dma_semaphore, #tpu.memory_space<semaphore_mem>>, %arg23: memref<!tpu.dma_semaphore, #tpu.memory_space<semaphore_mem>>, %arg24: memref<!tpu.dma_semaphore, #tpu.memory_space<semaphore_mem>>, %arg25: memref<!tpu.dma_semaphore, #tpu.memory_space<semaphore_mem>>, %arg26: memref<!tpu.dma_semaphore, #tpu.memory_space<semaphore_mem>>) attributes {dimension_semantics = [#tpu.dimension_semantics<core_parallel>, #tpu.dimension_semantics<subcore_parallel>], iteration_bounds = array<i64: 2, 16>, scalar_prefetch = 0 : i64, scratch_operands = 20 : i64, tpu.core_type = #tpu.core_type<sc_vector_subcore>, window_params = [{transform_indices = #map}, {transform_indices = #map1}, {transform_indices = #map1}, {transform_indices = #map1}, {transform_indices = #map1}]} {
    %mul3A = arith.constant 2 : i32
    %mul3A_0 = arith.muli %arg1, %mul3A : i32
    %add3A = arith.addi %mul3A_0, %arg0 : i32
    "tpu.region"() ({
      %run_scoped3A = tpu.sem_alloc : memref<!tpu.dma_semaphore, #tpu.memory_space<semaphore_mem>>
      %dma_start3A_1022 = arith.constant 0 : i32
      %dma_start3A_1023 = arith.constant 0 : i32
      %dma_start3A_1024 = tpu.memref_slice %arg3[%add3A, %dma_start3A_1022, %dma_start3A_1023] : memref<32x8x128xi32, #tpu.memory_space<hbm>> -> memref<1x8x128xi32, #tpu.memory_space<hbm>>
      %dma_start3A_1025 = tpu.memref_squeeze %dma_start3A_1024 : memref<1x8x128xi32, #tpu.memory_space<hbm>> -> memref<8x128xi32, #tpu.memory_space<hbm>>
      %dma_start3A_1026 = arith.constant 0 : i32
      %dma_start3A_1027 = arith.constant 0 : i32
      %dma_start3A_1028 = tpu.memref_slice %arg3[%add3A, %dma_start3A_1026, %dma_start3A_1027] : memref<32x8x128xi32, #tpu.memory_space<hbm>> -> memref<1x8x128xi32, #tpu.memory_space<hbm>>
      %dma_start3A_1029 = tpu.memref_squeeze %dma_start3A_1028 : memref<1x8x128xi32, #tpu.memory_space<hbm>> -> memref<8x128xi32, #tpu.memory_space<hbm>>
      tpu.enqueue_dma source(%dma_start3A_1029 : memref<8x128xi32, #tpu.memory_space<hbm>>) target(%arg7 : memref<8x128xi32, #tpu.memory_space<vmem>>) target_semaphore(%run_scoped3A : memref<!tpu.dma_semaphore, #tpu.memory_space<semaphore_mem>>)
      %dma_wait3A_1030 = arith.constant 0 : i32
      %dma_wait3A_1031 = arith.constant 0 : i32
      %dma_wait3A_1032 = tpu.memref_slice %arg3[%add3A, %dma_wait3A_1030, %dma_wait3A_1031] : memref<32x8x128xi32, #tpu.memory_space<hbm>> -> memref<1x8x128xi32, #tpu.memory_space<hbm>>
      %dma_wait3A_1033 = tpu.memref_squeeze %dma_wait3A_1032 : memref<1x8x128xi32, #tpu.memory_space<hbm>> -> memref<8x128xi32, #tpu.memory_space<hbm>>
      %dma_wait3A_1034 = arith.constant 0 : i32
      %dma_wait3A_1035 = arith.constant 0 : i32
      %dma_wait3A_1036 = tpu.memref_slice %arg3[%add3A, %dma_wait3A_1034, %dma_wait3A_1035] : memref<32x8x128xi32, #tpu.memory_space<hbm>> -> memref<1x8x128xi32, #tpu.memory_space<hbm>>
      %dma_wait3A_1037 = tpu.memref_squeeze %dma_wait3A_1036 : memref<1x8x128xi32, #tpu.memory_space<hbm>> -> memref<8x128xi32, #tpu.memory_space<hbm>>
      tpu.wait_dma2 semaphore(%run_scoped3A : memref<!tpu.dma_semaphore, #tpu.memory_space<semaphore_mem>>) src(%dma_wait3A_1037 : memref<8x128xi32, #tpu.memory_space<hbm>>) dst(%arg7 : memref<8x128xi32, #tpu.memory_space<vmem>>)
      tpu.yield
    }) : () -> ()
    "tpu.region"() ({
      %run_scoped3A = tpu.sem_alloc : memref<!tpu.dma_semaphore, #tpu.memory_space<semaphore_mem>>
      %dma_start3A_1022 = arith.constant 0 : i32
      %dma_start3A_1023 = arith.constant 0 : i32
      %dma_start3A_1024 = tpu.memref_slice %arg4[%add3A, %dma_start3A_1022, %dma_start3A_1023] : memref<32x8x128xi32, #tpu.memory_space<hbm>> -> memref<1x8x128xi32, #tpu.memory_space<hbm>>
      %dma_start3A_1025 = tpu.memref_squeeze %dma_start3A_1024 : memref<1x8x128xi32, #tpu.memory_space<hbm>> -> memref<8x128xi32, #tpu.memory_space<hbm>>
      %dma_start3A_1026 = arith.constant 0 : i32
      %dma_start3A_1027 = arith.constant 0 : i32
      %dma_start3A_1028 = tpu.memref_slice %arg4[%add3A, %dma_start3A_1026, %dma_start3A_1027] : memref<32x8x128xi32, #tpu.memory_space<hbm>> -> memref<1x8x128xi32, #tpu.memory_space<hbm>>
      %dma_start3A_1029 = tpu.memref_squeeze %dma_start3A_1028 : memref<1x8x128xi32, #tpu.memory_space<hbm>> -> memref<8x128xi32, #tpu.memory_space<hbm>>
      tpu.enqueue_dma source(%dma_start3A_1029 : memref<8x128xi32, #tpu.memory_space<hbm>>) target(%arg8 : memref<8x128xi32, #tpu.memory_space<vmem>>) target_semaphore(%run_scoped3A : memref<!tpu.dma_semaphore, #tpu.memory_space<semaphore_mem>>)
      %dma_wait3A_1030 = arith.constant 0 : i32
      %dma_wait3A_1031 = arith.constant 0 : i32
      %dma_wait3A_1032 = tpu.memref_slice %arg4[%add3A, %dma_wait3A_1030, %dma_wait3A_1031] : memref<32x8x128xi32, #tpu.memory_space<hbm>> -> memref<1x8x128xi32, #tpu.memory_space<hbm>>
      %dma_wait3A_1033 = tpu.memref_squeeze %dma_wait3A_1032 : memref<1x8x128xi32, #tpu.memory_space<hbm>> -> memref<8x128xi32, #tpu.memory_space<hbm>>
      %dma_wait3A_1034 = arith.constant 0 : i32
      %dma_wait3A_1035 = arith.constant 0 : i32
      %dma_wait3A_1036 = tpu.memref_slice %arg4[%add3A, %dma_wait3A_1034, %dma_wait3A_1035] : memref<32x8x128xi32, #tpu.memory_space<hbm>> -> memref<1x8x128xi32, #tpu.memory_space<hbm>>
      %dma_wait3A_1037 = tpu.memref_squeeze %dma_wait3A_1036 : memref<1x8x128xi32, #tpu.memory_space<hbm>> -> memref<8x128xi32, #tpu.memory_space<hbm>>
      tpu.wait_dma2 semaphore(%run_scoped3A : memref<!tpu.dma_semaphore, #tpu.memory_space<semaphore_mem>>) src(%dma_wait3A_1037 : memref<8x128xi32, #tpu.memory_space<hbm>>) dst(%arg8 : memref<8x128xi32, #tpu.memory_space<vmem>>)
      tpu.yield
    }) : () -> ()
    %dma_start3A = arith.constant 0 : i32
    %dma_start3A_1 = arith.constant 0 : i32
    %dma_start3A_2 = arith.constant 0 : i32
    %dma_start3A_3 = arith.constant 0 : i32
    %dma_start3A_4 = tpu.memref_slice %arg9[%dma_start3A_1, %dma_start3A_2, %dma_start3A_3] : memref<4x128x64xf32, #tpu.memory_space<vmem>> -> memref<1x128x64xf32, #tpu.memory_space<vmem>>
    %dma_start3A_5 = tpu.memref_squeeze %dma_start3A_4 : memref<1x128x64xf32, #tpu.memory_space<vmem>> -> memref<128x64xf32, #tpu.memory_space<vmem>>
    %dma_start3A_6 = arith.constant 0 : i32
    %dma_start3A_7 = tpu.memref_slice %arg7[%dma_start3A, %dma_start3A_6] : memref<8x128xi32, #tpu.memory_space<vmem>> -> memref<1x128xi32, #tpu.memory_space<vmem>>
    %dma_start3A_8 = tpu.memref_squeeze %dma_start3A_7 : memref<1x128xi32, #tpu.memory_space<vmem>> -> memref<128xi32, #tpu.memory_space<vmem>>
    %dma_start3A_9 = arith.constant 0 : i32
    %dma_start3A_10 = arith.constant 0 : i32
    %dma_start3A_11 = tpu.memref_slice %arg2[%dma_start3A_9, %dma_start3A_10] : memref<32768x64xf32, #tpu.memory_space<hbm>> -> memref<32768x64xf32, #tpu.memory_space<hbm>>
    tpu.enqueue_indirect_dma source(%dma_start3A_11 : memref<32768x64xf32, #tpu.memory_space<hbm>>) target(%dma_start3A_5 : memref<128x64xf32, #tpu.memory_space<vmem>>) offsets(%dma_start3A_8 : memref<128xi32, #tpu.memory_space<vmem>>) semaphore(%arg11 : memref<!tpu.dma_semaphore, #tpu.memory_space<semaphore_mem>>)
    %dma_start3A_12 = arith.constant 0 : i32
    %dma_start3A_13 = arith.constant 0 : i32
    %dma_start3A_14 = arith.constant 0 : i32
    %dma_start3A_15 = arith.constant 0 : i32
    %dma_start3A_16 = tpu.memref_slice %arg10[%dma_start3A_13, %dma_start3A_14, %dma_start3A_15] : memref<4x128x64xf32, #tpu.memory_space<vmem>> -> memref<1x128x64xf32, #tpu.memory_space<vmem>>
    %dma_start3A_17 = tpu.memref_squeeze %dma_start3A_16 : memref<1x128x64xf32, #tpu.memory_space<vmem>> -> memref<128x64xf32, #tpu.memory_space<vmem>>
    %dma_start3A_18 = arith.constant 0 : i32
    %dma_start3A_19 = tpu.memref_slice %arg8[%dma_start3A_12, %dma_start3A_18] : memref<8x128xi32, #tpu.memory_space<vmem>> -> memref<1x128xi32, #tpu.memory_space<vmem>>
    %dma_start3A_20 = tpu.memref_squeeze %dma_start3A_19 : memref<1x128xi32, #tpu.memory_space<vmem>> -> memref<128xi32, #tpu.memory_space<vmem>>
    %dma_start3A_21 = arith.constant 0 : i32
    %dma_start3A_22 = arith.constant 0 : i32
    %dma_start3A_23 = tpu.memref_slice %arg2[%dma_start3A_21, %dma_start3A_22] : memref<32768x64xf32, #tpu.memory_space<hbm>> -> memref<32768x64xf32, #tpu.memory_space<hbm>>
    tpu.enqueue_indirect_dma source(%dma_start3A_23 : memref<32768x64xf32, #tpu.memory_space<hbm>>) target(%dma_start3A_17 : memref<128x64xf32, #tpu.memory_space<vmem>>) offsets(%dma_start3A_20 : memref<128xi32, #tpu.memory_space<vmem>>) semaphore(%arg15 : memref<!tpu.dma_semaphore, #tpu.memory_space<semaphore_mem>>)
    %dma_start3A_24 = arith.constant 1 : i32
    %dma_start3A_25 = arith.constant 1 : i32
    %dma_start3A_26 = arith.constant 0 : i32
    %dma_start3A_27 = arith.constant 0 : i32
    %dma_start3A_28 = tpu.memref_slice %arg9[%dma_start3A_25, %dma_start3A_26, %dma_start3A_27] : memref<4x128x64xf32, #tpu.memory_space<vmem>> -> memref<1x128x64xf32, #tpu.memory_space<vmem>>
    %dma_start3A_29 = tpu.memref_squeeze %dma_start3A_28 : memref<1x128x64xf32, #tpu.memory_space<vmem>> -> memref<128x64xf32, #tpu.memory_space<vmem>>
    %dma_start3A_30 = arith.constant 0 : i32
    %dma_start3A_31 = tpu.memref_slice %arg7[%dma_start3A_24, %dma_start3A_30] : memref<8x128xi32, #tpu.memory_space<vmem>> -> memref<1x128xi32, #tpu.memory_space<vmem>>
    %dma_start3A_32 = tpu.memref_squeeze %dma_start3A_31 : memref<1x128xi32, #tpu.memory_space<vmem>> -> memref<128xi32, #tpu.memory_space<vmem>>
    %dma_start3A_33 = arith.constant 0 : i32
    %dma_start3A_34 = arith.constant 0 : i32
    %dma_start3A_35 = tpu.memref_slice %arg2[%dma_start3A_33, %dma_start3A_34] : memref<32768x64xf32, #tpu.memory_space<hbm>> -> memref<32768x64xf32, #tpu.memory_space<hbm>>
    tpu.enqueue_indirect_dma source(%dma_start3A_35 : memref<32768x64xf32, #tpu.memory_space<hbm>>) target(%dma_start3A_29 : memref<128x64xf32, #tpu.memory_space<vmem>>) offsets(%dma_start3A_32 : memref<128xi32, #tpu.memory_space<vmem>>) semaphore(%arg12 : memref<!tpu.dma_semaphore, #tpu.memory_space<semaphore_mem>>)
    %dma_start3A_36 = arith.constant 1 : i32
    %dma_start3A_37 = arith.constant 1 : i32
    %dma_start3A_38 = arith.constant 0 : i32
    %dma_start3A_39 = arith.constant 0 : i32
    %dma_start3A_40 = tpu.memref_slice %arg10[%dma_start3A_37, %dma_start3A_38, %dma_start3A_39] : memref<4x128x64xf32, #tpu.memory_space<vmem>> -> memref<1x128x64xf32, #tpu.memory_space<vmem>>
    %dma_start3A_41 = tpu.memref_squeeze %dma_start3A_40 : memref<1x128x64xf32, #tpu.memory_space<vmem>> -> memref<128x64xf32, #tpu.memory_space<vmem>>
    %dma_start3A_42 = arith.constant 0 : i32
    %dma_start3A_43 = tpu.memref_slice %arg8[%dma_start3A_36, %dma_start3A_42] : memref<8x128xi32, #tpu.memory_space<vmem>> -> memref<1x128xi32, #tpu.memory_space<vmem>>
    %dma_start3A_44 = tpu.memref_squeeze %dma_start3A_43 : memref<1x128xi32, #tpu.memory_space<vmem>> -> memref<128xi32, #tpu.memory_space<vmem>>
    %dma_start3A_45 = arith.constant 0 : i32
    %dma_start3A_46 = arith.constant 0 : i32
    %dma_start3A_47 = tpu.memref_slice %arg2[%dma_start3A_45, %dma_start3A_46] : memref<32768x64xf32, #tpu.memory_space<hbm>> -> memref<32768x64xf32, #tpu.memory_space<hbm>>
    tpu.enqueue_indirect_dma source(%dma_start3A_47 : memref<32768x64xf32, #tpu.memory_space<hbm>>) target(%dma_start3A_41 : memref<128x64xf32, #tpu.memory_space<vmem>>) offsets(%dma_start3A_44 : memref<128xi32, #tpu.memory_space<vmem>>) semaphore(%arg16 : memref<!tpu.dma_semaphore, #tpu.memory_space<semaphore_mem>>)
    %dma_wait3A = arith.constant 0 : i32
    %dma_wait3A_48 = arith.constant 0 : i32
    %dma_wait3A_49 = arith.constant 0 : i32
    %dma_wait3A_50 = arith.constant 0 : i32
    %dma_wait3A_51 = tpu.memref_slice %arg9[%dma_wait3A_48, %dma_wait3A_49, %dma_wait3A_50] : memref<4x128x64xf32, #tpu.memory_space<vmem>> -> memref<1x128x64xf32, #tpu.memory_space<vmem>>
    %dma_wait3A_52 = tpu.memref_squeeze %dma_wait3A_51 : memref<1x128x64xf32, #tpu.memory_space<vmem>> -> memref<128x64xf32, #tpu.memory_space<vmem>>
    %dma_wait3A_53 = arith.constant 0 : i32
    %dma_wait3A_54 = tpu.memref_slice %arg7[%dma_wait3A, %dma_wait3A_53] : memref<8x128xi32, #tpu.memory_space<vmem>> -> memref<1x128xi32, #tpu.memory_space<vmem>>
    %dma_wait3A_55 = tpu.memref_squeeze %dma_wait3A_54 : memref<1x128xi32, #tpu.memory_space<vmem>> -> memref<128xi32, #tpu.memory_space<vmem>>
    %dma_wait3A_56 = arith.constant 0 : i32
    %dma_wait3A_57 = arith.constant 0 : i32
    %dma_wait3A_58 = tpu.memref_slice %arg2[%dma_wait3A_56, %dma_wait3A_57] : memref<32768x64xf32, #tpu.memory_space<hbm>> -> memref<32768x64xf32, #tpu.memory_space<hbm>>
    tpu.wait_indirect_dma semaphore(%arg11 : memref<!tpu.dma_semaphore, #tpu.memory_space<semaphore_mem>>) src(%dma_wait3A_58 : memref<32768x64xf32, #tpu.memory_space<hbm>>) dst(%dma_wait3A_52 : memref<128x64xf32, #tpu.memory_space<vmem>>)
    %mul3A_59 = arith.constant 8 : i32
    %mul3A_60 = arith.muli %add3A, %mul3A_59 : i32
    %add3A_61 = arith.constant 1 : i32
    %add3A_62 = arith.addi %mul3A_60, %add3A_61 : i32
    %sub3A = arith.constant 1 : i32
    %sub3A_63 = arith.subi %add3A_62, %sub3A : i32
    %dma_start3A_64 = arith.constant 0 : i32
    %dma_start3A_65 = arith.constant 0 : i32
    %dma_start3A_66 = arith.constant 0 : i32
    %dma_start3A_67 = tpu.memref_slice %arg9[%dma_start3A_64, %dma_start3A_65, %dma_start3A_66] : memref<4x128x64xf32, #tpu.memory_space<vmem>> -> memref<1x128x64xf32, #tpu.memory_space<vmem>>
    %dma_start3A_68 = tpu.memref_squeeze %dma_start3A_67 : memref<1x128x64xf32, #tpu.memory_space<vmem>> -> memref<128x64xf32, #tpu.memory_space<vmem>>
    %dma_start3A_69 = arith.constant 0 : i32
    %dma_start3A_70 = arith.constant 0 : i32
    %dma_start3A_71 = tpu.memref_slice %arg5[%sub3A_63, %dma_start3A_69, %dma_start3A_70] : memref<256x128x64xf32, #tpu.memory_space<hbm>> -> memref<1x128x64xf32, #tpu.memory_space<hbm>>
    %dma_start3A_72 = tpu.memref_squeeze %dma_start3A_71 : memref<1x128x64xf32, #tpu.memory_space<hbm>> -> memref<128x64xf32, #tpu.memory_space<hbm>>
    %dma_start3A_73 = arith.constant 0 : i32
    %dma_start3A_74 = arith.constant 0 : i32
    %dma_start3A_75 = tpu.memref_slice %arg5[%sub3A_63, %dma_start3A_73, %dma_start3A_74] : memref<256x128x64xf32, #tpu.memory_space<hbm>> -> memref<1x128x64xf32, #tpu.memory_space<hbm>>
    %dma_start3A_76 = tpu.memref_squeeze %dma_start3A_75 : memref<1x128x64xf32, #tpu.memory_space<hbm>> -> memref<128x64xf32, #tpu.memory_space<hbm>>
    %dma_start3A_77 = arith.constant 0 : i32
    %dma_start3A_78 = arith.constant 0 : i32
    %dma_start3A_79 = tpu.memref_slice %arg9[%dma_start3A_64, %dma_start3A_77, %dma_start3A_78] : memref<4x128x64xf32, #tpu.memory_space<vmem>> -> memref<1x128x64xf32, #tpu.memory_space<vmem>>
    %dma_start3A_80 = tpu.memref_squeeze %dma_start3A_79 : memref<1x128x64xf32, #tpu.memory_space<vmem>> -> memref<128x64xf32, #tpu.memory_space<vmem>>
    tpu.enqueue_dma source(%dma_start3A_80 : memref<128x64xf32, #tpu.memory_space<vmem>>) target(%dma_start3A_76 : memref<128x64xf32, #tpu.memory_space<hbm>>) target_semaphore(%arg19 : memref<!tpu.dma_semaphore, #tpu.memory_space<semaphore_mem>>)
    %dma_wait3A_81 = arith.constant 0 : i32
    %dma_wait3A_82 = arith.constant 0 : i32
    %dma_wait3A_83 = arith.constant 0 : i32
    %dma_wait3A_84 = arith.constant 0 : i32
    %dma_wait3A_85 = tpu.memref_slice %arg10[%dma_wait3A_82, %dma_wait3A_83, %dma_wait3A_84] : memref<4x128x64xf32, #tpu.memory_space<vmem>> -> memref<1x128x64xf32, #tpu.memory_space<vmem>>
    %dma_wait3A_86 = tpu.memref_squeeze %dma_wait3A_85 : memref<1x128x64xf32, #tpu.memory_space<vmem>> -> memref<128x64xf32, #tpu.memory_space<vmem>>
    %dma_wait3A_87 = arith.constant 0 : i32
    %dma_wait3A_88 = tpu.memref_slice %arg8[%dma_wait3A_81, %dma_wait3A_87] : memref<8x128xi32, #tpu.memory_space<vmem>> -> memref<1x128xi32, #tpu.memory_space<vmem>>
    %dma_wait3A_89 = tpu.memref_squeeze %dma_wait3A_88 : memref<1x128xi32, #tpu.memory_space<vmem>> -> memref<128xi32, #tpu.memory_space<vmem>>
    %dma_wait3A_90 = arith.constant 0 : i32
    %dma_wait3A_91 = arith.constant 0 : i32
    %dma_wait3A_92 = tpu.memref_slice %arg2[%dma_wait3A_90, %dma_wait3A_91] : memref<32768x64xf32, #tpu.memory_space<hbm>> -> memref<32768x64xf32, #tpu.memory_space<hbm>>
    tpu.wait_indirect_dma semaphore(%arg15 : memref<!tpu.dma_semaphore, #tpu.memory_space<semaphore_mem>>) src(%dma_wait3A_92 : memref<32768x64xf32, #tpu.memory_space<hbm>>) dst(%dma_wait3A_86 : memref<128x64xf32, #tpu.memory_space<vmem>>)
    %mul3A_93 = arith.constant 8 : i32
    %mul3A_94 = arith.muli %add3A, %mul3A_93 : i32
    %add3A_95 = arith.constant 1 : i32
    %add3A_96 = arith.addi %mul3A_94, %add3A_95 : i32
    %sub3A_97 = arith.constant 1 : i32
    %sub3A_98 = arith.subi %add3A_96, %sub3A_97 : i32
    %dma_start3A_99 = arith.constant 0 : i32
    %dma_start3A_100 = arith.constant 0 : i32
    %dma_start3A_101 = arith.constant 0 : i32
    %dma_start3A_102 = tpu.memref_slice %arg10[%dma_start3A_99, %dma_start3A_100, %dma_start3A_101] : memref<4x128x64xf32, #tpu.memory_space<vmem>> -> memref<1x128x64xf32, #tpu.memory_space<vmem>>
    %dma_start3A_103 = tpu.memref_squeeze %dma_start3A_102 : memref<1x128x64xf32, #tpu.memory_space<vmem>> -> memref<128x64xf32, #tpu.memory_space<vmem>>
    %dma_start3A_104 = arith.constant 0 : i32
    %dma_start3A_105 = arith.constant 0 : i32
    %dma_start3A_106 = tpu.memref_slice %arg6[%sub3A_98, %dma_start3A_104, %dma_start3A_105] : memref<256x128x64xf32, #tpu.memory_space<hbm>> -> memref<1x128x64xf32, #tpu.memory_space<hbm>>
    %dma_start3A_107 = tpu.memref_squeeze %dma_start3A_106 : memref<1x128x64xf32, #tpu.memory_space<hbm>> -> memref<128x64xf32, #tpu.memory_space<hbm>>
    %dma_start3A_108 = arith.constant 0 : i32
    %dma_start3A_109 = arith.constant 0 : i32
    %dma_start3A_110 = tpu.memref_slice %arg6[%sub3A_98, %dma_start3A_108, %dma_start3A_109] : memref<256x128x64xf32, #tpu.memory_space<hbm>> -> memref<1x128x64xf32, #tpu.memory_space<hbm>>
    %dma_start3A_111 = tpu.memref_squeeze %dma_start3A_110 : memref<1x128x64xf32, #tpu.memory_space<hbm>> -> memref<128x64xf32, #tpu.memory_space<hbm>>
    %dma_start3A_112 = arith.constant 0 : i32
    %dma_start3A_113 = arith.constant 0 : i32
    %dma_start3A_114 = tpu.memref_slice %arg10[%dma_start3A_99, %dma_start3A_112, %dma_start3A_113] : memref<4x128x64xf32, #tpu.memory_space<vmem>> -> memref<1x128x64xf32, #tpu.memory_space<vmem>>
    %dma_start3A_115 = tpu.memref_squeeze %dma_start3A_114 : memref<1x128x64xf32, #tpu.memory_space<vmem>> -> memref<128x64xf32, #tpu.memory_space<vmem>>
    tpu.enqueue_dma source(%dma_start3A_115 : memref<128x64xf32, #tpu.memory_space<vmem>>) target(%dma_start3A_111 : memref<128x64xf32, #tpu.memory_space<hbm>>) target_semaphore(%arg23 : memref<!tpu.dma_semaphore, #tpu.memory_space<semaphore_mem>>)
    %dma_start3A_116 = arith.constant 2 : i32
    %dma_start3A_117 = arith.constant 2 : i32
    %dma_start3A_118 = arith.constant 0 : i32
    %dma_start3A_119 = arith.constant 0 : i32
    %dma_start3A_120 = tpu.memref_slice %arg9[%dma_start3A_117, %dma_start3A_118, %dma_start3A_119] : memref<4x128x64xf32, #tpu.memory_space<vmem>> -> memref<1x128x64xf32, #tpu.memory_space<vmem>>
    %dma_start3A_121 = tpu.memref_squeeze %dma_start3A_120 : memref<1x128x64xf32, #tpu.memory_space<vmem>> -> memref<128x64xf32, #tpu.memory_space<vmem>>
    %dma_start3A_122 = arith.constant 0 : i32
    %dma_start3A_123 = tpu.memref_slice %arg7[%dma_start3A_116, %dma_start3A_122] : memref<8x128xi32, #tpu.memory_space<vmem>> -> memref<1x128xi32, #tpu.memory_space<vmem>>
    %dma_start3A_124 = tpu.memref_squeeze %dma_start3A_123 : memref<1x128xi32, #tpu.memory_space<vmem>> -> memref<128xi32, #tpu.memory_space<vmem>>
    %dma_start3A_125 = arith.constant 0 : i32
    %dma_start3A_126 = arith.constant 0 : i32
    %dma_start3A_127 = tpu.memref_slice %arg2[%dma_start3A_125, %dma_start3A_126] : memref<32768x64xf32, #tpu.memory_space<hbm>> -> memref<32768x64xf32, #tpu.memory_space<hbm>>
    tpu.enqueue_indirect_dma source(%dma_start3A_127 : memref<32768x64xf32, #tpu.memory_space<hbm>>) target(%dma_start3A_121 : memref<128x64xf32, #tpu.memory_space<vmem>>) offsets(%dma_start3A_124 : memref<128xi32, #tpu.memory_space<vmem>>) semaphore(%arg13 : memref<!tpu.dma_semaphore, #tpu.memory_space<semaphore_mem>>)
    %dma_start3A_128 = arith.constant 2 : i32
    %dma_start3A_129 = arith.constant 2 : i32
    %dma_start3A_130 = arith.constant 0 : i32
    %dma_start3A_131 = arith.constant 0 : i32
    %dma_start3A_132 = tpu.memref_slice %arg10[%dma_start3A_129, %dma_start3A_130, %dma_start3A_131] : memref<4x128x64xf32, #tpu.memory_space<vmem>> -> memref<1x128x64xf32, #tpu.memory_space<vmem>>
    %dma_start3A_133 = tpu.memref_squeeze %dma_start3A_132 : memref<1x128x64xf32, #tpu.memory_space<vmem>> -> memref<128x64xf32, #tpu.memory_space<vmem>>
    %dma_start3A_134 = arith.constant 0 : i32
    %dma_start3A_135 = tpu.memref_slice %arg8[%dma_start3A_128, %dma_start3A_134] : memref<8x128xi32, #tpu.memory_space<vmem>> -> memref<1x128xi32, #tpu.memory_space<vmem>>
    %dma_start3A_136 = tpu.memref_squeeze %dma_start3A_135 : memref<1x128xi32, #tpu.memory_space<vmem>> -> memref<128xi32, #tpu.memory_space<vmem>>
    %dma_start3A_137 = arith.constant 0 : i32
    %dma_start3A_138 = arith.constant 0 : i32
    %dma_start3A_139 = tpu.memref_slice %arg2[%dma_start3A_137, %dma_start3A_138] : memref<32768x64xf32, #tpu.memory_space<hbm>> -> memref<32768x64xf32, #tpu.memory_space<hbm>>
    tpu.enqueue_indirect_dma source(%dma_start3A_139 : memref<32768x64xf32, #tpu.memory_space<hbm>>) target(%dma_start3A_133 : memref<128x64xf32, #tpu.memory_space<vmem>>) offsets(%dma_start3A_136 : memref<128xi32, #tpu.memory_space<vmem>>) semaphore(%arg17 : memref<!tpu.dma_semaphore, #tpu.memory_space<semaphore_mem>>)
    %dma_wait3A_140 = arith.constant 1 : i32
    %dma_wait3A_141 = arith.constant 1 : i32
    %dma_wait3A_142 = arith.constant 0 : i32
    %dma_wait3A_143 = arith.constant 0 : i32
    %dma_wait3A_144 = tpu.memref_slice %arg9[%dma_wait3A_141, %dma_wait3A_142, %dma_wait3A_143] : memref<4x128x64xf32, #tpu.memory_space<vmem>> -> memref<1x128x64xf32, #tpu.memory_space<vmem>>
    %dma_wait3A_145 = tpu.memref_squeeze %dma_wait3A_144 : memref<1x128x64xf32, #tpu.memory_space<vmem>> -> memref<128x64xf32, #tpu.memory_space<vmem>>
    %dma_wait3A_146 = arith.constant 0 : i32
    %dma_wait3A_147 = tpu.memref_slice %arg7[%dma_wait3A_140, %dma_wait3A_146] : memref<8x128xi32, #tpu.memory_space<vmem>> -> memref<1x128xi32, #tpu.memory_space<vmem>>
    %dma_wait3A_148 = tpu.memref_squeeze %dma_wait3A_147 : memref<1x128xi32, #tpu.memory_space<vmem>> -> memref<128xi32, #tpu.memory_space<vmem>>
    %dma_wait3A_149 = arith.constant 0 : i32
    %dma_wait3A_150 = arith.constant 0 : i32
    %dma_wait3A_151 = tpu.memref_slice %arg2[%dma_wait3A_149, %dma_wait3A_150] : memref<32768x64xf32, #tpu.memory_space<hbm>> -> memref<32768x64xf32, #tpu.memory_space<hbm>>
    tpu.wait_indirect_dma semaphore(%arg12 : memref<!tpu.dma_semaphore, #tpu.memory_space<semaphore_mem>>) src(%dma_wait3A_151 : memref<32768x64xf32, #tpu.memory_space<hbm>>) dst(%dma_wait3A_145 : memref<128x64xf32, #tpu.memory_space<vmem>>)
    %mul3A_152 = arith.constant 8 : i32
    %mul3A_153 = arith.muli %add3A, %mul3A_152 : i32
    %add3A_154 = arith.constant 2 : i32
    %add3A_155 = arith.addi %mul3A_153, %add3A_154 : i32
    %sub3A_156 = arith.constant 1 : i32
    %sub3A_157 = arith.subi %add3A_155, %sub3A_156 : i32
    %dma_start3A_158 = arith.constant 1 : i32
    %dma_start3A_159 = arith.constant 0 : i32
    %dma_start3A_160 = arith.constant 0 : i32
    %dma_start3A_161 = tpu.memref_slice %arg9[%dma_start3A_158, %dma_start3A_159, %dma_start3A_160] : memref<4x128x64xf32, #tpu.memory_space<vmem>> -> memref<1x128x64xf32, #tpu.memory_space<vmem>>
    %dma_start3A_162 = tpu.memref_squeeze %dma_start3A_161 : memref<1x128x64xf32, #tpu.memory_space<vmem>> -> memref<128x64xf32, #tpu.memory_space<vmem>>
    %dma_start3A_163 = arith.constant 0 : i32
    %dma_start3A_164 = arith.constant 0 : i32
    %dma_start3A_165 = tpu.memref_slice %arg5[%sub3A_157, %dma_start3A_163, %dma_start3A_164] : memref<256x128x64xf32, #tpu.memory_space<hbm>> -> memref<1x128x64xf32, #tpu.memory_space<hbm>>
    %dma_start3A_166 = tpu.memref_squeeze %dma_start3A_165 : memref<1x128x64xf32, #tpu.memory_space<hbm>> -> memref<128x64xf32, #tpu.memory_space<hbm>>
    %dma_start3A_167 = arith.constant 0 : i32
    %dma_start3A_168 = arith.constant 0 : i32
    %dma_start3A_169 = tpu.memref_slice %arg5[%sub3A_157, %dma_start3A_167, %dma_start3A_168] : memref<256x128x64xf32, #tpu.memory_space<hbm>> -> memref<1x128x64xf32, #tpu.memory_space<hbm>>
    %dma_start3A_170 = tpu.memref_squeeze %dma_start3A_169 : memref<1x128x64xf32, #tpu.memory_space<hbm>> -> memref<128x64xf32, #tpu.memory_space<hbm>>
    %dma_start3A_171 = arith.constant 0 : i32
    %dma_start3A_172 = arith.constant 0 : i32
    %dma_start3A_173 = tpu.memref_slice %arg9[%dma_start3A_158, %dma_start3A_171, %dma_start3A_172] : memref<4x128x64xf32, #tpu.memory_space<vmem>> -> memref<1x128x64xf32, #tpu.memory_space<vmem>>
    %dma_start3A_174 = tpu.memref_squeeze %dma_start3A_173 : memref<1x128x64xf32, #tpu.memory_space<vmem>> -> memref<128x64xf32, #tpu.memory_space<vmem>>
    tpu.enqueue_dma source(%dma_start3A_174 : memref<128x64xf32, #tpu.memory_space<vmem>>) target(%dma_start3A_170 : memref<128x64xf32, #tpu.memory_space<hbm>>) target_semaphore(%arg20 : memref<!tpu.dma_semaphore, #tpu.memory_space<semaphore_mem>>)
    %dma_wait3A_175 = arith.constant 1 : i32
    %dma_wait3A_176 = arith.constant 1 : i32
    %dma_wait3A_177 = arith.constant 0 : i32
    %dma_wait3A_178 = arith.constant 0 : i32
    %dma_wait3A_179 = tpu.memref_slice %arg10[%dma_wait3A_176, %dma_wait3A_177, %dma_wait3A_178] : memref<4x128x64xf32, #tpu.memory_space<vmem>> -> memref<1x128x64xf32, #tpu.memory_space<vmem>>
    %dma_wait3A_180 = tpu.memref_squeeze %dma_wait3A_179 : memref<1x128x64xf32, #tpu.memory_space<vmem>> -> memref<128x64xf32, #tpu.memory_space<vmem>>
    %dma_wait3A_181 = arith.constant 0 : i32
    %dma_wait3A_182 = tpu.memref_slice %arg8[%dma_wait3A_175, %dma_wait3A_181] : memref<8x128xi32, #tpu.memory_space<vmem>> -> memref<1x128xi32, #tpu.memory_space<vmem>>
    %dma_wait3A_183 = tpu.memref_squeeze %dma_wait3A_182 : memref<1x128xi32, #tpu.memory_space<vmem>> -> memref<128xi32, #tpu.memory_space<vmem>>
    %dma_wait3A_184 = arith.constant 0 : i32
    %dma_wait3A_185 = arith.constant 0 : i32
    %dma_wait3A_186 = tpu.memref_slice %arg2[%dma_wait3A_184, %dma_wait3A_185] : memref<32768x64xf32, #tpu.memory_space<hbm>> -> memref<32768x64xf32, #tpu.memory_space<hbm>>
    tpu.wait_indirect_dma semaphore(%arg16 : memref<!tpu.dma_semaphore, #tpu.memory_space<semaphore_mem>>) src(%dma_wait3A_186 : memref<32768x64xf32, #tpu.memory_space<hbm>>) dst(%dma_wait3A_180 : memref<128x64xf32, #tpu.memory_space<vmem>>)
    %mul3A_187 = arith.constant 8 : i32
    %mul3A_188 = arith.muli %add3A, %mul3A_187 : i32
    %add3A_189 = arith.constant 2 : i32
    %add3A_190 = arith.addi %mul3A_188, %add3A_189 : i32
    %sub3A_191 = arith.constant 1 : i32
    %sub3A_192 = arith.subi %add3A_190, %sub3A_191 : i32
    %dma_start3A_193 = arith.constant 1 : i32
    %dma_start3A_194 = arith.constant 0 : i32
    %dma_start3A_195 = arith.constant 0 : i32
    %dma_start3A_196 = tpu.memref_slice %arg10[%dma_start3A_193, %dma_start3A_194, %dma_start3A_195] : memref<4x128x64xf32, #tpu.memory_space<vmem>> -> memref<1x128x64xf32, #tpu.memory_space<vmem>>
    %dma_start3A_197 = tpu.memref_squeeze %dma_start3A_196 : memref<1x128x64xf32, #tpu.memory_space<vmem>> -> memref<128x64xf32, #tpu.memory_space<vmem>>
    %dma_start3A_198 = arith.constant 0 : i32
    %dma_start3A_199 = arith.constant 0 : i32
    %dma_start3A_200 = tpu.memref_slice %arg6[%sub3A_192, %dma_start3A_198, %dma_start3A_199] : memref<256x128x64xf32, #tpu.memory_space<hbm>> -> memref<1x128x64xf32, #tpu.memory_space<hbm>>
    %dma_start3A_201 = tpu.memref_squeeze %dma_start3A_200 : memref<1x128x64xf32, #tpu.memory_space<hbm>> -> memref<128x64xf32, #tpu.memory_space<hbm>>
    %dma_start3A_202 = arith.constant 0 : i32
    %dma_start3A_203 = arith.constant 0 : i32
    %dma_start3A_204 = tpu.memref_slice %arg6[%sub3A_192, %dma_start3A_202, %dma_start3A_203] : memref<256x128x64xf32, #tpu.memory_space<hbm>> -> memref<1x128x64xf32, #tpu.memory_space<hbm>>
    %dma_start3A_205 = tpu.memref_squeeze %dma_start3A_204 : memref<1x128x64xf32, #tpu.memory_space<hbm>> -> memref<128x64xf32, #tpu.memory_space<hbm>>
    %dma_start3A_206 = arith.constant 0 : i32
    %dma_start3A_207 = arith.constant 0 : i32
    %dma_start3A_208 = tpu.memref_slice %arg10[%dma_start3A_193, %dma_start3A_206, %dma_start3A_207] : memref<4x128x64xf32, #tpu.memory_space<vmem>> -> memref<1x128x64xf32, #tpu.memory_space<vmem>>
    %dma_start3A_209 = tpu.memref_squeeze %dma_start3A_208 : memref<1x128x64xf32, #tpu.memory_space<vmem>> -> memref<128x64xf32, #tpu.memory_space<vmem>>
    tpu.enqueue_dma source(%dma_start3A_209 : memref<128x64xf32, #tpu.memory_space<vmem>>) target(%dma_start3A_205 : memref<128x64xf32, #tpu.memory_space<hbm>>) target_semaphore(%arg24 : memref<!tpu.dma_semaphore, #tpu.memory_space<semaphore_mem>>)
    %dma_start3A_210 = arith.constant 3 : i32
    %dma_start3A_211 = arith.constant 3 : i32
    %dma_start3A_212 = arith.constant 0 : i32
    %dma_start3A_213 = arith.constant 0 : i32
    %dma_start3A_214 = tpu.memref_slice %arg9[%dma_start3A_211, %dma_start3A_212, %dma_start3A_213] : memref<4x128x64xf32, #tpu.memory_space<vmem>> -> memref<1x128x64xf32, #tpu.memory_space<vmem>>
    %dma_start3A_215 = tpu.memref_squeeze %dma_start3A_214 : memref<1x128x64xf32, #tpu.memory_space<vmem>> -> memref<128x64xf32, #tpu.memory_space<vmem>>
    %dma_start3A_216 = arith.constant 0 : i32
    %dma_start3A_217 = tpu.memref_slice %arg7[%dma_start3A_210, %dma_start3A_216] : memref<8x128xi32, #tpu.memory_space<vmem>> -> memref<1x128xi32, #tpu.memory_space<vmem>>
    %dma_start3A_218 = tpu.memref_squeeze %dma_start3A_217 : memref<1x128xi32, #tpu.memory_space<vmem>> -> memref<128xi32, #tpu.memory_space<vmem>>
    %dma_start3A_219 = arith.constant 0 : i32
    %dma_start3A_220 = arith.constant 0 : i32
    %dma_start3A_221 = tpu.memref_slice %arg2[%dma_start3A_219, %dma_start3A_220] : memref<32768x64xf32, #tpu.memory_space<hbm>> -> memref<32768x64xf32, #tpu.memory_space<hbm>>
    tpu.enqueue_indirect_dma source(%dma_start3A_221 : memref<32768x64xf32, #tpu.memory_space<hbm>>) target(%dma_start3A_215 : memref<128x64xf32, #tpu.memory_space<vmem>>) offsets(%dma_start3A_218 : memref<128xi32, #tpu.memory_space<vmem>>) semaphore(%arg14 : memref<!tpu.dma_semaphore, #tpu.memory_space<semaphore_mem>>)
    %dma_start3A_222 = arith.constant 3 : i32
    %dma_start3A_223 = arith.constant 3 : i32
    %dma_start3A_224 = arith.constant 0 : i32
    %dma_start3A_225 = arith.constant 0 : i32
    %dma_start3A_226 = tpu.memref_slice %arg10[%dma_start3A_223, %dma_start3A_224, %dma_start3A_225] : memref<4x128x64xf32, #tpu.memory_space<vmem>> -> memref<1x128x64xf32, #tpu.memory_space<vmem>>
    %dma_start3A_227 = tpu.memref_squeeze %dma_start3A_226 : memref<1x128x64xf32, #tpu.memory_space<vmem>> -> memref<128x64xf32, #tpu.memory_space<vmem>>
    %dma_start3A_228 = arith.constant 0 : i32
    %dma_start3A_229 = tpu.memref_slice %arg8[%dma_start3A_222, %dma_start3A_228] : memref<8x128xi32, #tpu.memory_space<vmem>> -> memref<1x128xi32, #tpu.memory_space<vmem>>
    %dma_start3A_230 = tpu.memref_squeeze %dma_start3A_229 : memref<1x128xi32, #tpu.memory_space<vmem>> -> memref<128xi32, #tpu.memory_space<vmem>>
    %dma_start3A_231 = arith.constant 0 : i32
    %dma_start3A_232 = arith.constant 0 : i32
    %dma_start3A_233 = tpu.memref_slice %arg2[%dma_start3A_231, %dma_start3A_232] : memref<32768x64xf32, #tpu.memory_space<hbm>> -> memref<32768x64xf32, #tpu.memory_space<hbm>>
    tpu.enqueue_indirect_dma source(%dma_start3A_233 : memref<32768x64xf32, #tpu.memory_space<hbm>>) target(%dma_start3A_227 : memref<128x64xf32, #tpu.memory_space<vmem>>) offsets(%dma_start3A_230 : memref<128xi32, #tpu.memory_space<vmem>>) semaphore(%arg18 : memref<!tpu.dma_semaphore, #tpu.memory_space<semaphore_mem>>)
    %dma_wait3A_234 = arith.constant 2 : i32
    %dma_wait3A_235 = arith.constant 2 : i32
    %dma_wait3A_236 = arith.constant 0 : i32
    %dma_wait3A_237 = arith.constant 0 : i32
    %dma_wait3A_238 = tpu.memref_slice %arg9[%dma_wait3A_235, %dma_wait3A_236, %dma_wait3A_237] : memref<4x128x64xf32, #tpu.memory_space<vmem>> -> memref<1x128x64xf32, #tpu.memory_space<vmem>>
    %dma_wait3A_239 = tpu.memref_squeeze %dma_wait3A_238 : memref<1x128x64xf32, #tpu.memory_space<vmem>> -> memref<128x64xf32, #tpu.memory_space<vmem>>
    %dma_wait3A_240 = arith.constant 0 : i32
    %dma_wait3A_241 = tpu.memref_slice %arg7[%dma_wait3A_234, %dma_wait3A_240] : memref<8x128xi32, #tpu.memory_space<vmem>> -> memref<1x128xi32, #tpu.memory_space<vmem>>
    %dma_wait3A_242 = tpu.memref_squeeze %dma_wait3A_241 : memref<1x128xi32, #tpu.memory_space<vmem>> -> memref<128xi32, #tpu.memory_space<vmem>>
    %dma_wait3A_243 = arith.constant 0 : i32
    %dma_wait3A_244 = arith.constant 0 : i32
    %dma_wait3A_245 = tpu.memref_slice %arg2[%dma_wait3A_243, %dma_wait3A_244] : memref<32768x64xf32, #tpu.memory_space<hbm>> -> memref<32768x64xf32, #tpu.memory_space<hbm>>
    tpu.wait_indirect_dma semaphore(%arg13 : memref<!tpu.dma_semaphore, #tpu.memory_space<semaphore_mem>>) src(%dma_wait3A_245 : memref<32768x64xf32, #tpu.memory_space<hbm>>) dst(%dma_wait3A_239 : memref<128x64xf32, #tpu.memory_space<vmem>>)
    %mul3A_246 = arith.constant 8 : i32
    %mul3A_247 = arith.muli %add3A, %mul3A_246 : i32
    %add3A_248 = arith.constant 3 : i32
    %add3A_249 = arith.addi %mul3A_247, %add3A_248 : i32
    %sub3A_250 = arith.constant 1 : i32
    %sub3A_251 = arith.subi %add3A_249, %sub3A_250 : i32
    %dma_start3A_252 = arith.constant 2 : i32
    %dma_start3A_253 = arith.constant 0 : i32
    %dma_start3A_254 = arith.constant 0 : i32
    %dma_start3A_255 = tpu.memref_slice %arg9[%dma_start3A_252, %dma_start3A_253, %dma_start3A_254] : memref<4x128x64xf32, #tpu.memory_space<vmem>> -> memref<1x128x64xf32, #tpu.memory_space<vmem>>
    %dma_start3A_256 = tpu.memref_squeeze %dma_start3A_255 : memref<1x128x64xf32, #tpu.memory_space<vmem>> -> memref<128x64xf32, #tpu.memory_space<vmem>>
    %dma_start3A_257 = arith.constant 0 : i32
    %dma_start3A_258 = arith.constant 0 : i32
    %dma_start3A_259 = tpu.memref_slice %arg5[%sub3A_251, %dma_start3A_257, %dma_start3A_258] : memref<256x128x64xf32, #tpu.memory_space<hbm>> -> memref<1x128x64xf32, #tpu.memory_space<hbm>>
    %dma_start3A_260 = tpu.memref_squeeze %dma_start3A_259 : memref<1x128x64xf32, #tpu.memory_space<hbm>> -> memref<128x64xf32, #tpu.memory_space<hbm>>
    %dma_start3A_261 = arith.constant 0 : i32
    %dma_start3A_262 = arith.constant 0 : i32
    %dma_start3A_263 = tpu.memref_slice %arg5[%sub3A_251, %dma_start3A_261, %dma_start3A_262] : memref<256x128x64xf32, #tpu.memory_space<hbm>> -> memref<1x128x64xf32, #tpu.memory_space<hbm>>
    %dma_start3A_264 = tpu.memref_squeeze %dma_start3A_263 : memref<1x128x64xf32, #tpu.memory_space<hbm>> -> memref<128x64xf32, #tpu.memory_space<hbm>>
    %dma_start3A_265 = arith.constant 0 : i32
    %dma_start3A_266 = arith.constant 0 : i32
    %dma_start3A_267 = tpu.memref_slice %arg9[%dma_start3A_252, %dma_start3A_265, %dma_start3A_266] : memref<4x128x64xf32, #tpu.memory_space<vmem>> -> memref<1x128x64xf32, #tpu.memory_space<vmem>>
    %dma_start3A_268 = tpu.memref_squeeze %dma_start3A_267 : memref<1x128x64xf32, #tpu.memory_space<vmem>> -> memref<128x64xf32, #tpu.memory_space<vmem>>
    tpu.enqueue_dma source(%dma_start3A_268 : memref<128x64xf32, #tpu.memory_space<vmem>>) target(%dma_start3A_264 : memref<128x64xf32, #tpu.memory_space<hbm>>) target_semaphore(%arg21 : memref<!tpu.dma_semaphore, #tpu.memory_space<semaphore_mem>>)
    %dma_wait3A_269 = arith.constant 2 : i32
    %dma_wait3A_270 = arith.constant 2 : i32
    %dma_wait3A_271 = arith.constant 0 : i32
    %dma_wait3A_272 = arith.constant 0 : i32
    %dma_wait3A_273 = tpu.memref_slice %arg10[%dma_wait3A_270, %dma_wait3A_271, %dma_wait3A_272] : memref<4x128x64xf32, #tpu.memory_space<vmem>> -> memref<1x128x64xf32, #tpu.memory_space<vmem>>
    %dma_wait3A_274 = tpu.memref_squeeze %dma_wait3A_273 : memref<1x128x64xf32, #tpu.memory_space<vmem>> -> memref<128x64xf32, #tpu.memory_space<vmem>>
    %dma_wait3A_275 = arith.constant 0 : i32
    %dma_wait3A_276 = tpu.memref_slice %arg8[%dma_wait3A_269, %dma_wait3A_275] : memref<8x128xi32, #tpu.memory_space<vmem>> -> memref<1x128xi32, #tpu.memory_space<vmem>>
    %dma_wait3A_277 = tpu.memref_squeeze %dma_wait3A_276 : memref<1x128xi32, #tpu.memory_space<vmem>> -> memref<128xi32, #tpu.memory_space<vmem>>
    %dma_wait3A_278 = arith.constant 0 : i32
    %dma_wait3A_279 = arith.constant 0 : i32
    %dma_wait3A_280 = tpu.memref_slice %arg2[%dma_wait3A_278, %dma_wait3A_279] : memref<32768x64xf32, #tpu.memory_space<hbm>> -> memref<32768x64xf32, #tpu.memory_space<hbm>>
    tpu.wait_indirect_dma semaphore(%arg17 : memref<!tpu.dma_semaphore, #tpu.memory_space<semaphore_mem>>) src(%dma_wait3A_280 : memref<32768x64xf32, #tpu.memory_space<hbm>>) dst(%dma_wait3A_274 : memref<128x64xf32, #tpu.memory_space<vmem>>)
    %mul3A_281 = arith.constant 8 : i32
    %mul3A_282 = arith.muli %add3A, %mul3A_281 : i32
    %add3A_283 = arith.constant 3 : i32
    %add3A_284 = arith.addi %mul3A_282, %add3A_283 : i32
    %sub3A_285 = arith.constant 1 : i32
    %sub3A_286 = arith.subi %add3A_284, %sub3A_285 : i32
    %dma_start3A_287 = arith.constant 2 : i32
    %dma_start3A_288 = arith.constant 0 : i32
    %dma_start3A_289 = arith.constant 0 : i32
    %dma_start3A_290 = tpu.memref_slice %arg10[%dma_start3A_287, %dma_start3A_288, %dma_start3A_289] : memref<4x128x64xf32, #tpu.memory_space<vmem>> -> memref<1x128x64xf32, #tpu.memory_space<vmem>>
    %dma_start3A_291 = tpu.memref_squeeze %dma_start3A_290 : memref<1x128x64xf32, #tpu.memory_space<vmem>> -> memref<128x64xf32, #tpu.memory_space<vmem>>
    %dma_start3A_292 = arith.constant 0 : i32
    %dma_start3A_293 = arith.constant 0 : i32
    %dma_start3A_294 = tpu.memref_slice %arg6[%sub3A_286, %dma_start3A_292, %dma_start3A_293] : memref<256x128x64xf32, #tpu.memory_space<hbm>> -> memref<1x128x64xf32, #tpu.memory_space<hbm>>
    %dma_start3A_295 = tpu.memref_squeeze %dma_start3A_294 : memref<1x128x64xf32, #tpu.memory_space<hbm>> -> memref<128x64xf32, #tpu.memory_space<hbm>>
    %dma_start3A_296 = arith.constant 0 : i32
    %dma_start3A_297 = arith.constant 0 : i32
    %dma_start3A_298 = tpu.memref_slice %arg6[%sub3A_286, %dma_start3A_296, %dma_start3A_297] : memref<256x128x64xf32, #tpu.memory_space<hbm>> -> memref<1x128x64xf32, #tpu.memory_space<hbm>>
    %dma_start3A_299 = tpu.memref_squeeze %dma_start3A_298 : memref<1x128x64xf32, #tpu.memory_space<hbm>> -> memref<128x64xf32, #tpu.memory_space<hbm>>
    %dma_start3A_300 = arith.constant 0 : i32
    %dma_start3A_301 = arith.constant 0 : i32
    %dma_start3A_302 = tpu.memref_slice %arg10[%dma_start3A_287, %dma_start3A_300, %dma_start3A_301] : memref<4x128x64xf32, #tpu.memory_space<vmem>> -> memref<1x128x64xf32, #tpu.memory_space<vmem>>
    %dma_start3A_303 = tpu.memref_squeeze %dma_start3A_302 : memref<1x128x64xf32, #tpu.memory_space<vmem>> -> memref<128x64xf32, #tpu.memory_space<vmem>>
    tpu.enqueue_dma source(%dma_start3A_303 : memref<128x64xf32, #tpu.memory_space<vmem>>) target(%dma_start3A_299 : memref<128x64xf32, #tpu.memory_space<hbm>>) target_semaphore(%arg25 : memref<!tpu.dma_semaphore, #tpu.memory_space<semaphore_mem>>)
    %dma_wait3A_304 = arith.constant 0 : i32
    %dma_wait3A_305 = arith.constant 0 : i32
    %dma_wait3A_306 = arith.constant 0 : i32
    %dma_wait3A_307 = tpu.memref_slice %arg9[%dma_wait3A_304, %dma_wait3A_305, %dma_wait3A_306] : memref<4x128x64xf32, #tpu.memory_space<vmem>> -> memref<1x128x64xf32, #tpu.memory_space<vmem>>
    %dma_wait3A_308 = tpu.memref_squeeze %dma_wait3A_307 : memref<1x128x64xf32, #tpu.memory_space<vmem>> -> memref<128x64xf32, #tpu.memory_space<vmem>>
    %dma_wait3A_309 = arith.constant 0 : i32
    %dma_wait3A_310 = arith.constant 0 : i32
    %dma_wait3A_311 = tpu.memref_slice %arg5[%sub3A_63, %dma_wait3A_309, %dma_wait3A_310] : memref<256x128x64xf32, #tpu.memory_space<hbm>> -> memref<1x128x64xf32, #tpu.memory_space<hbm>>
    %dma_wait3A_312 = tpu.memref_squeeze %dma_wait3A_311 : memref<1x128x64xf32, #tpu.memory_space<hbm>> -> memref<128x64xf32, #tpu.memory_space<hbm>>
    %dma_wait3A_313 = arith.constant 0 : i32
    %dma_wait3A_314 = arith.constant 0 : i32
    %dma_wait3A_315 = tpu.memref_slice %arg5[%sub3A_63, %dma_wait3A_313, %dma_wait3A_314] : memref<256x128x64xf32, #tpu.memory_space<hbm>> -> memref<1x128x64xf32, #tpu.memory_space<hbm>>
    %dma_wait3A_316 = tpu.memref_squeeze %dma_wait3A_315 : memref<1x128x64xf32, #tpu.memory_space<hbm>> -> memref<128x64xf32, #tpu.memory_space<hbm>>
    %dma_wait3A_317 = arith.constant 0 : i32
    %dma_wait3A_318 = arith.constant 0 : i32
    %dma_wait3A_319 = tpu.memref_slice %arg9[%dma_wait3A_304, %dma_wait3A_317, %dma_wait3A_318] : memref<4x128x64xf32, #tpu.memory_space<vmem>> -> memref<1x128x64xf32, #tpu.memory_space<vmem>>
    %dma_wait3A_320 = tpu.memref_squeeze %dma_wait3A_319 : memref<1x128x64xf32, #tpu.memory_space<vmem>> -> memref<128x64xf32, #tpu.memory_space<vmem>>
    tpu.wait_dma2 semaphore(%arg19 : memref<!tpu.dma_semaphore, #tpu.memory_space<semaphore_mem>>) src(%dma_wait3A_320 : memref<128x64xf32, #tpu.memory_space<vmem>>) dst(%dma_wait3A_316 : memref<128x64xf32, #tpu.memory_space<hbm>>)
    %dma_wait3A_321 = arith.constant 0 : i32
    %dma_wait3A_322 = arith.constant 0 : i32
    %dma_wait3A_323 = arith.constant 0 : i32
    %dma_wait3A_324 = tpu.memref_slice %arg10[%dma_wait3A_321, %dma_wait3A_322, %dma_wait3A_323] : memref<4x128x64xf32, #tpu.memory_space<vmem>> -> memref<1x128x64xf32, #tpu.memory_space<vmem>>
    %dma_wait3A_325 = tpu.memref_squeeze %dma_wait3A_324 : memref<1x128x64xf32, #tpu.memory_space<vmem>> -> memref<128x64xf32, #tpu.memory_space<vmem>>
    %dma_wait3A_326 = arith.constant 0 : i32
    %dma_wait3A_327 = arith.constant 0 : i32
    %dma_wait3A_328 = tpu.memref_slice %arg6[%sub3A_98, %dma_wait3A_326, %dma_wait3A_327] : memref<256x128x64xf32, #tpu.memory_space<hbm>> -> memref<1x128x64xf32, #tpu.memory_space<hbm>>
    %dma_wait3A_329 = tpu.memref_squeeze %dma_wait3A_328 : memref<1x128x64xf32, #tpu.memory_space<hbm>> -> memref<128x64xf32, #tpu.memory_space<hbm>>
    %dma_wait3A_330 = arith.constant 0 : i32
    %dma_wait3A_331 = arith.constant 0 : i32
    %dma_wait3A_332 = tpu.memref_slice %arg6[%sub3A_98, %dma_wait3A_330, %dma_wait3A_331] : memref<256x128x64xf32, #tpu.memory_space<hbm>> -> memref<1x128x64xf32, #tpu.memory_space<hbm>>
    %dma_wait3A_333 = tpu.memref_squeeze %dma_wait3A_332 : memref<1x128x64xf32, #tpu.memory_space<hbm>> -> memref<128x64xf32, #tpu.memory_space<hbm>>
    %dma_wait3A_334 = arith.constant 0 : i32
    %dma_wait3A_335 = arith.constant 0 : i32
    %dma_wait3A_336 = tpu.memref_slice %arg10[%dma_wait3A_321, %dma_wait3A_334, %dma_wait3A_335] : memref<4x128x64xf32, #tpu.memory_space<vmem>> -> memref<1x128x64xf32, #tpu.memory_space<vmem>>
    %dma_wait3A_337 = tpu.memref_squeeze %dma_wait3A_336 : memref<1x128x64xf32, #tpu.memory_space<vmem>> -> memref<128x64xf32, #tpu.memory_space<vmem>>
    tpu.wait_dma2 semaphore(%arg23 : memref<!tpu.dma_semaphore, #tpu.memory_space<semaphore_mem>>) src(%dma_wait3A_337 : memref<128x64xf32, #tpu.memory_space<vmem>>) dst(%dma_wait3A_333 : memref<128x64xf32, #tpu.memory_space<hbm>>)
    %dma_start3A_338 = arith.constant 4 : i32
    %dma_start3A_339 = arith.constant 0 : i32
    %dma_start3A_340 = arith.constant 0 : i32
    %dma_start3A_341 = arith.constant 0 : i32
    %dma_start3A_342 = tpu.memref_slice %arg9[%dma_start3A_339, %dma_start3A_340, %dma_start3A_341] : memref<4x128x64xf32, #tpu.memory_space<vmem>> -> memref<1x128x64xf32, #tpu.memory_space<vmem>>
    %dma_start3A_343 = tpu.memref_squeeze %dma_start3A_342 : memref<1x128x64xf32, #tpu.memory_space<vmem>> -> memref<128x64xf32, #tpu.memory_space<vmem>>
    %dma_start3A_344 = arith.constant 0 : i32
    %dma_start3A_345 = tpu.memref_slice %arg7[%dma_start3A_338, %dma_start3A_344] : memref<8x128xi32, #tpu.memory_space<vmem>> -> memref<1x128xi32, #tpu.memory_space<vmem>>
    %dma_start3A_346 = tpu.memref_squeeze %dma_start3A_345 : memref<1x128xi32, #tpu.memory_space<vmem>> -> memref<128xi32, #tpu.memory_space<vmem>>
    %dma_start3A_347 = arith.constant 0 : i32
    %dma_start3A_348 = arith.constant 0 : i32
    %dma_start3A_349 = tpu.memref_slice %arg2[%dma_start3A_347, %dma_start3A_348] : memref<32768x64xf32, #tpu.memory_space<hbm>> -> memref<32768x64xf32, #tpu.memory_space<hbm>>
    tpu.enqueue_indirect_dma source(%dma_start3A_349 : memref<32768x64xf32, #tpu.memory_space<hbm>>) target(%dma_start3A_343 : memref<128x64xf32, #tpu.memory_space<vmem>>) offsets(%dma_start3A_346 : memref<128xi32, #tpu.memory_space<vmem>>) semaphore(%arg11 : memref<!tpu.dma_semaphore, #tpu.memory_space<semaphore_mem>>)
    %dma_start3A_350 = arith.constant 4 : i32
    %dma_start3A_351 = arith.constant 0 : i32
    %dma_start3A_352 = arith.constant 0 : i32
    %dma_start3A_353 = arith.constant 0 : i32
    %dma_start3A_354 = tpu.memref_slice %arg10[%dma_start3A_351, %dma_start3A_352, %dma_start3A_353] : memref<4x128x64xf32, #tpu.memory_space<vmem>> -> memref<1x128x64xf32, #tpu.memory_space<vmem>>
    %dma_start3A_355 = tpu.memref_squeeze %dma_start3A_354 : memref<1x128x64xf32, #tpu.memory_space<vmem>> -> memref<128x64xf32, #tpu.memory_space<vmem>>
    %dma_start3A_356 = arith.constant 0 : i32
    %dma_start3A_357 = tpu.memref_slice %arg8[%dma_start3A_350, %dma_start3A_356] : memref<8x128xi32, #tpu.memory_space<vmem>> -> memref<1x128xi32, #tpu.memory_space<vmem>>
    %dma_start3A_358 = tpu.memref_squeeze %dma_start3A_357 : memref<1x128xi32, #tpu.memory_space<vmem>> -> memref<128xi32, #tpu.memory_space<vmem>>
    %dma_start3A_359 = arith.constant 0 : i32
    %dma_start3A_360 = arith.constant 0 : i32
    %dma_start3A_361 = tpu.memref_slice %arg2[%dma_start3A_359, %dma_start3A_360] : memref<32768x64xf32, #tpu.memory_space<hbm>> -> memref<32768x64xf32, #tpu.memory_space<hbm>>
    tpu.enqueue_indirect_dma source(%dma_start3A_361 : memref<32768x64xf32, #tpu.memory_space<hbm>>) target(%dma_start3A_355 : memref<128x64xf32, #tpu.memory_space<vmem>>) offsets(%dma_start3A_358 : memref<128xi32, #tpu.memory_space<vmem>>) semaphore(%arg15 : memref<!tpu.dma_semaphore, #tpu.memory_space<semaphore_mem>>)
    %dma_wait3A_362 = arith.constant 3 : i32
    %dma_wait3A_363 = arith.constant 3 : i32
    %dma_wait3A_364 = arith.constant 0 : i32
    %dma_wait3A_365 = arith.constant 0 : i32
    %dma_wait3A_366 = tpu.memref_slice %arg9[%dma_wait3A_363, %dma_wait3A_364, %dma_wait3A_365] : memref<4x128x64xf32, #tpu.memory_space<vmem>> -> memref<1x128x64xf32, #tpu.memory_space<vmem>>
    %dma_wait3A_367 = tpu.memref_squeeze %dma_wait3A_366 : memref<1x128x64xf32, #tpu.memory_space<vmem>> -> memref<128x64xf32, #tpu.memory_space<vmem>>
    %dma_wait3A_368 = arith.constant 0 : i32
    %dma_wait3A_369 = tpu.memref_slice %arg7[%dma_wait3A_362, %dma_wait3A_368] : memref<8x128xi32, #tpu.memory_space<vmem>> -> memref<1x128xi32, #tpu.memory_space<vmem>>
    %dma_wait3A_370 = tpu.memref_squeeze %dma_wait3A_369 : memref<1x128xi32, #tpu.memory_space<vmem>> -> memref<128xi32, #tpu.memory_space<vmem>>
    %dma_wait3A_371 = arith.constant 0 : i32
    %dma_wait3A_372 = arith.constant 0 : i32
    %dma_wait3A_373 = tpu.memref_slice %arg2[%dma_wait3A_371, %dma_wait3A_372] : memref<32768x64xf32, #tpu.memory_space<hbm>> -> memref<32768x64xf32, #tpu.memory_space<hbm>>
    tpu.wait_indirect_dma semaphore(%arg14 : memref<!tpu.dma_semaphore, #tpu.memory_space<semaphore_mem>>) src(%dma_wait3A_373 : memref<32768x64xf32, #tpu.memory_space<hbm>>) dst(%dma_wait3A_367 : memref<128x64xf32, #tpu.memory_space<vmem>>)
    %mul3A_374 = arith.constant 8 : i32
    %mul3A_375 = arith.muli %add3A, %mul3A_374 : i32
    %add3A_376 = arith.constant 4 : i32
    %add3A_377 = arith.addi %mul3A_375, %add3A_376 : i32
    %sub3A_378 = arith.constant 1 : i32
    %sub3A_379 = arith.subi %add3A_377, %sub3A_378 : i32
    %dma_start3A_380 = arith.constant 3 : i32
    %dma_start3A_381 = arith.constant 0 : i32
    %dma_start3A_382 = arith.constant 0 : i32
    %dma_start3A_383 = tpu.memref_slice %arg9[%dma_start3A_380, %dma_start3A_381, %dma_start3A_382] : memref<4x128x64xf32, #tpu.memory_space<vmem>> -> memref<1x128x64xf32, #tpu.memory_space<vmem>>
    %dma_start3A_384 = tpu.memref_squeeze %dma_start3A_383 : memref<1x128x64xf32, #tpu.memory_space<vmem>> -> memref<128x64xf32, #tpu.memory_space<vmem>>
    %dma_start3A_385 = arith.constant 0 : i32
    %dma_start3A_386 = arith.constant 0 : i32
    %dma_start3A_387 = tpu.memref_slice %arg5[%sub3A_379, %dma_start3A_385, %dma_start3A_386] : memref<256x128x64xf32, #tpu.memory_space<hbm>> -> memref<1x128x64xf32, #tpu.memory_space<hbm>>
    %dma_start3A_388 = tpu.memref_squeeze %dma_start3A_387 : memref<1x128x64xf32, #tpu.memory_space<hbm>> -> memref<128x64xf32, #tpu.memory_space<hbm>>
    %dma_start3A_389 = arith.constant 0 : i32
    %dma_start3A_390 = arith.constant 0 : i32
    %dma_start3A_391 = tpu.memref_slice %arg5[%sub3A_379, %dma_start3A_389, %dma_start3A_390] : memref<256x128x64xf32, #tpu.memory_space<hbm>> -> memref<1x128x64xf32, #tpu.memory_space<hbm>>
    %dma_start3A_392 = tpu.memref_squeeze %dma_start3A_391 : memref<1x128x64xf32, #tpu.memory_space<hbm>> -> memref<128x64xf32, #tpu.memory_space<hbm>>
    %dma_start3A_393 = arith.constant 0 : i32
    %dma_start3A_394 = arith.constant 0 : i32
    %dma_start3A_395 = tpu.memref_slice %arg9[%dma_start3A_380, %dma_start3A_393, %dma_start3A_394] : memref<4x128x64xf32, #tpu.memory_space<vmem>> -> memref<1x128x64xf32, #tpu.memory_space<vmem>>
    %dma_start3A_396 = tpu.memref_squeeze %dma_start3A_395 : memref<1x128x64xf32, #tpu.memory_space<vmem>> -> memref<128x64xf32, #tpu.memory_space<vmem>>
    tpu.enqueue_dma source(%dma_start3A_396 : memref<128x64xf32, #tpu.memory_space<vmem>>) target(%dma_start3A_392 : memref<128x64xf32, #tpu.memory_space<hbm>>) target_semaphore(%arg22 : memref<!tpu.dma_semaphore, #tpu.memory_space<semaphore_mem>>)
    %dma_wait3A_397 = arith.constant 3 : i32
    %dma_wait3A_398 = arith.constant 3 : i32
    %dma_wait3A_399 = arith.constant 0 : i32
    %dma_wait3A_400 = arith.constant 0 : i32
    %dma_wait3A_401 = tpu.memref_slice %arg10[%dma_wait3A_398, %dma_wait3A_399, %dma_wait3A_400] : memref<4x128x64xf32, #tpu.memory_space<vmem>> -> memref<1x128x64xf32, #tpu.memory_space<vmem>>
    %dma_wait3A_402 = tpu.memref_squeeze %dma_wait3A_401 : memref<1x128x64xf32, #tpu.memory_space<vmem>> -> memref<128x64xf32, #tpu.memory_space<vmem>>
    %dma_wait3A_403 = arith.constant 0 : i32
    %dma_wait3A_404 = tpu.memref_slice %arg8[%dma_wait3A_397, %dma_wait3A_403] : memref<8x128xi32, #tpu.memory_space<vmem>> -> memref<1x128xi32, #tpu.memory_space<vmem>>
    %dma_wait3A_405 = tpu.memref_squeeze %dma_wait3A_404 : memref<1x128xi32, #tpu.memory_space<vmem>> -> memref<128xi32, #tpu.memory_space<vmem>>
    %dma_wait3A_406 = arith.constant 0 : i32
    %dma_wait3A_407 = arith.constant 0 : i32
    %dma_wait3A_408 = tpu.memref_slice %arg2[%dma_wait3A_406, %dma_wait3A_407] : memref<32768x64xf32, #tpu.memory_space<hbm>> -> memref<32768x64xf32, #tpu.memory_space<hbm>>
    tpu.wait_indirect_dma semaphore(%arg18 : memref<!tpu.dma_semaphore, #tpu.memory_space<semaphore_mem>>) src(%dma_wait3A_408 : memref<32768x64xf32, #tpu.memory_space<hbm>>) dst(%dma_wait3A_402 : memref<128x64xf32, #tpu.memory_space<vmem>>)
    %mul3A_409 = arith.constant 8 : i32
    %mul3A_410 = arith.muli %add3A, %mul3A_409 : i32
    %add3A_411 = arith.constant 4 : i32
    %add3A_412 = arith.addi %mul3A_410, %add3A_411 : i32
    %sub3A_413 = arith.constant 1 : i32
    %sub3A_414 = arith.subi %add3A_412, %sub3A_413 : i32
    %dma_start3A_415 = arith.constant 3 : i32
    %dma_start3A_416 = arith.constant 0 : i32
    %dma_start3A_417 = arith.constant 0 : i32
    %dma_start3A_418 = tpu.memref_slice %arg10[%dma_start3A_415, %dma_start3A_416, %dma_start3A_417] : memref<4x128x64xf32, #tpu.memory_space<vmem>> -> memref<1x128x64xf32, #tpu.memory_space<vmem>>
    %dma_start3A_419 = tpu.memref_squeeze %dma_start3A_418 : memref<1x128x64xf32, #tpu.memory_space<vmem>> -> memref<128x64xf32, #tpu.memory_space<vmem>>
    %dma_start3A_420 = arith.constant 0 : i32
    %dma_start3A_421 = arith.constant 0 : i32
    %dma_start3A_422 = tpu.memref_slice %arg6[%sub3A_414, %dma_start3A_420, %dma_start3A_421] : memref<256x128x64xf32, #tpu.memory_space<hbm>> -> memref<1x128x64xf32, #tpu.memory_space<hbm>>
    %dma_start3A_423 = tpu.memref_squeeze %dma_start3A_422 : memref<1x128x64xf32, #tpu.memory_space<hbm>> -> memref<128x64xf32, #tpu.memory_space<hbm>>
    %dma_start3A_424 = arith.constant 0 : i32
    %dma_start3A_425 = arith.constant 0 : i32
    %dma_start3A_426 = tpu.memref_slice %arg6[%sub3A_414, %dma_start3A_424, %dma_start3A_425] : memref<256x128x64xf32, #tpu.memory_space<hbm>> -> memref<1x128x64xf32, #tpu.memory_space<hbm>>
    %dma_start3A_427 = tpu.memref_squeeze %dma_start3A_426 : memref<1x128x64xf32, #tpu.memory_space<hbm>> -> memref<128x64xf32, #tpu.memory_space<hbm>>
    %dma_start3A_428 = arith.constant 0 : i32
    %dma_start3A_429 = arith.constant 0 : i32
    %dma_start3A_430 = tpu.memref_slice %arg10[%dma_start3A_415, %dma_start3A_428, %dma_start3A_429] : memref<4x128x64xf32, #tpu.memory_space<vmem>> -> memref<1x128x64xf32, #tpu.memory_space<vmem>>
    %dma_start3A_431 = tpu.memref_squeeze %dma_start3A_430 : memref<1x128x64xf32, #tpu.memory_space<vmem>> -> memref<128x64xf32, #tpu.memory_space<vmem>>
    tpu.enqueue_dma source(%dma_start3A_431 : memref<128x64xf32, #tpu.memory_space<vmem>>) target(%dma_start3A_427 : memref<128x64xf32, #tpu.memory_space<hbm>>) target_semaphore(%arg26 : memref<!tpu.dma_semaphore, #tpu.memory_space<semaphore_mem>>)
    %dma_wait3A_432 = arith.constant 1 : i32
    %dma_wait3A_433 = arith.constant 0 : i32
    %dma_wait3A_434 = arith.constant 0 : i32
    %dma_wait3A_435 = tpu.memref_slice %arg9[%dma_wait3A_432, %dma_wait3A_433, %dma_wait3A_434] : memref<4x128x64xf32, #tpu.memory_space<vmem>> -> memref<1x128x64xf32, #tpu.memory_space<vmem>>
    %dma_wait3A_436 = tpu.memref_squeeze %dma_wait3A_435 : memref<1x128x64xf32, #tpu.memory_space<vmem>> -> memref<128x64xf32, #tpu.memory_space<vmem>>
    %dma_wait3A_437 = arith.constant 0 : i32
    %dma_wait3A_438 = arith.constant 0 : i32
    %dma_wait3A_439 = tpu.memref_slice %arg5[%sub3A_157, %dma_wait3A_437, %dma_wait3A_438] : memref<256x128x64xf32, #tpu.memory_space<hbm>> -> memref<1x128x64xf32, #tpu.memory_space<hbm>>
    %dma_wait3A_440 = tpu.memref_squeeze %dma_wait3A_439 : memref<1x128x64xf32, #tpu.memory_space<hbm>> -> memref<128x64xf32, #tpu.memory_space<hbm>>
    %dma_wait3A_441 = arith.constant 0 : i32
    %dma_wait3A_442 = arith.constant 0 : i32
    %dma_wait3A_443 = tpu.memref_slice %arg5[%sub3A_157, %dma_wait3A_441, %dma_wait3A_442] : memref<256x128x64xf32, #tpu.memory_space<hbm>> -> memref<1x128x64xf32, #tpu.memory_space<hbm>>
    %dma_wait3A_444 = tpu.memref_squeeze %dma_wait3A_443 : memref<1x128x64xf32, #tpu.memory_space<hbm>> -> memref<128x64xf32, #tpu.memory_space<hbm>>
    %dma_wait3A_445 = arith.constant 0 : i32
    %dma_wait3A_446 = arith.constant 0 : i32
    %dma_wait3A_447 = tpu.memref_slice %arg9[%dma_wait3A_432, %dma_wait3A_445, %dma_wait3A_446] : memref<4x128x64xf32, #tpu.memory_space<vmem>> -> memref<1x128x64xf32, #tpu.memory_space<vmem>>
    %dma_wait3A_448 = tpu.memref_squeeze %dma_wait3A_447 : memref<1x128x64xf32, #tpu.memory_space<vmem>> -> memref<128x64xf32, #tpu.memory_space<vmem>>
    tpu.wait_dma2 semaphore(%arg20 : memref<!tpu.dma_semaphore, #tpu.memory_space<semaphore_mem>>) src(%dma_wait3A_448 : memref<128x64xf32, #tpu.memory_space<vmem>>) dst(%dma_wait3A_444 : memref<128x64xf32, #tpu.memory_space<hbm>>)
    %dma_wait3A_449 = arith.constant 1 : i32
    %dma_wait3A_450 = arith.constant 0 : i32
    %dma_wait3A_451 = arith.constant 0 : i32
    %dma_wait3A_452 = tpu.memref_slice %arg10[%dma_wait3A_449, %dma_wait3A_450, %dma_wait3A_451] : memref<4x128x64xf32, #tpu.memory_space<vmem>> -> memref<1x128x64xf32, #tpu.memory_space<vmem>>
    %dma_wait3A_453 = tpu.memref_squeeze %dma_wait3A_452 : memref<1x128x64xf32, #tpu.memory_space<vmem>> -> memref<128x64xf32, #tpu.memory_space<vmem>>
    %dma_wait3A_454 = arith.constant 0 : i32
    %dma_wait3A_455 = arith.constant 0 : i32
    %dma_wait3A_456 = tpu.memref_slice %arg6[%sub3A_192, %dma_wait3A_454, %dma_wait3A_455] : memref<256x128x64xf32, #tpu.memory_space<hbm>> -> memref<1x128x64xf32, #tpu.memory_space<hbm>>
    %dma_wait3A_457 = tpu.memref_squeeze %dma_wait3A_456 : memref<1x128x64xf32, #tpu.memory_space<hbm>> -> memref<128x64xf32, #tpu.memory_space<hbm>>
    %dma_wait3A_458 = arith.constant 0 : i32
    %dma_wait3A_459 = arith.constant 0 : i32
    %dma_wait3A_460 = tpu.memref_slice %arg6[%sub3A_192, %dma_wait3A_458, %dma_wait3A_459] : memref<256x128x64xf32, #tpu.memory_space<hbm>> -> memref<1x128x64xf32, #tpu.memory_space<hbm>>
    %dma_wait3A_461 = tpu.memref_squeeze %dma_wait3A_460 : memref<1x128x64xf32, #tpu.memory_space<hbm>> -> memref<128x64xf32, #tpu.memory_space<hbm>>
    %dma_wait3A_462 = arith.constant 0 : i32
    %dma_wait3A_463 = arith.constant 0 : i32
    %dma_wait3A_464 = tpu.memref_slice %arg10[%dma_wait3A_449, %dma_wait3A_462, %dma_wait3A_463] : memref<4x128x64xf32, #tpu.memory_space<vmem>> -> memref<1x128x64xf32, #tpu.memory_space<vmem>>
    %dma_wait3A_465 = tpu.memref_squeeze %dma_wait3A_464 : memref<1x128x64xf32, #tpu.memory_space<vmem>> -> memref<128x64xf32, #tpu.memory_space<vmem>>
    tpu.wait_dma2 semaphore(%arg24 : memref<!tpu.dma_semaphore, #tpu.memory_space<semaphore_mem>>) src(%dma_wait3A_465 : memref<128x64xf32, #tpu.memory_space<vmem>>) dst(%dma_wait3A_461 : memref<128x64xf32, #tpu.memory_space<hbm>>)
    %dma_start3A_466 = arith.constant 5 : i32
    %dma_start3A_467 = arith.constant 1 : i32
    %dma_start3A_468 = arith.constant 0 : i32
    %dma_start3A_469 = arith.constant 0 : i32
    %dma_start3A_470 = tpu.memref_slice %arg9[%dma_start3A_467, %dma_start3A_468, %dma_start3A_469] : memref<4x128x64xf32, #tpu.memory_space<vmem>> -> memref<1x128x64xf32, #tpu.memory_space<vmem>>
    %dma_start3A_471 = tpu.memref_squeeze %dma_start3A_470 : memref<1x128x64xf32, #tpu.memory_space<vmem>> -> memref<128x64xf32, #tpu.memory_space<vmem>>
    %dma_start3A_472 = arith.constant 0 : i32
    %dma_start3A_473 = tpu.memref_slice %arg7[%dma_start3A_466, %dma_start3A_472] : memref<8x128xi32, #tpu.memory_space<vmem>> -> memref<1x128xi32, #tpu.memory_space<vmem>>
    %dma_start3A_474 = tpu.memref_squeeze %dma_start3A_473 : memref<1x128xi32, #tpu.memory_space<vmem>> -> memref<128xi32, #tpu.memory_space<vmem>>
    %dma_start3A_475 = arith.constant 0 : i32
    %dma_start3A_476 = arith.constant 0 : i32
    %dma_start3A_477 = tpu.memref_slice %arg2[%dma_start3A_475, %dma_start3A_476] : memref<32768x64xf32, #tpu.memory_space<hbm>> -> memref<32768x64xf32, #tpu.memory_space<hbm>>
    tpu.enqueue_indirect_dma source(%dma_start3A_477 : memref<32768x64xf32, #tpu.memory_space<hbm>>) target(%dma_start3A_471 : memref<128x64xf32, #tpu.memory_space<vmem>>) offsets(%dma_start3A_474 : memref<128xi32, #tpu.memory_space<vmem>>) semaphore(%arg12 : memref<!tpu.dma_semaphore, #tpu.memory_space<semaphore_mem>>)
    %dma_start3A_478 = arith.constant 5 : i32
    %dma_start3A_479 = arith.constant 1 : i32
    %dma_start3A_480 = arith.constant 0 : i32
    %dma_start3A_481 = arith.constant 0 : i32
    %dma_start3A_482 = tpu.memref_slice %arg10[%dma_start3A_479, %dma_start3A_480, %dma_start3A_481] : memref<4x128x64xf32, #tpu.memory_space<vmem>> -> memref<1x128x64xf32, #tpu.memory_space<vmem>>
    %dma_start3A_483 = tpu.memref_squeeze %dma_start3A_482 : memref<1x128x64xf32, #tpu.memory_space<vmem>> -> memref<128x64xf32, #tpu.memory_space<vmem>>
    %dma_start3A_484 = arith.constant 0 : i32
    %dma_start3A_485 = tpu.memref_slice %arg8[%dma_start3A_478, %dma_start3A_484] : memref<8x128xi32, #tpu.memory_space<vmem>> -> memref<1x128xi32, #tpu.memory_space<vmem>>
    %dma_start3A_486 = tpu.memref_squeeze %dma_start3A_485 : memref<1x128xi32, #tpu.memory_space<vmem>> -> memref<128xi32, #tpu.memory_space<vmem>>
    %dma_start3A_487 = arith.constant 0 : i32
    %dma_start3A_488 = arith.constant 0 : i32
    %dma_start3A_489 = tpu.memref_slice %arg2[%dma_start3A_487, %dma_start3A_488] : memref<32768x64xf32, #tpu.memory_space<hbm>> -> memref<32768x64xf32, #tpu.memory_space<hbm>>
    tpu.enqueue_indirect_dma source(%dma_start3A_489 : memref<32768x64xf32, #tpu.memory_space<hbm>>) target(%dma_start3A_483 : memref<128x64xf32, #tpu.memory_space<vmem>>) offsets(%dma_start3A_486 : memref<128xi32, #tpu.memory_space<vmem>>) semaphore(%arg16 : memref<!tpu.dma_semaphore, #tpu.memory_space<semaphore_mem>>)
    %dma_wait3A_490 = arith.constant 4 : i32
    %dma_wait3A_491 = arith.constant 0 : i32
    %dma_wait3A_492 = arith.constant 0 : i32
    %dma_wait3A_493 = arith.constant 0 : i32
    %dma_wait3A_494 = tpu.memref_slice %arg9[%dma_wait3A_491, %dma_wait3A_492, %dma_wait3A_493] : memref<4x128x64xf32, #tpu.memory_space<vmem>> -> memref<1x128x64xf32, #tpu.memory_space<vmem>>
    %dma_wait3A_495 = tpu.memref_squeeze %dma_wait3A_494 : memref<1x128x64xf32, #tpu.memory_space<vmem>> -> memref<128x64xf32, #tpu.memory_space<vmem>>
    %dma_wait3A_496 = arith.constant 0 : i32
    %dma_wait3A_497 = tpu.memref_slice %arg7[%dma_wait3A_490, %dma_wait3A_496] : memref<8x128xi32, #tpu.memory_space<vmem>> -> memref<1x128xi32, #tpu.memory_space<vmem>>
    %dma_wait3A_498 = tpu.memref_squeeze %dma_wait3A_497 : memref<1x128xi32, #tpu.memory_space<vmem>> -> memref<128xi32, #tpu.memory_space<vmem>>
    %dma_wait3A_499 = arith.constant 0 : i32
    %dma_wait3A_500 = arith.constant 0 : i32
    %dma_wait3A_501 = tpu.memref_slice %arg2[%dma_wait3A_499, %dma_wait3A_500] : memref<32768x64xf32, #tpu.memory_space<hbm>> -> memref<32768x64xf32, #tpu.memory_space<hbm>>
    tpu.wait_indirect_dma semaphore(%arg11 : memref<!tpu.dma_semaphore, #tpu.memory_space<semaphore_mem>>) src(%dma_wait3A_501 : memref<32768x64xf32, #tpu.memory_space<hbm>>) dst(%dma_wait3A_495 : memref<128x64xf32, #tpu.memory_space<vmem>>)
    %mul3A_502 = arith.constant 8 : i32
    %mul3A_503 = arith.muli %add3A, %mul3A_502 : i32
    %add3A_504 = arith.constant 5 : i32
    %add3A_505 = arith.addi %mul3A_503, %add3A_504 : i32
    %sub3A_506 = arith.constant 1 : i32
    %sub3A_507 = arith.subi %add3A_505, %sub3A_506 : i32
    %dma_start3A_508 = arith.constant 0 : i32
    %dma_start3A_509 = arith.constant 0 : i32
    %dma_start3A_510 = arith.constant 0 : i32
    %dma_start3A_511 = tpu.memref_slice %arg9[%dma_start3A_508, %dma_start3A_509, %dma_start3A_510] : memref<4x128x64xf32, #tpu.memory_space<vmem>> -> memref<1x128x64xf32, #tpu.memory_space<vmem>>
    %dma_start3A_512 = tpu.memref_squeeze %dma_start3A_511 : memref<1x128x64xf32, #tpu.memory_space<vmem>> -> memref<128x64xf32, #tpu.memory_space<vmem>>
    %dma_start3A_513 = arith.constant 0 : i32
    %dma_start3A_514 = arith.constant 0 : i32
    %dma_start3A_515 = tpu.memref_slice %arg5[%sub3A_507, %dma_start3A_513, %dma_start3A_514] : memref<256x128x64xf32, #tpu.memory_space<hbm>> -> memref<1x128x64xf32, #tpu.memory_space<hbm>>
    %dma_start3A_516 = tpu.memref_squeeze %dma_start3A_515 : memref<1x128x64xf32, #tpu.memory_space<hbm>> -> memref<128x64xf32, #tpu.memory_space<hbm>>
    %dma_start3A_517 = arith.constant 0 : i32
    %dma_start3A_518 = arith.constant 0 : i32
    %dma_start3A_519 = tpu.memref_slice %arg5[%sub3A_507, %dma_start3A_517, %dma_start3A_518] : memref<256x128x64xf32, #tpu.memory_space<hbm>> -> memref<1x128x64xf32, #tpu.memory_space<hbm>>
    %dma_start3A_520 = tpu.memref_squeeze %dma_start3A_519 : memref<1x128x64xf32, #tpu.memory_space<hbm>> -> memref<128x64xf32, #tpu.memory_space<hbm>>
    %dma_start3A_521 = arith.constant 0 : i32
    %dma_start3A_522 = arith.constant 0 : i32
    %dma_start3A_523 = tpu.memref_slice %arg9[%dma_start3A_508, %dma_start3A_521, %dma_start3A_522] : memref<4x128x64xf32, #tpu.memory_space<vmem>> -> memref<1x128x64xf32, #tpu.memory_space<vmem>>
    %dma_start3A_524 = tpu.memref_squeeze %dma_start3A_523 : memref<1x128x64xf32, #tpu.memory_space<vmem>> -> memref<128x64xf32, #tpu.memory_space<vmem>>
    tpu.enqueue_dma source(%dma_start3A_524 : memref<128x64xf32, #tpu.memory_space<vmem>>) target(%dma_start3A_520 : memref<128x64xf32, #tpu.memory_space<hbm>>) target_semaphore(%arg19 : memref<!tpu.dma_semaphore, #tpu.memory_space<semaphore_mem>>)
    %dma_wait3A_525 = arith.constant 4 : i32
    %dma_wait3A_526 = arith.constant 0 : i32
    %dma_wait3A_527 = arith.constant 0 : i32
    %dma_wait3A_528 = arith.constant 0 : i32
    %dma_wait3A_529 = tpu.memref_slice %arg10[%dma_wait3A_526, %dma_wait3A_527, %dma_wait3A_528] : memref<4x128x64xf32, #tpu.memory_space<vmem>> -> memref<1x128x64xf32, #tpu.memory_space<vmem>>
    %dma_wait3A_530 = tpu.memref_squeeze %dma_wait3A_529 : memref<1x128x64xf32, #tpu.memory_space<vmem>> -> memref<128x64xf32, #tpu.memory_space<vmem>>
    %dma_wait3A_531 = arith.constant 0 : i32
    %dma_wait3A_532 = tpu.memref_slice %arg8[%dma_wait3A_525, %dma_wait3A_531] : memref<8x128xi32, #tpu.memory_space<vmem>> -> memref<1x128xi32, #tpu.memory_space<vmem>>
    %dma_wait3A_533 = tpu.memref_squeeze %dma_wait3A_532 : memref<1x128xi32, #tpu.memory_space<vmem>> -> memref<128xi32, #tpu.memory_space<vmem>>
    %dma_wait3A_534 = arith.constant 0 : i32
    %dma_wait3A_535 = arith.constant 0 : i32
    %dma_wait3A_536 = tpu.memref_slice %arg2[%dma_wait3A_534, %dma_wait3A_535] : memref<32768x64xf32, #tpu.memory_space<hbm>> -> memref<32768x64xf32, #tpu.memory_space<hbm>>
    tpu.wait_indirect_dma semaphore(%arg15 : memref<!tpu.dma_semaphore, #tpu.memory_space<semaphore_mem>>) src(%dma_wait3A_536 : memref<32768x64xf32, #tpu.memory_space<hbm>>) dst(%dma_wait3A_530 : memref<128x64xf32, #tpu.memory_space<vmem>>)
    %mul3A_537 = arith.constant 8 : i32
    %mul3A_538 = arith.muli %add3A, %mul3A_537 : i32
    %add3A_539 = arith.constant 5 : i32
    %add3A_540 = arith.addi %mul3A_538, %add3A_539 : i32
    %sub3A_541 = arith.constant 1 : i32
    %sub3A_542 = arith.subi %add3A_540, %sub3A_541 : i32
    %dma_start3A_543 = arith.constant 0 : i32
    %dma_start3A_544 = arith.constant 0 : i32
    %dma_start3A_545 = arith.constant 0 : i32
    %dma_start3A_546 = tpu.memref_slice %arg10[%dma_start3A_543, %dma_start3A_544, %dma_start3A_545] : memref<4x128x64xf32, #tpu.memory_space<vmem>> -> memref<1x128x64xf32, #tpu.memory_space<vmem>>
    %dma_start3A_547 = tpu.memref_squeeze %dma_start3A_546 : memref<1x128x64xf32, #tpu.memory_space<vmem>> -> memref<128x64xf32, #tpu.memory_space<vmem>>
    %dma_start3A_548 = arith.constant 0 : i32
    %dma_start3A_549 = arith.constant 0 : i32
    %dma_start3A_550 = tpu.memref_slice %arg6[%sub3A_542, %dma_start3A_548, %dma_start3A_549] : memref<256x128x64xf32, #tpu.memory_space<hbm>> -> memref<1x128x64xf32, #tpu.memory_space<hbm>>
    %dma_start3A_551 = tpu.memref_squeeze %dma_start3A_550 : memref<1x128x64xf32, #tpu.memory_space<hbm>> -> memref<128x64xf32, #tpu.memory_space<hbm>>
    %dma_start3A_552 = arith.constant 0 : i32
    %dma_start3A_553 = arith.constant 0 : i32
    %dma_start3A_554 = tpu.memref_slice %arg6[%sub3A_542, %dma_start3A_552, %dma_start3A_553] : memref<256x128x64xf32, #tpu.memory_space<hbm>> -> memref<1x128x64xf32, #tpu.memory_space<hbm>>
    %dma_start3A_555 = tpu.memref_squeeze %dma_start3A_554 : memref<1x128x64xf32, #tpu.memory_space<hbm>> -> memref<128x64xf32, #tpu.memory_space<hbm>>
    %dma_start3A_556 = arith.constant 0 : i32
    %dma_start3A_557 = arith.constant 0 : i32
    %dma_start3A_558 = tpu.memref_slice %arg10[%dma_start3A_543, %dma_start3A_556, %dma_start3A_557] : memref<4x128x64xf32, #tpu.memory_space<vmem>> -> memref<1x128x64xf32, #tpu.memory_space<vmem>>
    %dma_start3A_559 = tpu.memref_squeeze %dma_start3A_558 : memref<1x128x64xf32, #tpu.memory_space<vmem>> -> memref<128x64xf32, #tpu.memory_space<vmem>>
    tpu.enqueue_dma source(%dma_start3A_559 : memref<128x64xf32, #tpu.memory_space<vmem>>) target(%dma_start3A_555 : memref<128x64xf32, #tpu.memory_space<hbm>>) target_semaphore(%arg23 : memref<!tpu.dma_semaphore, #tpu.memory_space<semaphore_mem>>)
    %dma_wait3A_560 = arith.constant 2 : i32
    %dma_wait3A_561 = arith.constant 0 : i32
    %dma_wait3A_562 = arith.constant 0 : i32
    %dma_wait3A_563 = tpu.memref_slice %arg9[%dma_wait3A_560, %dma_wait3A_561, %dma_wait3A_562] : memref<4x128x64xf32, #tpu.memory_space<vmem>> -> memref<1x128x64xf32, #tpu.memory_space<vmem>>
    %dma_wait3A_564 = tpu.memref_squeeze %dma_wait3A_563 : memref<1x128x64xf32, #tpu.memory_space<vmem>> -> memref<128x64xf32, #tpu.memory_space<vmem>>
    %dma_wait3A_565 = arith.constant 0 : i32
    %dma_wait3A_566 = arith.constant 0 : i32
    %dma_wait3A_567 = tpu.memref_slice %arg5[%sub3A_251, %dma_wait3A_565, %dma_wait3A_566] : memref<256x128x64xf32, #tpu.memory_space<hbm>> -> memref<1x128x64xf32, #tpu.memory_space<hbm>>
    %dma_wait3A_568 = tpu.memref_squeeze %dma_wait3A_567 : memref<1x128x64xf32, #tpu.memory_space<hbm>> -> memref<128x64xf32, #tpu.memory_space<hbm>>
    %dma_wait3A_569 = arith.constant 0 : i32
    %dma_wait3A_570 = arith.constant 0 : i32
    %dma_wait3A_571 = tpu.memref_slice %arg5[%sub3A_251, %dma_wait3A_569, %dma_wait3A_570] : memref<256x128x64xf32, #tpu.memory_space<hbm>> -> memref<1x128x64xf32, #tpu.memory_space<hbm>>
    %dma_wait3A_572 = tpu.memref_squeeze %dma_wait3A_571 : memref<1x128x64xf32, #tpu.memory_space<hbm>> -> memref<128x64xf32, #tpu.memory_space<hbm>>
    %dma_wait3A_573 = arith.constant 0 : i32
    %dma_wait3A_574 = arith.constant 0 : i32
    %dma_wait3A_575 = tpu.memref_slice %arg9[%dma_wait3A_560, %dma_wait3A_573, %dma_wait3A_574] : memref<4x128x64xf32, #tpu.memory_space<vmem>> -> memref<1x128x64xf32, #tpu.memory_space<vmem>>
    %dma_wait3A_576 = tpu.memref_squeeze %dma_wait3A_575 : memref<1x128x64xf32, #tpu.memory_space<vmem>> -> memref<128x64xf32, #tpu.memory_space<vmem>>
    tpu.wait_dma2 semaphore(%arg21 : memref<!tpu.dma_semaphore, #tpu.memory_space<semaphore_mem>>) src(%dma_wait3A_576 : memref<128x64xf32, #tpu.memory_space<vmem>>) dst(%dma_wait3A_572 : memref<128x64xf32, #tpu.memory_space<hbm>>)
    %dma_wait3A_577 = arith.constant 2 : i32
    %dma_wait3A_578 = arith.constant 0 : i32
    %dma_wait3A_579 = arith.constant 0 : i32
    %dma_wait3A_580 = tpu.memref_slice %arg10[%dma_wait3A_577, %dma_wait3A_578, %dma_wait3A_579] : memref<4x128x64xf32, #tpu.memory_space<vmem>> -> memref<1x128x64xf32, #tpu.memory_space<vmem>>
    %dma_wait3A_581 = tpu.memref_squeeze %dma_wait3A_580 : memref<1x128x64xf32, #tpu.memory_space<vmem>> -> memref<128x64xf32, #tpu.memory_space<vmem>>
    %dma_wait3A_582 = arith.constant 0 : i32
    %dma_wait3A_583 = arith.constant 0 : i32
    %dma_wait3A_584 = tpu.memref_slice %arg6[%sub3A_286, %dma_wait3A_582, %dma_wait3A_583] : memref<256x128x64xf32, #tpu.memory_space<hbm>> -> memref<1x128x64xf32, #tpu.memory_space<hbm>>
    %dma_wait3A_585 = tpu.memref_squeeze %dma_wait3A_584 : memref<1x128x64xf32, #tpu.memory_space<hbm>> -> memref<128x64xf32, #tpu.memory_space<hbm>>
    %dma_wait3A_586 = arith.constant 0 : i32
    %dma_wait3A_587 = arith.constant 0 : i32
    %dma_wait3A_588 = tpu.memref_slice %arg6[%sub3A_286, %dma_wait3A_586, %dma_wait3A_587] : memref<256x128x64xf32, #tpu.memory_space<hbm>> -> memref<1x128x64xf32, #tpu.memory_space<hbm>>
    %dma_wait3A_589 = tpu.memref_squeeze %dma_wait3A_588 : memref<1x128x64xf32, #tpu.memory_space<hbm>> -> memref<128x64xf32, #tpu.memory_space<hbm>>
    %dma_wait3A_590 = arith.constant 0 : i32
    %dma_wait3A_591 = arith.constant 0 : i32
    %dma_wait3A_592 = tpu.memref_slice %arg10[%dma_wait3A_577, %dma_wait3A_590, %dma_wait3A_591] : memref<4x128x64xf32, #tpu.memory_space<vmem>> -> memref<1x128x64xf32, #tpu.memory_space<vmem>>
    %dma_wait3A_593 = tpu.memref_squeeze %dma_wait3A_592 : memref<1x128x64xf32, #tpu.memory_space<vmem>> -> memref<128x64xf32, #tpu.memory_space<vmem>>
    tpu.wait_dma2 semaphore(%arg25 : memref<!tpu.dma_semaphore, #tpu.memory_space<semaphore_mem>>) src(%dma_wait3A_593 : memref<128x64xf32, #tpu.memory_space<vmem>>) dst(%dma_wait3A_589 : memref<128x64xf32, #tpu.memory_space<hbm>>)
    %dma_start3A_594 = arith.constant 6 : i32
    %dma_start3A_595 = arith.constant 2 : i32
    %dma_start3A_596 = arith.constant 0 : i32
    %dma_start3A_597 = arith.constant 0 : i32
    %dma_start3A_598 = tpu.memref_slice %arg9[%dma_start3A_595, %dma_start3A_596, %dma_start3A_597] : memref<4x128x64xf32, #tpu.memory_space<vmem>> -> memref<1x128x64xf32, #tpu.memory_space<vmem>>
    %dma_start3A_599 = tpu.memref_squeeze %dma_start3A_598 : memref<1x128x64xf32, #tpu.memory_space<vmem>> -> memref<128x64xf32, #tpu.memory_space<vmem>>
    %dma_start3A_600 = arith.constant 0 : i32
    %dma_start3A_601 = tpu.memref_slice %arg7[%dma_start3A_594, %dma_start3A_600] : memref<8x128xi32, #tpu.memory_space<vmem>> -> memref<1x128xi32, #tpu.memory_space<vmem>>
    %dma_start3A_602 = tpu.memref_squeeze %dma_start3A_601 : memref<1x128xi32, #tpu.memory_space<vmem>> -> memref<128xi32, #tpu.memory_space<vmem>>
    %dma_start3A_603 = arith.constant 0 : i32
    %dma_start3A_604 = arith.constant 0 : i32
    %dma_start3A_605 = tpu.memref_slice %arg2[%dma_start3A_603, %dma_start3A_604] : memref<32768x64xf32, #tpu.memory_space<hbm>> -> memref<32768x64xf32, #tpu.memory_space<hbm>>
    tpu.enqueue_indirect_dma source(%dma_start3A_605 : memref<32768x64xf32, #tpu.memory_space<hbm>>) target(%dma_start3A_599 : memref<128x64xf32, #tpu.memory_space<vmem>>) offsets(%dma_start3A_602 : memref<128xi32, #tpu.memory_space<vmem>>) semaphore(%arg13 : memref<!tpu.dma_semaphore, #tpu.memory_space<semaphore_mem>>)
    %dma_start3A_606 = arith.constant 6 : i32
    %dma_start3A_607 = arith.constant 2 : i32
    %dma_start3A_608 = arith.constant 0 : i32
    %dma_start3A_609 = arith.constant 0 : i32
    %dma_start3A_610 = tpu.memref_slice %arg10[%dma_start3A_607, %dma_start3A_608, %dma_start3A_609] : memref<4x128x64xf32, #tpu.memory_space<vmem>> -> memref<1x128x64xf32, #tpu.memory_space<vmem>>
    %dma_start3A_611 = tpu.memref_squeeze %dma_start3A_610 : memref<1x128x64xf32, #tpu.memory_space<vmem>> -> memref<128x64xf32, #tpu.memory_space<vmem>>
    %dma_start3A_612 = arith.constant 0 : i32
    %dma_start3A_613 = tpu.memref_slice %arg8[%dma_start3A_606, %dma_start3A_612] : memref<8x128xi32, #tpu.memory_space<vmem>> -> memref<1x128xi32, #tpu.memory_space<vmem>>
    %dma_start3A_614 = tpu.memref_squeeze %dma_start3A_613 : memref<1x128xi32, #tpu.memory_space<vmem>> -> memref<128xi32, #tpu.memory_space<vmem>>
    %dma_start3A_615 = arith.constant 0 : i32
    %dma_start3A_616 = arith.constant 0 : i32
    %dma_start3A_617 = tpu.memref_slice %arg2[%dma_start3A_615, %dma_start3A_616] : memref<32768x64xf32, #tpu.memory_space<hbm>> -> memref<32768x64xf32, #tpu.memory_space<hbm>>
    tpu.enqueue_indirect_dma source(%dma_start3A_617 : memref<32768x64xf32, #tpu.memory_space<hbm>>) target(%dma_start3A_611 : memref<128x64xf32, #tpu.memory_space<vmem>>) offsets(%dma_start3A_614 : memref<128xi32, #tpu.memory_space<vmem>>) semaphore(%arg17 : memref<!tpu.dma_semaphore, #tpu.memory_space<semaphore_mem>>)
    %dma_wait3A_618 = arith.constant 5 : i32
    %dma_wait3A_619 = arith.constant 1 : i32
    %dma_wait3A_620 = arith.constant 0 : i32
    %dma_wait3A_621 = arith.constant 0 : i32
    %dma_wait3A_622 = tpu.memref_slice %arg9[%dma_wait3A_619, %dma_wait3A_620, %dma_wait3A_621] : memref<4x128x64xf32, #tpu.memory_space<vmem>> -> memref<1x128x64xf32, #tpu.memory_space<vmem>>
    %dma_wait3A_623 = tpu.memref_squeeze %dma_wait3A_622 : memref<1x128x64xf32, #tpu.memory_space<vmem>> -> memref<128x64xf32, #tpu.memory_space<vmem>>
    %dma_wait3A_624 = arith.constant 0 : i32
    %dma_wait3A_625 = tpu.memref_slice %arg7[%dma_wait3A_618, %dma_wait3A_624] : memref<8x128xi32, #tpu.memory_space<vmem>> -> memref<1x128xi32, #tpu.memory_space<vmem>>
    %dma_wait3A_626 = tpu.memref_squeeze %dma_wait3A_625 : memref<1x128xi32, #tpu.memory_space<vmem>> -> memref<128xi32, #tpu.memory_space<vmem>>
    %dma_wait3A_627 = arith.constant 0 : i32
    %dma_wait3A_628 = arith.constant 0 : i32
    %dma_wait3A_629 = tpu.memref_slice %arg2[%dma_wait3A_627, %dma_wait3A_628] : memref<32768x64xf32, #tpu.memory_space<hbm>> -> memref<32768x64xf32, #tpu.memory_space<hbm>>
    tpu.wait_indirect_dma semaphore(%arg12 : memref<!tpu.dma_semaphore, #tpu.memory_space<semaphore_mem>>) src(%dma_wait3A_629 : memref<32768x64xf32, #tpu.memory_space<hbm>>) dst(%dma_wait3A_623 : memref<128x64xf32, #tpu.memory_space<vmem>>)
    %mul3A_630 = arith.constant 8 : i32
    %mul3A_631 = arith.muli %add3A, %mul3A_630 : i32
    %add3A_632 = arith.constant 6 : i32
    %add3A_633 = arith.addi %mul3A_631, %add3A_632 : i32
    %sub3A_634 = arith.constant 1 : i32
    %sub3A_635 = arith.subi %add3A_633, %sub3A_634 : i32
    %dma_start3A_636 = arith.constant 1 : i32
    %dma_start3A_637 = arith.constant 0 : i32
    %dma_start3A_638 = arith.constant 0 : i32
    %dma_start3A_639 = tpu.memref_slice %arg9[%dma_start3A_636, %dma_start3A_637, %dma_start3A_638] : memref<4x128x64xf32, #tpu.memory_space<vmem>> -> memref<1x128x64xf32, #tpu.memory_space<vmem>>
    %dma_start3A_640 = tpu.memref_squeeze %dma_start3A_639 : memref<1x128x64xf32, #tpu.memory_space<vmem>> -> memref<128x64xf32, #tpu.memory_space<vmem>>
    %dma_start3A_641 = arith.constant 0 : i32
    %dma_start3A_642 = arith.constant 0 : i32
    %dma_start3A_643 = tpu.memref_slice %arg5[%sub3A_635, %dma_start3A_641, %dma_start3A_642] : memref<256x128x64xf32, #tpu.memory_space<hbm>> -> memref<1x128x64xf32, #tpu.memory_space<hbm>>
    %dma_start3A_644 = tpu.memref_squeeze %dma_start3A_643 : memref<1x128x64xf32, #tpu.memory_space<hbm>> -> memref<128x64xf32, #tpu.memory_space<hbm>>
    %dma_start3A_645 = arith.constant 0 : i32
    %dma_start3A_646 = arith.constant 0 : i32
    %dma_start3A_647 = tpu.memref_slice %arg5[%sub3A_635, %dma_start3A_645, %dma_start3A_646] : memref<256x128x64xf32, #tpu.memory_space<hbm>> -> memref<1x128x64xf32, #tpu.memory_space<hbm>>
    %dma_start3A_648 = tpu.memref_squeeze %dma_start3A_647 : memref<1x128x64xf32, #tpu.memory_space<hbm>> -> memref<128x64xf32, #tpu.memory_space<hbm>>
    %dma_start3A_649 = arith.constant 0 : i32
    %dma_start3A_650 = arith.constant 0 : i32
    %dma_start3A_651 = tpu.memref_slice %arg9[%dma_start3A_636, %dma_start3A_649, %dma_start3A_650] : memref<4x128x64xf32, #tpu.memory_space<vmem>> -> memref<1x128x64xf32, #tpu.memory_space<vmem>>
    %dma_start3A_652 = tpu.memref_squeeze %dma_start3A_651 : memref<1x128x64xf32, #tpu.memory_space<vmem>> -> memref<128x64xf32, #tpu.memory_space<vmem>>
    tpu.enqueue_dma source(%dma_start3A_652 : memref<128x64xf32, #tpu.memory_space<vmem>>) target(%dma_start3A_648 : memref<128x64xf32, #tpu.memory_space<hbm>>) target_semaphore(%arg20 : memref<!tpu.dma_semaphore, #tpu.memory_space<semaphore_mem>>)
    %dma_wait3A_653 = arith.constant 5 : i32
    %dma_wait3A_654 = arith.constant 1 : i32
    %dma_wait3A_655 = arith.constant 0 : i32
    %dma_wait3A_656 = arith.constant 0 : i32
    %dma_wait3A_657 = tpu.memref_slice %arg10[%dma_wait3A_654, %dma_wait3A_655, %dma_wait3A_656] : memref<4x128x64xf32, #tpu.memory_space<vmem>> -> memref<1x128x64xf32, #tpu.memory_space<vmem>>
    %dma_wait3A_658 = tpu.memref_squeeze %dma_wait3A_657 : memref<1x128x64xf32, #tpu.memory_space<vmem>> -> memref<128x64xf32, #tpu.memory_space<vmem>>
    %dma_wait3A_659 = arith.constant 0 : i32
    %dma_wait3A_660 = tpu.memref_slice %arg8[%dma_wait3A_653, %dma_wait3A_659] : memref<8x128xi32, #tpu.memory_space<vmem>> -> memref<1x128xi32, #tpu.memory_space<vmem>>
    %dma_wait3A_661 = tpu.memref_squeeze %dma_wait3A_660 : memref<1x128xi32, #tpu.memory_space<vmem>> -> memref<128xi32, #tpu.memory_space<vmem>>
    %dma_wait3A_662 = arith.constant 0 : i32
    %dma_wait3A_663 = arith.constant 0 : i32
    %dma_wait3A_664 = tpu.memref_slice %arg2[%dma_wait3A_662, %dma_wait3A_663] : memref<32768x64xf32, #tpu.memory_space<hbm>> -> memref<32768x64xf32, #tpu.memory_space<hbm>>
    tpu.wait_indirect_dma semaphore(%arg16 : memref<!tpu.dma_semaphore, #tpu.memory_space<semaphore_mem>>) src(%dma_wait3A_664 : memref<32768x64xf32, #tpu.memory_space<hbm>>) dst(%dma_wait3A_658 : memref<128x64xf32, #tpu.memory_space<vmem>>)
    %mul3A_665 = arith.constant 8 : i32
    %mul3A_666 = arith.muli %add3A, %mul3A_665 : i32
    %add3A_667 = arith.constant 6 : i32
    %add3A_668 = arith.addi %mul3A_666, %add3A_667 : i32
    %sub3A_669 = arith.constant 1 : i32
    %sub3A_670 = arith.subi %add3A_668, %sub3A_669 : i32
    %dma_start3A_671 = arith.constant 1 : i32
    %dma_start3A_672 = arith.constant 0 : i32
    %dma_start3A_673 = arith.constant 0 : i32
    %dma_start3A_674 = tpu.memref_slice %arg10[%dma_start3A_671, %dma_start3A_672, %dma_start3A_673] : memref<4x128x64xf32, #tpu.memory_space<vmem>> -> memref<1x128x64xf32, #tpu.memory_space<vmem>>
    %dma_start3A_675 = tpu.memref_squeeze %dma_start3A_674 : memref<1x128x64xf32, #tpu.memory_space<vmem>> -> memref<128x64xf32, #tpu.memory_space<vmem>>
    %dma_start3A_676 = arith.constant 0 : i32
    %dma_start3A_677 = arith.constant 0 : i32
    %dma_start3A_678 = tpu.memref_slice %arg6[%sub3A_670, %dma_start3A_676, %dma_start3A_677] : memref<256x128x64xf32, #tpu.memory_space<hbm>> -> memref<1x128x64xf32, #tpu.memory_space<hbm>>
    %dma_start3A_679 = tpu.memref_squeeze %dma_start3A_678 : memref<1x128x64xf32, #tpu.memory_space<hbm>> -> memref<128x64xf32, #tpu.memory_space<hbm>>
    %dma_start3A_680 = arith.constant 0 : i32
    %dma_start3A_681 = arith.constant 0 : i32
    %dma_start3A_682 = tpu.memref_slice %arg6[%sub3A_670, %dma_start3A_680, %dma_start3A_681] : memref<256x128x64xf32, #tpu.memory_space<hbm>> -> memref<1x128x64xf32, #tpu.memory_space<hbm>>
    %dma_start3A_683 = tpu.memref_squeeze %dma_start3A_682 : memref<1x128x64xf32, #tpu.memory_space<hbm>> -> memref<128x64xf32, #tpu.memory_space<hbm>>
    %dma_start3A_684 = arith.constant 0 : i32
    %dma_start3A_685 = arith.constant 0 : i32
    %dma_start3A_686 = tpu.memref_slice %arg10[%dma_start3A_671, %dma_start3A_684, %dma_start3A_685] : memref<4x128x64xf32, #tpu.memory_space<vmem>> -> memref<1x128x64xf32, #tpu.memory_space<vmem>>
    %dma_start3A_687 = tpu.memref_squeeze %dma_start3A_686 : memref<1x128x64xf32, #tpu.memory_space<vmem>> -> memref<128x64xf32, #tpu.memory_space<vmem>>
    tpu.enqueue_dma source(%dma_start3A_687 : memref<128x64xf32, #tpu.memory_space<vmem>>) target(%dma_start3A_683 : memref<128x64xf32, #tpu.memory_space<hbm>>) target_semaphore(%arg24 : memref<!tpu.dma_semaphore, #tpu.memory_space<semaphore_mem>>)
    %dma_wait3A_688 = arith.constant 3 : i32
    %dma_wait3A_689 = arith.constant 0 : i32
    %dma_wait3A_690 = arith.constant 0 : i32
    %dma_wait3A_691 = tpu.memref_slice %arg9[%dma_wait3A_688, %dma_wait3A_689, %dma_wait3A_690] : memref<4x128x64xf32, #tpu.memory_space<vmem>> -> memref<1x128x64xf32, #tpu.memory_space<vmem>>
    %dma_wait3A_692 = tpu.memref_squeeze %dma_wait3A_691 : memref<1x128x64xf32, #tpu.memory_space<vmem>> -> memref<128x64xf32, #tpu.memory_space<vmem>>
    %dma_wait3A_693 = arith.constant 0 : i32
    %dma_wait3A_694 = arith.constant 0 : i32
    %dma_wait3A_695 = tpu.memref_slice %arg5[%sub3A_379, %dma_wait3A_693, %dma_wait3A_694] : memref<256x128x64xf32, #tpu.memory_space<hbm>> -> memref<1x128x64xf32, #tpu.memory_space<hbm>>
    %dma_wait3A_696 = tpu.memref_squeeze %dma_wait3A_695 : memref<1x128x64xf32, #tpu.memory_space<hbm>> -> memref<128x64xf32, #tpu.memory_space<hbm>>
    %dma_wait3A_697 = arith.constant 0 : i32
    %dma_wait3A_698 = arith.constant 0 : i32
    %dma_wait3A_699 = tpu.memref_slice %arg5[%sub3A_379, %dma_wait3A_697, %dma_wait3A_698] : memref<256x128x64xf32, #tpu.memory_space<hbm>> -> memref<1x128x64xf32, #tpu.memory_space<hbm>>
    %dma_wait3A_700 = tpu.memref_squeeze %dma_wait3A_699 : memref<1x128x64xf32, #tpu.memory_space<hbm>> -> memref<128x64xf32, #tpu.memory_space<hbm>>
    %dma_wait3A_701 = arith.constant 0 : i32
    %dma_wait3A_702 = arith.constant 0 : i32
    %dma_wait3A_703 = tpu.memref_slice %arg9[%dma_wait3A_688, %dma_wait3A_701, %dma_wait3A_702] : memref<4x128x64xf32, #tpu.memory_space<vmem>> -> memref<1x128x64xf32, #tpu.memory_space<vmem>>
    %dma_wait3A_704 = tpu.memref_squeeze %dma_wait3A_703 : memref<1x128x64xf32, #tpu.memory_space<vmem>> -> memref<128x64xf32, #tpu.memory_space<vmem>>
    tpu.wait_dma2 semaphore(%arg22 : memref<!tpu.dma_semaphore, #tpu.memory_space<semaphore_mem>>) src(%dma_wait3A_704 : memref<128x64xf32, #tpu.memory_space<vmem>>) dst(%dma_wait3A_700 : memref<128x64xf32, #tpu.memory_space<hbm>>)
    %dma_wait3A_705 = arith.constant 3 : i32
    %dma_wait3A_706 = arith.constant 0 : i32
    %dma_wait3A_707 = arith.constant 0 : i32
    %dma_wait3A_708 = tpu.memref_slice %arg10[%dma_wait3A_705, %dma_wait3A_706, %dma_wait3A_707] : memref<4x128x64xf32, #tpu.memory_space<vmem>> -> memref<1x128x64xf32, #tpu.memory_space<vmem>>
    %dma_wait3A_709 = tpu.memref_squeeze %dma_wait3A_708 : memref<1x128x64xf32, #tpu.memory_space<vmem>> -> memref<128x64xf32, #tpu.memory_space<vmem>>
    %dma_wait3A_710 = arith.constant 0 : i32
    %dma_wait3A_711 = arith.constant 0 : i32
    %dma_wait3A_712 = tpu.memref_slice %arg6[%sub3A_414, %dma_wait3A_710, %dma_wait3A_711] : memref<256x128x64xf32, #tpu.memory_space<hbm>> -> memref<1x128x64xf32, #tpu.memory_space<hbm>>
    %dma_wait3A_713 = tpu.memref_squeeze %dma_wait3A_712 : memref<1x128x64xf32, #tpu.memory_space<hbm>> -> memref<128x64xf32, #tpu.memory_space<hbm>>
    %dma_wait3A_714 = arith.constant 0 : i32
    %dma_wait3A_715 = arith.constant 0 : i32
    %dma_wait3A_716 = tpu.memref_slice %arg6[%sub3A_414, %dma_wait3A_714, %dma_wait3A_715] : memref<256x128x64xf32, #tpu.memory_space<hbm>> -> memref<1x128x64xf32, #tpu.memory_space<hbm>>
    %dma_wait3A_717 = tpu.memref_squeeze %dma_wait3A_716 : memref<1x128x64xf32, #tpu.memory_space<hbm>> -> memref<128x64xf32, #tpu.memory_space<hbm>>
    %dma_wait3A_718 = arith.constant 0 : i32
    %dma_wait3A_719 = arith.constant 0 : i32
    %dma_wait3A_720 = tpu.memref_slice %arg10[%dma_wait3A_705, %dma_wait3A_718, %dma_wait3A_719] : memref<4x128x64xf32, #tpu.memory_space<vmem>> -> memref<1x128x64xf32, #tpu.memory_space<vmem>>
    %dma_wait3A_721 = tpu.memref_squeeze %dma_wait3A_720 : memref<1x128x64xf32, #tpu.memory_space<vmem>> -> memref<128x64xf32, #tpu.memory_space<vmem>>
    tpu.wait_dma2 semaphore(%arg26 : memref<!tpu.dma_semaphore, #tpu.memory_space<semaphore_mem>>) src(%dma_wait3A_721 : memref<128x64xf32, #tpu.memory_space<vmem>>) dst(%dma_wait3A_717 : memref<128x64xf32, #tpu.memory_space<hbm>>)
    %dma_start3A_722 = arith.constant 7 : i32
    %dma_start3A_723 = arith.constant 3 : i32
    %dma_start3A_724 = arith.constant 0 : i32
    %dma_start3A_725 = arith.constant 0 : i32
    %dma_start3A_726 = tpu.memref_slice %arg9[%dma_start3A_723, %dma_start3A_724, %dma_start3A_725] : memref<4x128x64xf32, #tpu.memory_space<vmem>> -> memref<1x128x64xf32, #tpu.memory_space<vmem>>
    %dma_start3A_727 = tpu.memref_squeeze %dma_start3A_726 : memref<1x128x64xf32, #tpu.memory_space<vmem>> -> memref<128x64xf32, #tpu.memory_space<vmem>>
    %dma_start3A_728 = arith.constant 0 : i32
    %dma_start3A_729 = tpu.memref_slice %arg7[%dma_start3A_722, %dma_start3A_728] : memref<8x128xi32, #tpu.memory_space<vmem>> -> memref<1x128xi32, #tpu.memory_space<vmem>>
    %dma_start3A_730 = tpu.memref_squeeze %dma_start3A_729 : memref<1x128xi32, #tpu.memory_space<vmem>> -> memref<128xi32, #tpu.memory_space<vmem>>
    %dma_start3A_731 = arith.constant 0 : i32
    %dma_start3A_732 = arith.constant 0 : i32
    %dma_start3A_733 = tpu.memref_slice %arg2[%dma_start3A_731, %dma_start3A_732] : memref<32768x64xf32, #tpu.memory_space<hbm>> -> memref<32768x64xf32, #tpu.memory_space<hbm>>
    tpu.enqueue_indirect_dma source(%dma_start3A_733 : memref<32768x64xf32, #tpu.memory_space<hbm>>) target(%dma_start3A_727 : memref<128x64xf32, #tpu.memory_space<vmem>>) offsets(%dma_start3A_730 : memref<128xi32, #tpu.memory_space<vmem>>) semaphore(%arg14 : memref<!tpu.dma_semaphore, #tpu.memory_space<semaphore_mem>>)
    %dma_start3A_734 = arith.constant 7 : i32
    %dma_start3A_735 = arith.constant 3 : i32
    %dma_start3A_736 = arith.constant 0 : i32
    %dma_start3A_737 = arith.constant 0 : i32
    %dma_start3A_738 = tpu.memref_slice %arg10[%dma_start3A_735, %dma_start3A_736, %dma_start3A_737] : memref<4x128x64xf32, #tpu.memory_space<vmem>> -> memref<1x128x64xf32, #tpu.memory_space<vmem>>
    %dma_start3A_739 = tpu.memref_squeeze %dma_start3A_738 : memref<1x128x64xf32, #tpu.memory_space<vmem>> -> memref<128x64xf32, #tpu.memory_space<vmem>>
    %dma_start3A_740 = arith.constant 0 : i32
    %dma_start3A_741 = tpu.memref_slice %arg8[%dma_start3A_734, %dma_start3A_740] : memref<8x128xi32, #tpu.memory_space<vmem>> -> memref<1x128xi32, #tpu.memory_space<vmem>>
    %dma_start3A_742 = tpu.memref_squeeze %dma_start3A_741 : memref<1x128xi32, #tpu.memory_space<vmem>> -> memref<128xi32, #tpu.memory_space<vmem>>
    %dma_start3A_743 = arith.constant 0 : i32
    %dma_start3A_744 = arith.constant 0 : i32
    %dma_start3A_745 = tpu.memref_slice %arg2[%dma_start3A_743, %dma_start3A_744] : memref<32768x64xf32, #tpu.memory_space<hbm>> -> memref<32768x64xf32, #tpu.memory_space<hbm>>
    tpu.enqueue_indirect_dma source(%dma_start3A_745 : memref<32768x64xf32, #tpu.memory_space<hbm>>) target(%dma_start3A_739 : memref<128x64xf32, #tpu.memory_space<vmem>>) offsets(%dma_start3A_742 : memref<128xi32, #tpu.memory_space<vmem>>) semaphore(%arg18 : memref<!tpu.dma_semaphore, #tpu.memory_space<semaphore_mem>>)
    %dma_wait3A_746 = arith.constant 6 : i32
    %dma_wait3A_747 = arith.constant 2 : i32
    %dma_wait3A_748 = arith.constant 0 : i32
    %dma_wait3A_749 = arith.constant 0 : i32
    %dma_wait3A_750 = tpu.memref_slice %arg9[%dma_wait3A_747, %dma_wait3A_748, %dma_wait3A_749] : memref<4x128x64xf32, #tpu.memory_space<vmem>> -> memref<1x128x64xf32, #tpu.memory_space<vmem>>
    %dma_wait3A_751 = tpu.memref_squeeze %dma_wait3A_750 : memref<1x128x64xf32, #tpu.memory_space<vmem>> -> memref<128x64xf32, #tpu.memory_space<vmem>>
    %dma_wait3A_752 = arith.constant 0 : i32
    %dma_wait3A_753 = tpu.memref_slice %arg7[%dma_wait3A_746, %dma_wait3A_752] : memref<8x128xi32, #tpu.memory_space<vmem>> -> memref<1x128xi32, #tpu.memory_space<vmem>>
    %dma_wait3A_754 = tpu.memref_squeeze %dma_wait3A_753 : memref<1x128xi32, #tpu.memory_space<vmem>> -> memref<128xi32, #tpu.memory_space<vmem>>
    %dma_wait3A_755 = arith.constant 0 : i32
    %dma_wait3A_756 = arith.constant 0 : i32
    %dma_wait3A_757 = tpu.memref_slice %arg2[%dma_wait3A_755, %dma_wait3A_756] : memref<32768x64xf32, #tpu.memory_space<hbm>> -> memref<32768x64xf32, #tpu.memory_space<hbm>>
    tpu.wait_indirect_dma semaphore(%arg13 : memref<!tpu.dma_semaphore, #tpu.memory_space<semaphore_mem>>) src(%dma_wait3A_757 : memref<32768x64xf32, #tpu.memory_space<hbm>>) dst(%dma_wait3A_751 : memref<128x64xf32, #tpu.memory_space<vmem>>)
    %mul3A_758 = arith.constant 8 : i32
    %mul3A_759 = arith.muli %add3A, %mul3A_758 : i32
    %add3A_760 = arith.constant 7 : i32
    %add3A_761 = arith.addi %mul3A_759, %add3A_760 : i32
    %sub3A_762 = arith.constant 1 : i32
    %sub3A_763 = arith.subi %add3A_761, %sub3A_762 : i32
    %dma_start3A_764 = arith.constant 2 : i32
    %dma_start3A_765 = arith.constant 0 : i32
    %dma_start3A_766 = arith.constant 0 : i32
    %dma_start3A_767 = tpu.memref_slice %arg9[%dma_start3A_764, %dma_start3A_765, %dma_start3A_766] : memref<4x128x64xf32, #tpu.memory_space<vmem>> -> memref<1x128x64xf32, #tpu.memory_space<vmem>>
    %dma_start3A_768 = tpu.memref_squeeze %dma_start3A_767 : memref<1x128x64xf32, #tpu.memory_space<vmem>> -> memref<128x64xf32, #tpu.memory_space<vmem>>
    %dma_start3A_769 = arith.constant 0 : i32
    %dma_start3A_770 = arith.constant 0 : i32
    %dma_start3A_771 = tpu.memref_slice %arg5[%sub3A_763, %dma_start3A_769, %dma_start3A_770] : memref<256x128x64xf32, #tpu.memory_space<hbm>> -> memref<1x128x64xf32, #tpu.memory_space<hbm>>
    %dma_start3A_772 = tpu.memref_squeeze %dma_start3A_771 : memref<1x128x64xf32, #tpu.memory_space<hbm>> -> memref<128x64xf32, #tpu.memory_space<hbm>>
    %dma_start3A_773 = arith.constant 0 : i32
    %dma_start3A_774 = arith.constant 0 : i32
    %dma_start3A_775 = tpu.memref_slice %arg5[%sub3A_763, %dma_start3A_773, %dma_start3A_774] : memref<256x128x64xf32, #tpu.memory_space<hbm>> -> memref<1x128x64xf32, #tpu.memory_space<hbm>>
    %dma_start3A_776 = tpu.memref_squeeze %dma_start3A_775 : memref<1x128x64xf32, #tpu.memory_space<hbm>> -> memref<128x64xf32, #tpu.memory_space<hbm>>
    %dma_start3A_777 = arith.constant 0 : i32
    %dma_start3A_778 = arith.constant 0 : i32
    %dma_start3A_779 = tpu.memref_slice %arg9[%dma_start3A_764, %dma_start3A_777, %dma_start3A_778] : memref<4x128x64xf32, #tpu.memory_space<vmem>> -> memref<1x128x64xf32, #tpu.memory_space<vmem>>
    %dma_start3A_780 = tpu.memref_squeeze %dma_start3A_779 : memref<1x128x64xf32, #tpu.memory_space<vmem>> -> memref<128x64xf32, #tpu.memory_space<vmem>>
    tpu.enqueue_dma source(%dma_start3A_780 : memref<128x64xf32, #tpu.memory_space<vmem>>) target(%dma_start3A_776 : memref<128x64xf32, #tpu.memory_space<hbm>>) target_semaphore(%arg21 : memref<!tpu.dma_semaphore, #tpu.memory_space<semaphore_mem>>)
    %dma_wait3A_781 = arith.constant 6 : i32
    %dma_wait3A_782 = arith.constant 2 : i32
    %dma_wait3A_783 = arith.constant 0 : i32
    %dma_wait3A_784 = arith.constant 0 : i32
    %dma_wait3A_785 = tpu.memref_slice %arg10[%dma_wait3A_782, %dma_wait3A_783, %dma_wait3A_784] : memref<4x128x64xf32, #tpu.memory_space<vmem>> -> memref<1x128x64xf32, #tpu.memory_space<vmem>>
    %dma_wait3A_786 = tpu.memref_squeeze %dma_wait3A_785 : memref<1x128x64xf32, #tpu.memory_space<vmem>> -> memref<128x64xf32, #tpu.memory_space<vmem>>
    %dma_wait3A_787 = arith.constant 0 : i32
    %dma_wait3A_788 = tpu.memref_slice %arg8[%dma_wait3A_781, %dma_wait3A_787] : memref<8x128xi32, #tpu.memory_space<vmem>> -> memref<1x128xi32, #tpu.memory_space<vmem>>
    %dma_wait3A_789 = tpu.memref_squeeze %dma_wait3A_788 : memref<1x128xi32, #tpu.memory_space<vmem>> -> memref<128xi32, #tpu.memory_space<vmem>>
    %dma_wait3A_790 = arith.constant 0 : i32
    %dma_wait3A_791 = arith.constant 0 : i32
    %dma_wait3A_792 = tpu.memref_slice %arg2[%dma_wait3A_790, %dma_wait3A_791] : memref<32768x64xf32, #tpu.memory_space<hbm>> -> memref<32768x64xf32, #tpu.memory_space<hbm>>
    tpu.wait_indirect_dma semaphore(%arg17 : memref<!tpu.dma_semaphore, #tpu.memory_space<semaphore_mem>>) src(%dma_wait3A_792 : memref<32768x64xf32, #tpu.memory_space<hbm>>) dst(%dma_wait3A_786 : memref<128x64xf32, #tpu.memory_space<vmem>>)
    %mul3A_793 = arith.constant 8 : i32
    %mul3A_794 = arith.muli %add3A, %mul3A_793 : i32
    %add3A_795 = arith.constant 7 : i32
    %add3A_796 = arith.addi %mul3A_794, %add3A_795 : i32
    %sub3A_797 = arith.constant 1 : i32
    %sub3A_798 = arith.subi %add3A_796, %sub3A_797 : i32
    %dma_start3A_799 = arith.constant 2 : i32
    %dma_start3A_800 = arith.constant 0 : i32
    %dma_start3A_801 = arith.constant 0 : i32
    %dma_start3A_802 = tpu.memref_slice %arg10[%dma_start3A_799, %dma_start3A_800, %dma_start3A_801] : memref<4x128x64xf32, #tpu.memory_space<vmem>> -> memref<1x128x64xf32, #tpu.memory_space<vmem>>
    %dma_start3A_803 = tpu.memref_squeeze %dma_start3A_802 : memref<1x128x64xf32, #tpu.memory_space<vmem>> -> memref<128x64xf32, #tpu.memory_space<vmem>>
    %dma_start3A_804 = arith.constant 0 : i32
    %dma_start3A_805 = arith.constant 0 : i32
    %dma_start3A_806 = tpu.memref_slice %arg6[%sub3A_798, %dma_start3A_804, %dma_start3A_805] : memref<256x128x64xf32, #tpu.memory_space<hbm>> -> memref<1x128x64xf32, #tpu.memory_space<hbm>>
    %dma_start3A_807 = tpu.memref_squeeze %dma_start3A_806 : memref<1x128x64xf32, #tpu.memory_space<hbm>> -> memref<128x64xf32, #tpu.memory_space<hbm>>
    %dma_start3A_808 = arith.constant 0 : i32
    %dma_start3A_809 = arith.constant 0 : i32
    %dma_start3A_810 = tpu.memref_slice %arg6[%sub3A_798, %dma_start3A_808, %dma_start3A_809] : memref<256x128x64xf32, #tpu.memory_space<hbm>> -> memref<1x128x64xf32, #tpu.memory_space<hbm>>
    %dma_start3A_811 = tpu.memref_squeeze %dma_start3A_810 : memref<1x128x64xf32, #tpu.memory_space<hbm>> -> memref<128x64xf32, #tpu.memory_space<hbm>>
    %dma_start3A_812 = arith.constant 0 : i32
    %dma_start3A_813 = arith.constant 0 : i32
    %dma_start3A_814 = tpu.memref_slice %arg10[%dma_start3A_799, %dma_start3A_812, %dma_start3A_813] : memref<4x128x64xf32, #tpu.memory_space<vmem>> -> memref<1x128x64xf32, #tpu.memory_space<vmem>>
    %dma_start3A_815 = tpu.memref_squeeze %dma_start3A_814 : memref<1x128x64xf32, #tpu.memory_space<vmem>> -> memref<128x64xf32, #tpu.memory_space<vmem>>
    tpu.enqueue_dma source(%dma_start3A_815 : memref<128x64xf32, #tpu.memory_space<vmem>>) target(%dma_start3A_811 : memref<128x64xf32, #tpu.memory_space<hbm>>) target_semaphore(%arg25 : memref<!tpu.dma_semaphore, #tpu.memory_space<semaphore_mem>>)
    %dma_wait3A_816 = arith.constant 7 : i32
    %dma_wait3A_817 = arith.constant 3 : i32
    %dma_wait3A_818 = arith.constant 0 : i32
    %dma_wait3A_819 = arith.constant 0 : i32
    %dma_wait3A_820 = tpu.memref_slice %arg9[%dma_wait3A_817, %dma_wait3A_818, %dma_wait3A_819] : memref<4x128x64xf32, #tpu.memory_space<vmem>> -> memref<1x128x64xf32, #tpu.memory_space<vmem>>
    %dma_wait3A_821 = tpu.memref_squeeze %dma_wait3A_820 : memref<1x128x64xf32, #tpu.memory_space<vmem>> -> memref<128x64xf32, #tpu.memory_space<vmem>>
    %dma_wait3A_822 = arith.constant 0 : i32
    %dma_wait3A_823 = tpu.memref_slice %arg7[%dma_wait3A_816, %dma_wait3A_822] : memref<8x128xi32, #tpu.memory_space<vmem>> -> memref<1x128xi32, #tpu.memory_space<vmem>>
    %dma_wait3A_824 = tpu.memref_squeeze %dma_wait3A_823 : memref<1x128xi32, #tpu.memory_space<vmem>> -> memref<128xi32, #tpu.memory_space<vmem>>
    %dma_wait3A_825 = arith.constant 0 : i32
    %dma_wait3A_826 = arith.constant 0 : i32
    %dma_wait3A_827 = tpu.memref_slice %arg2[%dma_wait3A_825, %dma_wait3A_826] : memref<32768x64xf32, #tpu.memory_space<hbm>> -> memref<32768x64xf32, #tpu.memory_space<hbm>>
    tpu.wait_indirect_dma semaphore(%arg14 : memref<!tpu.dma_semaphore, #tpu.memory_space<semaphore_mem>>) src(%dma_wait3A_827 : memref<32768x64xf32, #tpu.memory_space<hbm>>) dst(%dma_wait3A_821 : memref<128x64xf32, #tpu.memory_space<vmem>>)
    %mul3A_828 = arith.constant 8 : i32
    %mul3A_829 = arith.muli %add3A, %mul3A_828 : i32
    %add3A_830 = arith.constant 8 : i32
    %add3A_831 = arith.addi %mul3A_829, %add3A_830 : i32
    %sub3A_832 = arith.constant 1 : i32
    %sub3A_833 = arith.subi %add3A_831, %sub3A_832 : i32
    %dma_start3A_834 = arith.constant 3 : i32
    %dma_start3A_835 = arith.constant 0 : i32
    %dma_start3A_836 = arith.constant 0 : i32
    %dma_start3A_837 = tpu.memref_slice %arg9[%dma_start3A_834, %dma_start3A_835, %dma_start3A_836] : memref<4x128x64xf32, #tpu.memory_space<vmem>> -> memref<1x128x64xf32, #tpu.memory_space<vmem>>
    %dma_start3A_838 = tpu.memref_squeeze %dma_start3A_837 : memref<1x128x64xf32, #tpu.memory_space<vmem>> -> memref<128x64xf32, #tpu.memory_space<vmem>>
    %dma_start3A_839 = arith.constant 0 : i32
    %dma_start3A_840 = arith.constant 0 : i32
    %dma_start3A_841 = tpu.memref_slice %arg5[%sub3A_833, %dma_start3A_839, %dma_start3A_840] : memref<256x128x64xf32, #tpu.memory_space<hbm>> -> memref<1x128x64xf32, #tpu.memory_space<hbm>>
    %dma_start3A_842 = tpu.memref_squeeze %dma_start3A_841 : memref<1x128x64xf32, #tpu.memory_space<hbm>> -> memref<128x64xf32, #tpu.memory_space<hbm>>
    %dma_start3A_843 = arith.constant 0 : i32
    %dma_start3A_844 = arith.constant 0 : i32
    %dma_start3A_845 = tpu.memref_slice %arg5[%sub3A_833, %dma_start3A_843, %dma_start3A_844] : memref<256x128x64xf32, #tpu.memory_space<hbm>> -> memref<1x128x64xf32, #tpu.memory_space<hbm>>
    %dma_start3A_846 = tpu.memref_squeeze %dma_start3A_845 : memref<1x128x64xf32, #tpu.memory_space<hbm>> -> memref<128x64xf32, #tpu.memory_space<hbm>>
    %dma_start3A_847 = arith.constant 0 : i32
    %dma_start3A_848 = arith.constant 0 : i32
    %dma_start3A_849 = tpu.memref_slice %arg9[%dma_start3A_834, %dma_start3A_847, %dma_start3A_848] : memref<4x128x64xf32, #tpu.memory_space<vmem>> -> memref<1x128x64xf32, #tpu.memory_space<vmem>>
    %dma_start3A_850 = tpu.memref_squeeze %dma_start3A_849 : memref<1x128x64xf32, #tpu.memory_space<vmem>> -> memref<128x64xf32, #tpu.memory_space<vmem>>
    tpu.enqueue_dma source(%dma_start3A_850 : memref<128x64xf32, #tpu.memory_space<vmem>>) target(%dma_start3A_846 : memref<128x64xf32, #tpu.memory_space<hbm>>) target_semaphore(%arg22 : memref<!tpu.dma_semaphore, #tpu.memory_space<semaphore_mem>>)
    %dma_wait3A_851 = arith.constant 7 : i32
    %dma_wait3A_852 = arith.constant 3 : i32
    %dma_wait3A_853 = arith.constant 0 : i32
    %dma_wait3A_854 = arith.constant 0 : i32
    %dma_wait3A_855 = tpu.memref_slice %arg10[%dma_wait3A_852, %dma_wait3A_853, %dma_wait3A_854] : memref<4x128x64xf32, #tpu.memory_space<vmem>> -> memref<1x128x64xf32, #tpu.memory_space<vmem>>
    %dma_wait3A_856 = tpu.memref_squeeze %dma_wait3A_855 : memref<1x128x64xf32, #tpu.memory_space<vmem>> -> memref<128x64xf32, #tpu.memory_space<vmem>>
    %dma_wait3A_857 = arith.constant 0 : i32
    %dma_wait3A_858 = tpu.memref_slice %arg8[%dma_wait3A_851, %dma_wait3A_857] : memref<8x128xi32, #tpu.memory_space<vmem>> -> memref<1x128xi32, #tpu.memory_space<vmem>>
    %dma_wait3A_859 = tpu.memref_squeeze %dma_wait3A_858 : memref<1x128xi32, #tpu.memory_space<vmem>> -> memref<128xi32, #tpu.memory_space<vmem>>
    %dma_wait3A_860 = arith.constant 0 : i32
    %dma_wait3A_861 = arith.constant 0 : i32
    %dma_wait3A_862 = tpu.memref_slice %arg2[%dma_wait3A_860, %dma_wait3A_861] : memref<32768x64xf32, #tpu.memory_space<hbm>> -> memref<32768x64xf32, #tpu.memory_space<hbm>>
    tpu.wait_indirect_dma semaphore(%arg18 : memref<!tpu.dma_semaphore, #tpu.memory_space<semaphore_mem>>) src(%dma_wait3A_862 : memref<32768x64xf32, #tpu.memory_space<hbm>>) dst(%dma_wait3A_856 : memref<128x64xf32, #tpu.memory_space<vmem>>)
    %mul3A_863 = arith.constant 8 : i32
    %mul3A_864 = arith.muli %add3A, %mul3A_863 : i32
    %add3A_865 = arith.constant 8 : i32
    %add3A_866 = arith.addi %mul3A_864, %add3A_865 : i32
    %sub3A_867 = arith.constant 1 : i32
    %sub3A_868 = arith.subi %add3A_866, %sub3A_867 : i32
    %dma_start3A_869 = arith.constant 3 : i32
    %dma_start3A_870 = arith.constant 0 : i32
    %dma_start3A_871 = arith.constant 0 : i32
    %dma_start3A_872 = tpu.memref_slice %arg10[%dma_start3A_869, %dma_start3A_870, %dma_start3A_871] : memref<4x128x64xf32, #tpu.memory_space<vmem>> -> memref<1x128x64xf32, #tpu.memory_space<vmem>>
    %dma_start3A_873 = tpu.memref_squeeze %dma_start3A_872 : memref<1x128x64xf32, #tpu.memory_space<vmem>> -> memref<128x64xf32, #tpu.memory_space<vmem>>
    %dma_start3A_874 = arith.constant 0 : i32
    %dma_start3A_875 = arith.constant 0 : i32
    %dma_start3A_876 = tpu.memref_slice %arg6[%sub3A_868, %dma_start3A_874, %dma_start3A_875] : memref<256x128x64xf32, #tpu.memory_space<hbm>> -> memref<1x128x64xf32, #tpu.memory_space<hbm>>
    %dma_start3A_877 = tpu.memref_squeeze %dma_start3A_876 : memref<1x128x64xf32, #tpu.memory_space<hbm>> -> memref<128x64xf32, #tpu.memory_space<hbm>>
    %dma_start3A_878 = arith.constant 0 : i32
    %dma_start3A_879 = arith.constant 0 : i32
    %dma_start3A_880 = tpu.memref_slice %arg6[%sub3A_868, %dma_start3A_878, %dma_start3A_879] : memref<256x128x64xf32, #tpu.memory_space<hbm>> -> memref<1x128x64xf32, #tpu.memory_space<hbm>>
    %dma_start3A_881 = tpu.memref_squeeze %dma_start3A_880 : memref<1x128x64xf32, #tpu.memory_space<hbm>> -> memref<128x64xf32, #tpu.memory_space<hbm>>
    %dma_start3A_882 = arith.constant 0 : i32
    %dma_start3A_883 = arith.constant 0 : i32
    %dma_start3A_884 = tpu.memref_slice %arg10[%dma_start3A_869, %dma_start3A_882, %dma_start3A_883] : memref<4x128x64xf32, #tpu.memory_space<vmem>> -> memref<1x128x64xf32, #tpu.memory_space<vmem>>
    %dma_start3A_885 = tpu.memref_squeeze %dma_start3A_884 : memref<1x128x64xf32, #tpu.memory_space<vmem>> -> memref<128x64xf32, #tpu.memory_space<vmem>>
    tpu.enqueue_dma source(%dma_start3A_885 : memref<128x64xf32, #tpu.memory_space<vmem>>) target(%dma_start3A_881 : memref<128x64xf32, #tpu.memory_space<hbm>>) target_semaphore(%arg26 : memref<!tpu.dma_semaphore, #tpu.memory_space<semaphore_mem>>)
    %dma_wait3A_886 = arith.constant 0 : i32
    %dma_wait3A_887 = arith.constant 0 : i32
    %dma_wait3A_888 = arith.constant 0 : i32
    %dma_wait3A_889 = tpu.memref_slice %arg9[%dma_wait3A_886, %dma_wait3A_887, %dma_wait3A_888] : memref<4x128x64xf32, #tpu.memory_space<vmem>> -> memref<1x128x64xf32, #tpu.memory_space<vmem>>
    %dma_wait3A_890 = tpu.memref_squeeze %dma_wait3A_889 : memref<1x128x64xf32, #tpu.memory_space<vmem>> -> memref<128x64xf32, #tpu.memory_space<vmem>>
    %dma_wait3A_891 = arith.constant 0 : i32
    %dma_wait3A_892 = arith.constant 0 : i32
    %dma_wait3A_893 = tpu.memref_slice %arg5[%sub3A_507, %dma_wait3A_891, %dma_wait3A_892] : memref<256x128x64xf32, #tpu.memory_space<hbm>> -> memref<1x128x64xf32, #tpu.memory_space<hbm>>
    %dma_wait3A_894 = tpu.memref_squeeze %dma_wait3A_893 : memref<1x128x64xf32, #tpu.memory_space<hbm>> -> memref<128x64xf32, #tpu.memory_space<hbm>>
    %dma_wait3A_895 = arith.constant 0 : i32
    %dma_wait3A_896 = arith.constant 0 : i32
    %dma_wait3A_897 = tpu.memref_slice %arg5[%sub3A_507, %dma_wait3A_895, %dma_wait3A_896] : memref<256x128x64xf32, #tpu.memory_space<hbm>> -> memref<1x128x64xf32, #tpu.memory_space<hbm>>
    %dma_wait3A_898 = tpu.memref_squeeze %dma_wait3A_897 : memref<1x128x64xf32, #tpu.memory_space<hbm>> -> memref<128x64xf32, #tpu.memory_space<hbm>>
    %dma_wait3A_899 = arith.constant 0 : i32
    %dma_wait3A_900 = arith.constant 0 : i32
    %dma_wait3A_901 = tpu.memref_slice %arg9[%dma_wait3A_886, %dma_wait3A_899, %dma_wait3A_900] : memref<4x128x64xf32, #tpu.memory_space<vmem>> -> memref<1x128x64xf32, #tpu.memory_space<vmem>>
    %dma_wait3A_902 = tpu.memref_squeeze %dma_wait3A_901 : memref<1x128x64xf32, #tpu.memory_space<vmem>> -> memref<128x64xf32, #tpu.memory_space<vmem>>
    tpu.wait_dma2 semaphore(%arg19 : memref<!tpu.dma_semaphore, #tpu.memory_space<semaphore_mem>>) src(%dma_wait3A_902 : memref<128x64xf32, #tpu.memory_space<vmem>>) dst(%dma_wait3A_898 : memref<128x64xf32, #tpu.memory_space<hbm>>)
    %dma_wait3A_903 = arith.constant 0 : i32
    %dma_wait3A_904 = arith.constant 0 : i32
    %dma_wait3A_905 = arith.constant 0 : i32
    %dma_wait3A_906 = tpu.memref_slice %arg10[%dma_wait3A_903, %dma_wait3A_904, %dma_wait3A_905] : memref<4x128x64xf32, #tpu.memory_space<vmem>> -> memref<1x128x64xf32, #tpu.memory_space<vmem>>
    %dma_wait3A_907 = tpu.memref_squeeze %dma_wait3A_906 : memref<1x128x64xf32, #tpu.memory_space<vmem>> -> memref<128x64xf32, #tpu.memory_space<vmem>>
    %dma_wait3A_908 = arith.constant 0 : i32
    %dma_wait3A_909 = arith.constant 0 : i32
    %dma_wait3A_910 = tpu.memref_slice %arg6[%sub3A_542, %dma_wait3A_908, %dma_wait3A_909] : memref<256x128x64xf32, #tpu.memory_space<hbm>> -> memref<1x128x64xf32, #tpu.memory_space<hbm>>
    %dma_wait3A_911 = tpu.memref_squeeze %dma_wait3A_910 : memref<1x128x64xf32, #tpu.memory_space<hbm>> -> memref<128x64xf32, #tpu.memory_space<hbm>>
    %dma_wait3A_912 = arith.constant 0 : i32
    %dma_wait3A_913 = arith.constant 0 : i32
    %dma_wait3A_914 = tpu.memref_slice %arg6[%sub3A_542, %dma_wait3A_912, %dma_wait3A_913] : memref<256x128x64xf32, #tpu.memory_space<hbm>> -> memref<1x128x64xf32, #tpu.memory_space<hbm>>
    %dma_wait3A_915 = tpu.memref_squeeze %dma_wait3A_914 : memref<1x128x64xf32, #tpu.memory_space<hbm>> -> memref<128x64xf32, #tpu.memory_space<hbm>>
    %dma_wait3A_916 = arith.constant 0 : i32
    %dma_wait3A_917 = arith.constant 0 : i32
    %dma_wait3A_918 = tpu.memref_slice %arg10[%dma_wait3A_903, %dma_wait3A_916, %dma_wait3A_917] : memref<4x128x64xf32, #tpu.memory_space<vmem>> -> memref<1x128x64xf32, #tpu.memory_space<vmem>>
    %dma_wait3A_919 = tpu.memref_squeeze %dma_wait3A_918 : memref<1x128x64xf32, #tpu.memory_space<vmem>> -> memref<128x64xf32, #tpu.memory_space<vmem>>
    tpu.wait_dma2 semaphore(%arg23 : memref<!tpu.dma_semaphore, #tpu.memory_space<semaphore_mem>>) src(%dma_wait3A_919 : memref<128x64xf32, #tpu.memory_space<vmem>>) dst(%dma_wait3A_915 : memref<128x64xf32, #tpu.memory_space<hbm>>)
    %dma_wait3A_920 = arith.constant 1 : i32
    %dma_wait3A_921 = arith.constant 0 : i32
    %dma_wait3A_922 = arith.constant 0 : i32
    %dma_wait3A_923 = tpu.memref_slice %arg9[%dma_wait3A_920, %dma_wait3A_921, %dma_wait3A_922] : memref<4x128x64xf32, #tpu.memory_space<vmem>> -> memref<1x128x64xf32, #tpu.memory_space<vmem>>
    %dma_wait3A_924 = tpu.memref_squeeze %dma_wait3A_923 : memref<1x128x64xf32, #tpu.memory_space<vmem>> -> memref<128x64xf32, #tpu.memory_space<vmem>>
    %dma_wait3A_925 = arith.constant 0 : i32
    %dma_wait3A_926 = arith.constant 0 : i32
    %dma_wait3A_927 = tpu.memref_slice %arg5[%sub3A_635, %dma_wait3A_925, %dma_wait3A_926] : memref<256x128x64xf32, #tpu.memory_space<hbm>> -> memref<1x128x64xf32, #tpu.memory_space<hbm>>
    %dma_wait3A_928 = tpu.memref_squeeze %dma_wait3A_927 : memref<1x128x64xf32, #tpu.memory_space<hbm>> -> memref<128x64xf32, #tpu.memory_space<hbm>>
    %dma_wait3A_929 = arith.constant 0 : i32
    %dma_wait3A_930 = arith.constant 0 : i32
    %dma_wait3A_931 = tpu.memref_slice %arg5[%sub3A_635, %dma_wait3A_929, %dma_wait3A_930] : memref<256x128x64xf32, #tpu.memory_space<hbm>> -> memref<1x128x64xf32, #tpu.memory_space<hbm>>
    %dma_wait3A_932 = tpu.memref_squeeze %dma_wait3A_931 : memref<1x128x64xf32, #tpu.memory_space<hbm>> -> memref<128x64xf32, #tpu.memory_space<hbm>>
    %dma_wait3A_933 = arith.constant 0 : i32
    %dma_wait3A_934 = arith.constant 0 : i32
    %dma_wait3A_935 = tpu.memref_slice %arg9[%dma_wait3A_920, %dma_wait3A_933, %dma_wait3A_934] : memref<4x128x64xf32, #tpu.memory_space<vmem>> -> memref<1x128x64xf32, #tpu.memory_space<vmem>>
    %dma_wait3A_936 = tpu.memref_squeeze %dma_wait3A_935 : memref<1x128x64xf32, #tpu.memory_space<vmem>> -> memref<128x64xf32, #tpu.memory_space<vmem>>
    tpu.wait_dma2 semaphore(%arg20 : memref<!tpu.dma_semaphore, #tpu.memory_space<semaphore_mem>>) src(%dma_wait3A_936 : memref<128x64xf32, #tpu.memory_space<vmem>>) dst(%dma_wait3A_932 : memref<128x64xf32, #tpu.memory_space<hbm>>)
    %dma_wait3A_937 = arith.constant 1 : i32
    %dma_wait3A_938 = arith.constant 0 : i32
    %dma_wait3A_939 = arith.constant 0 : i32
    %dma_wait3A_940 = tpu.memref_slice %arg10[%dma_wait3A_937, %dma_wait3A_938, %dma_wait3A_939] : memref<4x128x64xf32, #tpu.memory_space<vmem>> -> memref<1x128x64xf32, #tpu.memory_space<vmem>>
    %dma_wait3A_941 = tpu.memref_squeeze %dma_wait3A_940 : memref<1x128x64xf32, #tpu.memory_space<vmem>> -> memref<128x64xf32, #tpu.memory_space<vmem>>
    %dma_wait3A_942 = arith.constant 0 : i32
    %dma_wait3A_943 = arith.constant 0 : i32
    %dma_wait3A_944 = tpu.memref_slice %arg6[%sub3A_670, %dma_wait3A_942, %dma_wait3A_943] : memref<256x128x64xf32, #tpu.memory_space<hbm>> -> memref<1x128x64xf32, #tpu.memory_space<hbm>>
    %dma_wait3A_945 = tpu.memref_squeeze %dma_wait3A_944 : memref<1x128x64xf32, #tpu.memory_space<hbm>> -> memref<128x64xf32, #tpu.memory_space<hbm>>
    %dma_wait3A_946 = arith.constant 0 : i32
    %dma_wait3A_947 = arith.constant 0 : i32
    %dma_wait3A_948 = tpu.memref_slice %arg6[%sub3A_670, %dma_wait3A_946, %dma_wait3A_947] : memref<256x128x64xf32, #tpu.memory_space<hbm>> -> memref<1x128x64xf32, #tpu.memory_space<hbm>>
    %dma_wait3A_949 = tpu.memref_squeeze %dma_wait3A_948 : memref<1x128x64xf32, #tpu.memory_space<hbm>> -> memref<128x64xf32, #tpu.memory_space<hbm>>
    %dma_wait3A_950 = arith.constant 0 : i32
    %dma_wait3A_951 = arith.constant 0 : i32
    %dma_wait3A_952 = tpu.memref_slice %arg10[%dma_wait3A_937, %dma_wait3A_950, %dma_wait3A_951] : memref<4x128x64xf32, #tpu.memory_space<vmem>> -> memref<1x128x64xf32, #tpu.memory_space<vmem>>
    %dma_wait3A_953 = tpu.memref_squeeze %dma_wait3A_952 : memref<1x128x64xf32, #tpu.memory_space<vmem>> -> memref<128x64xf32, #tpu.memory_space<vmem>>
    tpu.wait_dma2 semaphore(%arg24 : memref<!tpu.dma_semaphore, #tpu.memory_space<semaphore_mem>>) src(%dma_wait3A_953 : memref<128x64xf32, #tpu.memory_space<vmem>>) dst(%dma_wait3A_949 : memref<128x64xf32, #tpu.memory_space<hbm>>)
    %dma_wait3A_954 = arith.constant 2 : i32
    %dma_wait3A_955 = arith.constant 0 : i32
    %dma_wait3A_956 = arith.constant 0 : i32
    %dma_wait3A_957 = tpu.memref_slice %arg9[%dma_wait3A_954, %dma_wait3A_955, %dma_wait3A_956] : memref<4x128x64xf32, #tpu.memory_space<vmem>> -> memref<1x128x64xf32, #tpu.memory_space<vmem>>
    %dma_wait3A_958 = tpu.memref_squeeze %dma_wait3A_957 : memref<1x128x64xf32, #tpu.memory_space<vmem>> -> memref<128x64xf32, #tpu.memory_space<vmem>>
    %dma_wait3A_959 = arith.constant 0 : i32
    %dma_wait3A_960 = arith.constant 0 : i32
    %dma_wait3A_961 = tpu.memref_slice %arg5[%sub3A_763, %dma_wait3A_959, %dma_wait3A_960] : memref<256x128x64xf32, #tpu.memory_space<hbm>> -> memref<1x128x64xf32, #tpu.memory_space<hbm>>
    %dma_wait3A_962 = tpu.memref_squeeze %dma_wait3A_961 : memref<1x128x64xf32, #tpu.memory_space<hbm>> -> memref<128x64xf32, #tpu.memory_space<hbm>>
    %dma_wait3A_963 = arith.constant 0 : i32
    %dma_wait3A_964 = arith.constant 0 : i32
    %dma_wait3A_965 = tpu.memref_slice %arg5[%sub3A_763, %dma_wait3A_963, %dma_wait3A_964] : memref<256x128x64xf32, #tpu.memory_space<hbm>> -> memref<1x128x64xf32, #tpu.memory_space<hbm>>
    %dma_wait3A_966 = tpu.memref_squeeze %dma_wait3A_965 : memref<1x128x64xf32, #tpu.memory_space<hbm>> -> memref<128x64xf32, #tpu.memory_space<hbm>>
    %dma_wait3A_967 = arith.constant 0 : i32
    %dma_wait3A_968 = arith.constant 0 : i32
    %dma_wait3A_969 = tpu.memref_slice %arg9[%dma_wait3A_954, %dma_wait3A_967, %dma_wait3A_968] : memref<4x128x64xf32, #tpu.memory_space<vmem>> -> memref<1x128x64xf32, #tpu.memory_space<vmem>>
    %dma_wait3A_970 = tpu.memref_squeeze %dma_wait3A_969 : memref<1x128x64xf32, #tpu.memory_space<vmem>> -> memref<128x64xf32, #tpu.memory_space<vmem>>
    tpu.wait_dma2 semaphore(%arg21 : memref<!tpu.dma_semaphore, #tpu.memory_space<semaphore_mem>>) src(%dma_wait3A_970 : memref<128x64xf32, #tpu.memory_space<vmem>>) dst(%dma_wait3A_966 : memref<128x64xf32, #tpu.memory_space<hbm>>)
    %dma_wait3A_971 = arith.constant 2 : i32
    %dma_wait3A_972 = arith.constant 0 : i32
    %dma_wait3A_973 = arith.constant 0 : i32
    %dma_wait3A_974 = tpu.memref_slice %arg10[%dma_wait3A_971, %dma_wait3A_972, %dma_wait3A_973] : memref<4x128x64xf32, #tpu.memory_space<vmem>> -> memref<1x128x64xf32, #tpu.memory_space<vmem>>
    %dma_wait3A_975 = tpu.memref_squeeze %dma_wait3A_974 : memref<1x128x64xf32, #tpu.memory_space<vmem>> -> memref<128x64xf32, #tpu.memory_space<vmem>>
    %dma_wait3A_976 = arith.constant 0 : i32
    %dma_wait3A_977 = arith.constant 0 : i32
    %dma_wait3A_978 = tpu.memref_slice %arg6[%sub3A_798, %dma_wait3A_976, %dma_wait3A_977] : memref<256x128x64xf32, #tpu.memory_space<hbm>> -> memref<1x128x64xf32, #tpu.memory_space<hbm>>
    %dma_wait3A_979 = tpu.memref_squeeze %dma_wait3A_978 : memref<1x128x64xf32, #tpu.memory_space<hbm>> -> memref<128x64xf32, #tpu.memory_space<hbm>>
    %dma_wait3A_980 = arith.constant 0 : i32
    %dma_wait3A_981 = arith.constant 0 : i32
    %dma_wait3A_982 = tpu.memref_slice %arg6[%sub3A_798, %dma_wait3A_980, %dma_wait3A_981] : memref<256x128x64xf32, #tpu.memory_space<hbm>> -> memref<1x128x64xf32, #tpu.memory_space<hbm>>
    %dma_wait3A_983 = tpu.memref_squeeze %dma_wait3A_982 : memref<1x128x64xf32, #tpu.memory_space<hbm>> -> memref<128x64xf32, #tpu.memory_space<hbm>>
    %dma_wait3A_984 = arith.constant 0 : i32
    %dma_wait3A_985 = arith.constant 0 : i32
    %dma_wait3A_986 = tpu.memref_slice %arg10[%dma_wait3A_971, %dma_wait3A_984, %dma_wait3A_985] : memref<4x128x64xf32, #tpu.memory_space<vmem>> -> memref<1x128x64xf32, #tpu.memory_space<vmem>>
    %dma_wait3A_987 = tpu.memref_squeeze %dma_wait3A_986 : memref<1x128x64xf32, #tpu.memory_space<vmem>> -> memref<128x64xf32, #tpu.memory_space<vmem>>
    tpu.wait_dma2 semaphore(%arg25 : memref<!tpu.dma_semaphore, #tpu.memory_space<semaphore_mem>>) src(%dma_wait3A_987 : memref<128x64xf32, #tpu.memory_space<vmem>>) dst(%dma_wait3A_983 : memref<128x64xf32, #tpu.memory_space<hbm>>)
    %dma_wait3A_988 = arith.constant 3 : i32
    %dma_wait3A_989 = arith.constant 0 : i32
    %dma_wait3A_990 = arith.constant 0 : i32
    %dma_wait3A_991 = tpu.memref_slice %arg9[%dma_wait3A_988, %dma_wait3A_989, %dma_wait3A_990] : memref<4x128x64xf32, #tpu.memory_space<vmem>> -> memref<1x128x64xf32, #tpu.memory_space<vmem>>
    %dma_wait3A_992 = tpu.memref_squeeze %dma_wait3A_991 : memref<1x128x64xf32, #tpu.memory_space<vmem>> -> memref<128x64xf32, #tpu.memory_space<vmem>>
    %dma_wait3A_993 = arith.constant 0 : i32
    %dma_wait3A_994 = arith.constant 0 : i32
    %dma_wait3A_995 = tpu.memref_slice %arg5[%sub3A_833, %dma_wait3A_993, %dma_wait3A_994] : memref<256x128x64xf32, #tpu.memory_space<hbm>> -> memref<1x128x64xf32, #tpu.memory_space<hbm>>
    %dma_wait3A_996 = tpu.memref_squeeze %dma_wait3A_995 : memref<1x128x64xf32, #tpu.memory_space<hbm>> -> memref<128x64xf32, #tpu.memory_space<hbm>>
    %dma_wait3A_997 = arith.constant 0 : i32
    %dma_wait3A_998 = arith.constant 0 : i32
    %dma_wait3A_999 = tpu.memref_slice %arg5[%sub3A_833, %dma_wait3A_997, %dma_wait3A_998] : memref<256x128x64xf32, #tpu.memory_space<hbm>> -> memref<1x128x64xf32, #tpu.memory_space<hbm>>
    %dma_wait3A_1000 = tpu.memref_squeeze %dma_wait3A_999 : memref<1x128x64xf32, #tpu.memory_space<hbm>> -> memref<128x64xf32, #tpu.memory_space<hbm>>
    %dma_wait3A_1001 = arith.constant 0 : i32
    %dma_wait3A_1002 = arith.constant 0 : i32
    %dma_wait3A_1003 = tpu.memref_slice %arg9[%dma_wait3A_988, %dma_wait3A_1001, %dma_wait3A_1002] : memref<4x128x64xf32, #tpu.memory_space<vmem>> -> memref<1x128x64xf32, #tpu.memory_space<vmem>>
    %dma_wait3A_1004 = tpu.memref_squeeze %dma_wait3A_1003 : memref<1x128x64xf32, #tpu.memory_space<vmem>> -> memref<128x64xf32, #tpu.memory_space<vmem>>
    tpu.wait_dma2 semaphore(%arg22 : memref<!tpu.dma_semaphore, #tpu.memory_space<semaphore_mem>>) src(%dma_wait3A_1004 : memref<128x64xf32, #tpu.memory_space<vmem>>) dst(%dma_wait3A_1000 : memref<128x64xf32, #tpu.memory_space<hbm>>)
    %dma_wait3A_1005 = arith.constant 3 : i32
    %dma_wait3A_1006 = arith.constant 0 : i32
    %dma_wait3A_1007 = arith.constant 0 : i32
    %dma_wait3A_1008 = tpu.memref_slice %arg10[%dma_wait3A_1005, %dma_wait3A_1006, %dma_wait3A_1007] : memref<4x128x64xf32, #tpu.memory_space<vmem>> -> memref<1x128x64xf32, #tpu.memory_space<vmem>>
    %dma_wait3A_1009 = tpu.memref_squeeze %dma_wait3A_1008 : memref<1x128x64xf32, #tpu.memory_space<vmem>> -> memref<128x64xf32, #tpu.memory_space<vmem>>
    %dma_wait3A_1010 = arith.constant 0 : i32
    %dma_wait3A_1011 = arith.constant 0 : i32
    %dma_wait3A_1012 = tpu.memref_slice %arg6[%sub3A_868, %dma_wait3A_1010, %dma_wait3A_1011] : memref<256x128x64xf32, #tpu.memory_space<hbm>> -> memref<1x128x64xf32, #tpu.memory_space<hbm>>
    %dma_wait3A_1013 = tpu.memref_squeeze %dma_wait3A_1012 : memref<1x128x64xf32, #tpu.memory_space<hbm>> -> memref<128x64xf32, #tpu.memory_space<hbm>>
    %dma_wait3A_1014 = arith.constant 0 : i32
    %dma_wait3A_1015 = arith.constant 0 : i32
    %dma_wait3A_1016 = tpu.memref_slice %arg6[%sub3A_868, %dma_wait3A_1014, %dma_wait3A_1015] : memref<256x128x64xf32, #tpu.memory_space<hbm>> -> memref<1x128x64xf32, #tpu.memory_space<hbm>>
    %dma_wait3A_1017 = tpu.memref_squeeze %dma_wait3A_1016 : memref<1x128x64xf32, #tpu.memory_space<hbm>> -> memref<128x64xf32, #tpu.memory_space<hbm>>
    %dma_wait3A_1018 = arith.constant 0 : i32
    %dma_wait3A_1019 = arith.constant 0 : i32
    %dma_wait3A_1020 = tpu.memref_slice %arg10[%dma_wait3A_1005, %dma_wait3A_1018, %dma_wait3A_1019] : memref<4x128x64xf32, #tpu.memory_space<vmem>> -> memref<1x128x64xf32, #tpu.memory_space<vmem>>
    %dma_wait3A_1021 = tpu.memref_squeeze %dma_wait3A_1020 : memref<1x128x64xf32, #tpu.memory_space<vmem>> -> memref<128x64xf32, #tpu.memory_space<vmem>>
    tpu.wait_dma2 semaphore(%arg26 : memref<!tpu.dma_semaphore, #tpu.memory_space<semaphore_mem>>) src(%dma_wait3A_1021 : memref<128x64xf32, #tpu.memory_space<vmem>>) dst(%dma_wait3A_1017 : memref<128x64xf32, #tpu.memory_space<hbm>>)
    return
  }
}

module attributes {stable_mosaic.version = 14 : i64} {
  func.func @_qkv_body(%arg0: i32, %arg1: memref<256x1024xf32, #tpu.memory_space<vmem>>, %arg2: memref<1024x1024xf32, #tpu.memory_space<vmem>>, %arg3: memref<1024x1024xf32, #tpu.memory_space<vmem>>, %arg4: memref<1024x1024xf32, #tpu.memory_space<vmem>>, %arg5: memref<256x1024xf32, #tpu.memory_space<vmem>>, %arg6: memref<256x1024xf32, #tpu.memory_space<vmem>>, %arg7: memref<256x1024xf32, #tpu.memory_space<vmem>>) attributes {dimension_semantics = [#tpu.dimension_semantics<arbitrary>], iteration_bounds = array<i64: 8>, scalar_prefetch = 0 : i64, scratch_operands = 0 : i64, tpu.core_type = #tpu.core_type<tc>, window_params = [{transform_indices = @transform_0, window_bounds = array<i64: 256, 1024>}, {pipeline_mode = #tpu.pipeline_mode<synchronous>, transform_indices = @transform_1, window_bounds = array<i64: 1024, 1024>}, {pipeline_mode = #tpu.pipeline_mode<synchronous>, transform_indices = @transform_2, window_bounds = array<i64: 1024, 1024>}, {pipeline_mode = #tpu.pipeline_mode<synchronous>, transform_indices = @transform_3, window_bounds = array<i64: 1024, 1024>}, {transform_indices = @transform_4, window_bounds = array<i64: 256, 1024>}, {transform_indices = @transform_5, window_bounds = array<i64: 256, 1024>}, {transform_indices = @transform_6, window_bounds = array<i64: 256, 1024>}]} {
    %get3A = arith.constant 0 : index
    %get3A_0 = arith.constant 0 : index
    %get3A_1 = vector.load %arg1[%get3A, %get3A_0] : memref<256x1024xf32, #tpu.memory_space<vmem>>, vector<256x1024xf32>
    %get3A_2 = arith.constant 0 : index
    %get3A_3 = arith.constant 0 : index
    %get3A_4 = vector.load %arg2[%get3A_2, %get3A_3] : memref<1024x1024xf32, #tpu.memory_space<vmem>>, vector<1024x1024xf32>
    %dot_general3A = arith.constant dense<0.000000e+00> : vector<256x1024xf32>
    %dot_general3A_5 = tpu.matmul %get3A_1, %get3A_4, %dot_general3A {dimension_numbers = #tpu.dot_dimension_numbers<[1], [0], [0], [1], [0, 0, 1, 1], [], []>, transpose_lhs_hint = false} : vector<256x1024xf32>, vector<1024x1024xf32>, vector<256x1024xf32> -> vector<256x1024xf32>
    %swap3A = arith.constant 0 : index
    %swap3A_6 = arith.constant 0 : index
    %swap3A_7 = vector.load %arg5[%swap3A, %swap3A_6] : memref<256x1024xf32, #tpu.memory_space<vmem>>, vector<256x1024xf32>
    tpu.vector_store %arg5[%swap3A, %swap3A_6], %dot_general3A_5 {strides = array<i32>} : memref<256x1024xf32, #tpu.memory_space<vmem>>, vector<256x1024xf32>,
    %get3A_8 = arith.constant 0 : index
    %get3A_9 = arith.constant 0 : index
    %get3A_10 = vector.load %arg3[%get3A_8, %get3A_9] : memref<1024x1024xf32, #tpu.memory_space<vmem>>, vector<1024x1024xf32>
    %dot_general3A_11 = arith.constant dense<0.000000e+00> : vector<256x1024xf32>
    %dot_general3A_12 = tpu.matmul %get3A_1, %get3A_10, %dot_general3A_11 {dimension_numbers = #tpu.dot_dimension_numbers<[1], [0], [0], [1], [0, 0, 1, 1], [], []>, transpose_lhs_hint = false} : vector<256x1024xf32>, vector<1024x1024xf32>, vector<256x1024xf32> -> vector<256x1024xf32>
    %swap3A_13 = arith.constant 0 : index
    %swap3A_14 = arith.constant 0 : index
    %swap3A_15 = vector.load %arg6[%swap3A_13, %swap3A_14] : memref<256x1024xf32, #tpu.memory_space<vmem>>, vector<256x1024xf32>
    tpu.vector_store %arg6[%swap3A_13, %swap3A_14], %dot_general3A_12 {strides = array<i32>} : memref<256x1024xf32, #tpu.memory_space<vmem>>, vector<256x1024xf32>,
    %get3A_16 = arith.constant 0 : index
    %get3A_17 = arith.constant 0 : index
    %get3A_18 = vector.load %arg4[%get3A_16, %get3A_17] : memref<1024x1024xf32, #tpu.memory_space<vmem>>, vector<1024x1024xf32>
    %dot_general3A_19 = arith.constant dense<0.000000e+00> : vector<256x1024xf32>
    %dot_general3A_20 = tpu.matmul %get3A_1, %get3A_18, %dot_general3A_19 {dimension_numbers = #tpu.dot_dimension_numbers<[1], [0], [0], [1], [0, 0, 1, 1], [], []>, transpose_lhs_hint = false} : vector<256x1024xf32>, vector<1024x1024xf32>, vector<256x1024xf32> -> vector<256x1024xf32>
    %swap3A_21 = arith.constant 0 : index
    %swap3A_22 = arith.constant 0 : index
    %swap3A_23 = vector.load %arg7[%swap3A_21, %swap3A_22] : memref<256x1024xf32, #tpu.memory_space<vmem>>, vector<256x1024xf32>
    tpu.vector_store %arg7[%swap3A_21, %swap3A_22], %dot_general3A_20 {strides = array<i32>} : memref<256x1024xf32, #tpu.memory_space<vmem>>, vector<256x1024xf32>,
    return
  }
  func.func @transform_0(%arg0: i32) -> (i32, i32) {
    %c0_i32 = arith.constant 0 : i32
    %c0_i32_0 = arith.constant 0 : i32
    return %arg0, %c0_i32 : i32, i32
  }
  func.func @transform_1(%arg0: i32) -> (i32, i32) {
    %c0_i32 = arith.constant 0 : i32
    %c0_i32_0 = arith.constant 0 : i32
    %c0_i32_1 = arith.constant 0 : i32
    return %c0_i32, %c0_i32_0 : i32, i32
  }
  func.func @transform_2(%arg0: i32) -> (i32, i32) {
    %c0_i32 = arith.constant 0 : i32
    %c0_i32_0 = arith.constant 0 : i32
    %c0_i32_1 = arith.constant 0 : i32
    return %c0_i32, %c0_i32_0 : i32, i32
  }
  func.func @transform_3(%arg0: i32) -> (i32, i32) {
    %c0_i32 = arith.constant 0 : i32
    %c0_i32_0 = arith.constant 0 : i32
    %c0_i32_1 = arith.constant 0 : i32
    return %c0_i32, %c0_i32_0 : i32, i32
  }
  func.func @transform_4(%arg0: i32) -> (i32, i32) {
    %c0_i32 = arith.constant 0 : i32
    %c0_i32_0 = arith.constant 0 : i32
    return %arg0, %c0_i32 : i32, i32
  }
  func.func @transform_5(%arg0: i32) -> (i32, i32) {
    %c0_i32 = arith.constant 0 : i32
    %c0_i32_0 = arith.constant 0 : i32
    return %arg0, %c0_i32 : i32, i32
  }
  func.func @transform_6(%arg0: i32) -> (i32, i32) {
    %c0_i32 = arith.constant 0 : i32
    %c0_i32_0 = arith.constant 0 : i32
    return %arg0, %c0_i32 : i32, i32
  }
}

module attributes {stable_mosaic.version = 14 : i64} {
  func.func @_top2_body(%arg0: i32, %arg1: memref<256x1024xf32, #tpu.memory_space<vmem>>, %arg2: memref<2048x1024xf32, #tpu.memory_space<vmem>>, %arg3: memref<256x16xi32, #tpu.memory_space<vmem>>, %arg4: memref<256x16xi32, #tpu.memory_space<vmem>>) attributes {dimension_semantics = [#tpu.dimension_semantics<arbitrary>], iteration_bounds = array<i64: 8>, scalar_prefetch = 0 : i64, scratch_operands = 0 : i64, tpu.core_type = #tpu.core_type<tc>, window_params = [{transform_indices = @transform_0, window_bounds = array<i64: 256, 1024>}, {pipeline_mode = #tpu.pipeline_mode<synchronous>, transform_indices = @transform_1, window_bounds = array<i64: 2048, 1024>}, {transform_indices = @transform_2, window_bounds = array<i64: 256, 16>}, {transform_indices = @transform_3, window_bounds = array<i64: 256, 16>}]} {
    %iota3A = tpu.iota {dimensions = array<i32: 1>} : vector<256x2048xi32>
    %mul3A = arith.constant 256 : i32
    %mul3A_0 = arith.muli %arg0, %mul3A : i32
    %iota3A_1 = tpu.iota {dimensions = array<i32: 0>} : vector<256x2048xi32>
    %add3A = vector.broadcast %mul3A_0 : i32 to vector<256x2048xi32>
    %add3A_2 = arith.addi %add3A, %iota3A_1 : vector<256x2048xi32>
    %convert_element_type3A = arith.sitofp %iota3A : vector<256x2048xi32> to vector<256x2048xf32>
    %eq3A = arith.cmpi eq, %iota3A, %add3A_2 : vector<256x2048xi32>
    %get3A = arith.constant 0 : index
    %get3A_3 = arith.constant 0 : index
    %get3A_4 = vector.load %arg1[%get3A, %get3A_3] : memref<256x1024xf32, #tpu.memory_space<vmem>>, vector<256x64xf32>
    %get3A_5 = arith.constant 0 : index
    %get3A_6 = arith.constant 0 : index
    %get3A_7 = vector.load %arg2[%get3A_5, %get3A_6] : memref<2048x1024xf32, #tpu.memory_space<vmem>>, vector<2048x64xf32>
    %dot_general3A = arith.constant dense<0.000000e+00> : vector<256x2048xf32>
    %dot_general3A_8 = tpu.matmul %get3A_4, %get3A_7, %dot_general3A {dimension_numbers = #tpu.dot_dimension_numbers<[1], [1], [0], [0], [0, 0, 1, 0], [], []>, transpose_lhs_hint = false} : vector<256x64xf32>, vector<2048x64xf32>, vector<256x2048xf32> -> vector<256x2048xf32>
    %jit3A = arith.constant 0xFF800000 : f32
    %broadcast_in_dim3A = vector.broadcast %jit3A : f32 to vector<256x2048xf32>
    %select_n3A = arith.select %eq3A, %broadcast_in_dim3A, %dot_general3A_8 : vector<256x2048xi1>, vector<256x2048xf32>
    %reduce_max3A = arith.constant dense<0xFF800000> : vector<256xf32>
    %reduce_max3A_9 = vector.multi_reduction <maximumf>, %select_n3A, %reduce_max3A [1] : vector<256x2048xf32> to vector<256xf32>
    %broadcast_in_dim3A_10 = vector.shape_cast %reduce_max3A_9 : vector<256xf32> to vector<256x1xf32>
    %eq3A_11 = vector.broadcast %broadcast_in_dim3A_10 : vector<256x1xf32> to vector<256x2048xf32>
    %eq3A_12 = arith.cmpf oeq, %select_n3A, %eq3A_11 : vector<256x2048xf32>
    %jit3A_13 = arith.constant 2.048000e+03 : f32
    %broadcast_in_dim3A_14 = vector.broadcast %jit3A_13 : f32 to vector<256x2048xf32>
    %select_n3A_15 = arith.select %eq3A_12, %convert_element_type3A, %broadcast_in_dim3A_14 : vector<256x2048xi1>, vector<256x2048xf32>
    %reduce_min3A = arith.constant dense<0x7F800000> : vector<256xf32>
    %reduce_min3A_16 = vector.multi_reduction <minimumf>, %select_n3A_15, %reduce_min3A [1] : vector<256x2048xf32> to vector<256xf32>
    %broadcast_in_dim3A_17 = vector.shape_cast %reduce_min3A_16 : vector<256xf32> to vector<256x1xf32>
    %eq3A_18 = vector.broadcast %broadcast_in_dim3A_17 : vector<256x1xf32> to vector<256x2048xf32>
    %eq3A_19 = arith.cmpf oeq, %convert_element_type3A, %eq3A_18 : vector<256x2048xf32>
    %jit3A_20 = arith.constant 0xFF800000 : f32
    %broadcast_in_dim3A_21 = vector.broadcast %jit3A_20 : f32 to vector<256x2048xf32>
    %select_n3A_22 = arith.select %eq3A_19, %broadcast_in_dim3A_21, %select_n3A : vector<256x2048xi1>, vector<256x2048xf32>
    %reduce_max3A_23 = arith.constant dense<0xFF800000> : vector<256xf32>
    %reduce_max3A_24 = vector.multi_reduction <maximumf>, %select_n3A_22, %reduce_max3A_23 [1] : vector<256x2048xf32> to vector<256xf32>
    %broadcast_in_dim3A_25 = vector.shape_cast %reduce_max3A_24 : vector<256xf32> to vector<256x1xf32>
    %eq3A_26 = vector.broadcast %broadcast_in_dim3A_25 : vector<256x1xf32> to vector<256x2048xf32>
    %eq3A_27 = arith.cmpf oeq, %select_n3A_22, %eq3A_26 : vector<256x2048xf32>
    %jit3A_28 = arith.constant 2.048000e+03 : f32
    %broadcast_in_dim3A_29 = vector.broadcast %jit3A_28 : f32 to vector<256x2048xf32>
    %select_n3A_30 = arith.select %eq3A_27, %convert_element_type3A, %broadcast_in_dim3A_29 : vector<256x2048xi1>, vector<256x2048xf32>
    %reduce_min3A_31 = arith.constant dense<0x7F800000> : vector<256xf32>
    %reduce_min3A_32 = vector.multi_reduction <minimumf>, %select_n3A_30, %reduce_min3A_31 [1] : vector<256x2048xf32> to vector<256xf32>
    %broadcast_in_dim3A_33 = vector.shape_cast %reduce_min3A_32 : vector<256xf32> to vector<256x1xf32>
    %convert_element_type3A_34 = arith.fptosi %broadcast_in_dim3A_17 : vector<256x1xf32> to vector<256x1xi32>
    %mul3A_35 = arith.constant 16 : i32
    %mul3A_36 = vector.broadcast %mul3A_35 : i32 to vector<256x1xi32>
    %mul3A_37 = arith.muli %convert_element_type3A_34, %mul3A_36 : vector<256x1xi32>
    %add3A_38 = arith.constant 0 : i32
    %add3A_39 = vector.broadcast %add3A_38 : i32 to vector<256x1xi32>
    %add3A_40 = arith.addi %mul3A_37, %add3A_39 : vector<256x1xi32>
    %convert_element_type3A_41 = arith.fptosi %broadcast_in_dim3A_33 : vector<256x1xf32> to vector<256x1xi32>
    %mul3A_42 = arith.constant 16 : i32
    %mul3A_43 = vector.broadcast %mul3A_42 : i32 to vector<256x1xi32>
    %mul3A_44 = arith.muli %convert_element_type3A_41, %mul3A_43 : vector<256x1xi32>
    %add3A_45 = arith.constant 0 : i32
    %add3A_46 = vector.broadcast %add3A_45 : i32 to vector<256x1xi32>
    %add3A_47 = arith.addi %mul3A_44, %add3A_46 : vector<256x1xi32>
    %get3A_48 = arith.constant 0 : index
    %get3A_49 = arith.constant 64 : index
    %get3A_50 = vector.load %arg1[%get3A_48, %get3A_49] : memref<256x1024xf32, #tpu.memory_space<vmem>>, vector<256x64xf32>
    %get3A_51 = arith.constant 0 : index
    %get3A_52 = arith.constant 64 : index
    %get3A_53 = vector.load %arg2[%get3A_51, %get3A_52] : memref<2048x1024xf32, #tpu.memory_space<vmem>>, vector<2048x64xf32>
    %dot_general3A_54 = arith.constant dense<0.000000e+00> : vector<256x2048xf32>
    %dot_general3A_55 = tpu.matmul %get3A_50, %get3A_53, %dot_general3A_54 {dimension_numbers = #tpu.dot_dimension_numbers<[1], [1], [0], [0], [0, 0, 1, 0], [], []>, transpose_lhs_hint = false} : vector<256x64xf32>, vector<2048x64xf32>, vector<256x2048xf32> -> vector<256x2048xf32>
    %jit3A_56 = arith.constant 0xFF800000 : f32
    %broadcast_in_dim3A_57 = vector.broadcast %jit3A_56 : f32 to vector<256x2048xf32>
    %select_n3A_58 = arith.select %eq3A, %broadcast_in_dim3A_57, %dot_general3A_55 : vector<256x2048xi1>, vector<256x2048xf32>
    %reduce_max3A_59 = arith.constant dense<0xFF800000> : vector<256xf32>
    %reduce_max3A_60 = vector.multi_reduction <maximumf>, %select_n3A_58, %reduce_max3A_59 [1] : vector<256x2048xf32> to vector<256xf32>
    %broadcast_in_dim3A_61 = vector.shape_cast %reduce_max3A_60 : vector<256xf32> to vector<256x1xf32>
    %eq3A_62 = vector.broadcast %broadcast_in_dim3A_61 : vector<256x1xf32> to vector<256x2048xf32>
    %eq3A_63 = arith.cmpf oeq, %select_n3A_58, %eq3A_62 : vector<256x2048xf32>
    %jit3A_64 = arith.constant 2.048000e+03 : f32
    %broadcast_in_dim3A_65 = vector.broadcast %jit3A_64 : f32 to vector<256x2048xf32>
    %select_n3A_66 = arith.select %eq3A_63, %convert_element_type3A, %broadcast_in_dim3A_65 : vector<256x2048xi1>, vector<256x2048xf32>
    %reduce_min3A_67 = arith.constant dense<0x7F800000> : vector<256xf32>
    %reduce_min3A_68 = vector.multi_reduction <minimumf>, %select_n3A_66, %reduce_min3A_67 [1] : vector<256x2048xf32> to vector<256xf32>
    %broadcast_in_dim3A_69 = vector.shape_cast %reduce_min3A_68 : vector<256xf32> to vector<256x1xf32>
    %eq3A_70 = vector.broadcast %broadcast_in_dim3A_69 : vector<256x1xf32> to vector<256x2048xf32>
    %eq3A_71 = arith.cmpf oeq, %convert_element_type3A, %eq3A_70 : vector<256x2048xf32>
    %jit3A_72 = arith.constant 0xFF800000 : f32
    %broadcast_in_dim3A_73 = vector.broadcast %jit3A_72 : f32 to vector<256x2048xf32>
    %select_n3A_74 = arith.select %eq3A_71, %broadcast_in_dim3A_73, %select_n3A_58 : vector<256x2048xi1>, vector<256x2048xf32>
    %reduce_max3A_75 = arith.constant dense<0xFF800000> : vector<256xf32>
    %reduce_max3A_76 = vector.multi_reduction <maximumf>, %select_n3A_74, %reduce_max3A_75 [1] : vector<256x2048xf32> to vector<256xf32>
    %broadcast_in_dim3A_77 = vector.shape_cast %reduce_max3A_76 : vector<256xf32> to vector<256x1xf32>
    %eq3A_78 = vector.broadcast %broadcast_in_dim3A_77 : vector<256x1xf32> to vector<256x2048xf32>
    %eq3A_79 = arith.cmpf oeq, %select_n3A_74, %eq3A_78 : vector<256x2048xf32>
    %jit3A_80 = arith.constant 2.048000e+03 : f32
    %broadcast_in_dim3A_81 = vector.broadcast %jit3A_80 : f32 to vector<256x2048xf32>
    %select_n3A_82 = arith.select %eq3A_79, %convert_element_type3A, %broadcast_in_dim3A_81 : vector<256x2048xi1>, vector<256x2048xf32>
    %reduce_min3A_83 = arith.constant dense<0x7F800000> : vector<256xf32>
    %reduce_min3A_84 = vector.multi_reduction <minimumf>, %select_n3A_82, %reduce_min3A_83 [1] : vector<256x2048xf32> to vector<256xf32>
    %broadcast_in_dim3A_85 = vector.shape_cast %reduce_min3A_84 : vector<256xf32> to vector<256x1xf32>
    %convert_element_type3A_86 = arith.fptosi %broadcast_in_dim3A_69 : vector<256x1xf32> to vector<256x1xi32>
    %mul3A_87 = arith.constant 16 : i32
    %mul3A_88 = vector.broadcast %mul3A_87 : i32 to vector<256x1xi32>
    %mul3A_89 = arith.muli %convert_element_type3A_86, %mul3A_88 : vector<256x1xi32>
    %add3A_90 = arith.constant 1 : i32
    %add3A_91 = vector.broadcast %add3A_90 : i32 to vector<256x1xi32>
    %add3A_92 = arith.addi %mul3A_89, %add3A_91 : vector<256x1xi32>
    %convert_element_type3A_93 = arith.fptosi %broadcast_in_dim3A_85 : vector<256x1xf32> to vector<256x1xi32>
    %mul3A_94 = arith.constant 16 : i32
    %mul3A_95 = vector.broadcast %mul3A_94 : i32 to vector<256x1xi32>
    %mul3A_96 = arith.muli %convert_element_type3A_93, %mul3A_95 : vector<256x1xi32>
    %add3A_97 = arith.constant 1 : i32
    %add3A_98 = vector.broadcast %add3A_97 : i32 to vector<256x1xi32>
    %add3A_99 = arith.addi %mul3A_96, %add3A_98 : vector<256x1xi32>
    %get3A_100 = arith.constant 0 : index
    %get3A_101 = arith.constant 128 : index
    %get3A_102 = vector.load %arg1[%get3A_100, %get3A_101] : memref<256x1024xf32, #tpu.memory_space<vmem>>, vector<256x64xf32>
    %get3A_103 = arith.constant 0 : index
    %get3A_104 = arith.constant 128 : index
    %get3A_105 = vector.load %arg2[%get3A_103, %get3A_104] : memref<2048x1024xf32, #tpu.memory_space<vmem>>, vector<2048x64xf32>
    %dot_general3A_106 = arith.constant dense<0.000000e+00> : vector<256x2048xf32>
    %dot_general3A_107 = tpu.matmul %get3A_102, %get3A_105, %dot_general3A_106 {dimension_numbers = #tpu.dot_dimension_numbers<[1], [1], [0], [0], [0, 0, 1, 0], [], []>, transpose_lhs_hint = false} : vector<256x64xf32>, vector<2048x64xf32>, vector<256x2048xf32> -> vector<256x2048xf32>
    %jit3A_108 = arith.constant 0xFF800000 : f32
    %broadcast_in_dim3A_109 = vector.broadcast %jit3A_108 : f32 to vector<256x2048xf32>
    %select_n3A_110 = arith.select %eq3A, %broadcast_in_dim3A_109, %dot_general3A_107 : vector<256x2048xi1>, vector<256x2048xf32>
    %reduce_max3A_111 = arith.constant dense<0xFF800000> : vector<256xf32>
    %reduce_max3A_112 = vector.multi_reduction <maximumf>, %select_n3A_110, %reduce_max3A_111 [1] : vector<256x2048xf32> to vector<256xf32>
    %broadcast_in_dim3A_113 = vector.shape_cast %reduce_max3A_112 : vector<256xf32> to vector<256x1xf32>
    %eq3A_114 = vector.broadcast %broadcast_in_dim3A_113 : vector<256x1xf32> to vector<256x2048xf32>
    %eq3A_115 = arith.cmpf oeq, %select_n3A_110, %eq3A_114 : vector<256x2048xf32>
    %jit3A_116 = arith.constant 2.048000e+03 : f32
    %broadcast_in_dim3A_117 = vector.broadcast %jit3A_116 : f32 to vector<256x2048xf32>
    %select_n3A_118 = arith.select %eq3A_115, %convert_element_type3A, %broadcast_in_dim3A_117 : vector<256x2048xi1>, vector<256x2048xf32>
    %reduce_min3A_119 = arith.constant dense<0x7F800000> : vector<256xf32>
    %reduce_min3A_120 = vector.multi_reduction <minimumf>, %select_n3A_118, %reduce_min3A_119 [1] : vector<256x2048xf32> to vector<256xf32>
    %broadcast_in_dim3A_121 = vector.shape_cast %reduce_min3A_120 : vector<256xf32> to vector<256x1xf32>
    %eq3A_122 = vector.broadcast %broadcast_in_dim3A_121 : vector<256x1xf32> to vector<256x2048xf32>
    %eq3A_123 = arith.cmpf oeq, %convert_element_type3A, %eq3A_122 : vector<256x2048xf32>
    %jit3A_124 = arith.constant 0xFF800000 : f32
    %broadcast_in_dim3A_125 = vector.broadcast %jit3A_124 : f32 to vector<256x2048xf32>
    %select_n3A_126 = arith.select %eq3A_123, %broadcast_in_dim3A_125, %select_n3A_110 : vector<256x2048xi1>, vector<256x2048xf32>
    %reduce_max3A_127 = arith.constant dense<0xFF800000> : vector<256xf32>
    %reduce_max3A_128 = vector.multi_reduction <maximumf>, %select_n3A_126, %reduce_max3A_127 [1] : vector<256x2048xf32> to vector<256xf32>
    %broadcast_in_dim3A_129 = vector.shape_cast %reduce_max3A_128 : vector<256xf32> to vector<256x1xf32>
    %eq3A_130 = vector.broadcast %broadcast_in_dim3A_129 : vector<256x1xf32> to vector<256x2048xf32>
    %eq3A_131 = arith.cmpf oeq, %select_n3A_126, %eq3A_130 : vector<256x2048xf32>
    %jit3A_132 = arith.constant 2.048000e+03 : f32
    %broadcast_in_dim3A_133 = vector.broadcast %jit3A_132 : f32 to vector<256x2048xf32>
    %select_n3A_134 = arith.select %eq3A_131, %convert_element_type3A, %broadcast_in_dim3A_133 : vector<256x2048xi1>, vector<256x2048xf32>
    %reduce_min3A_135 = arith.constant dense<0x7F800000> : vector<256xf32>
    %reduce_min3A_136 = vector.multi_reduction <minimumf>, %select_n3A_134, %reduce_min3A_135 [1] : vector<256x2048xf32> to vector<256xf32>
    %broadcast_in_dim3A_137 = vector.shape_cast %reduce_min3A_136 : vector<256xf32> to vector<256x1xf32>
    %convert_element_type3A_138 = arith.fptosi %broadcast_in_dim3A_121 : vector<256x1xf32> to vector<256x1xi32>
    %mul3A_139 = arith.constant 16 : i32
    %mul3A_140 = vector.broadcast %mul3A_139 : i32 to vector<256x1xi32>
    %mul3A_141 = arith.muli %convert_element_type3A_138, %mul3A_140 : vector<256x1xi32>
    %add3A_142 = arith.constant 2 : i32
    %add3A_143 = vector.broadcast %add3A_142 : i32 to vector<256x1xi32>
    %add3A_144 = arith.addi %mul3A_141, %add3A_143 : vector<256x1xi32>
    %convert_element_type3A_145 = arith.fptosi %broadcast_in_dim3A_137 : vector<256x1xf32> to vector<256x1xi32>
    %mul3A_146 = arith.constant 16 : i32
    %mul3A_147 = vector.broadcast %mul3A_146 : i32 to vector<256x1xi32>
    %mul3A_148 = arith.muli %convert_element_type3A_145, %mul3A_147 : vector<256x1xi32>
    %add3A_149 = arith.constant 2 : i32
    %add3A_150 = vector.broadcast %add3A_149 : i32 to vector<256x1xi32>
    %add3A_151 = arith.addi %mul3A_148, %add3A_150 : vector<256x1xi32>
    %get3A_152 = arith.constant 0 : index
    %get3A_153 = arith.constant 192 : index
    %get3A_154 = vector.load %arg1[%get3A_152, %get3A_153] : memref<256x1024xf32, #tpu.memory_space<vmem>>, vector<256x64xf32>
    %get3A_155 = arith.constant 0 : index
    %get3A_156 = arith.constant 192 : index
    %get3A_157 = vector.load %arg2[%get3A_155, %get3A_156] : memref<2048x1024xf32, #tpu.memory_space<vmem>>, vector<2048x64xf32>
    %dot_general3A_158 = arith.constant dense<0.000000e+00> : vector<256x2048xf32>
    %dot_general3A_159 = tpu.matmul %get3A_154, %get3A_157, %dot_general3A_158 {dimension_numbers = #tpu.dot_dimension_numbers<[1], [1], [0], [0], [0, 0, 1, 0], [], []>, transpose_lhs_hint = false} : vector<256x64xf32>, vector<2048x64xf32>, vector<256x2048xf32> -> vector<256x2048xf32>
    %jit3A_160 = arith.constant 0xFF800000 : f32
    %broadcast_in_dim3A_161 = vector.broadcast %jit3A_160 : f32 to vector<256x2048xf32>
    %select_n3A_162 = arith.select %eq3A, %broadcast_in_dim3A_161, %dot_general3A_159 : vector<256x2048xi1>, vector<256x2048xf32>
    %reduce_max3A_163 = arith.constant dense<0xFF800000> : vector<256xf32>
    %reduce_max3A_164 = vector.multi_reduction <maximumf>, %select_n3A_162, %reduce_max3A_163 [1] : vector<256x2048xf32> to vector<256xf32>
    %broadcast_in_dim3A_165 = vector.shape_cast %reduce_max3A_164 : vector<256xf32> to vector<256x1xf32>
    %eq3A_166 = vector.broadcast %broadcast_in_dim3A_165 : vector<256x1xf32> to vector<256x2048xf32>
    %eq3A_167 = arith.cmpf oeq, %select_n3A_162, %eq3A_166 : vector<256x2048xf32>
    %jit3A_168 = arith.constant 2.048000e+03 : f32
    %broadcast_in_dim3A_169 = vector.broadcast %jit3A_168 : f32 to vector<256x2048xf32>
    %select_n3A_170 = arith.select %eq3A_167, %convert_element_type3A, %broadcast_in_dim3A_169 : vector<256x2048xi1>, vector<256x2048xf32>
    %reduce_min3A_171 = arith.constant dense<0x7F800000> : vector<256xf32>
    %reduce_min3A_172 = vector.multi_reduction <minimumf>, %select_n3A_170, %reduce_min3A_171 [1] : vector<256x2048xf32> to vector<256xf32>
    %broadcast_in_dim3A_173 = vector.shape_cast %reduce_min3A_172 : vector<256xf32> to vector<256x1xf32>
    %eq3A_174 = vector.broadcast %broadcast_in_dim3A_173 : vector<256x1xf32> to vector<256x2048xf32>
    %eq3A_175 = arith.cmpf oeq, %convert_element_type3A, %eq3A_174 : vector<256x2048xf32>
    %jit3A_176 = arith.constant 0xFF800000 : f32
    %broadcast_in_dim3A_177 = vector.broadcast %jit3A_176 : f32 to vector<256x2048xf32>
    %select_n3A_178 = arith.select %eq3A_175, %broadcast_in_dim3A_177, %select_n3A_162 : vector<256x2048xi1>, vector<256x2048xf32>
    %reduce_max3A_179 = arith.constant dense<0xFF800000> : vector<256xf32>
    %reduce_max3A_180 = vector.multi_reduction <maximumf>, %select_n3A_178, %reduce_max3A_179 [1] : vector<256x2048xf32> to vector<256xf32>
    %broadcast_in_dim3A_181 = vector.shape_cast %reduce_max3A_180 : vector<256xf32> to vector<256x1xf32>
    %eq3A_182 = vector.broadcast %broadcast_in_dim3A_181 : vector<256x1xf32> to vector<256x2048xf32>
    %eq3A_183 = arith.cmpf oeq, %select_n3A_178, %eq3A_182 : vector<256x2048xf32>
    %jit3A_184 = arith.constant 2.048000e+03 : f32
    %broadcast_in_dim3A_185 = vector.broadcast %jit3A_184 : f32 to vector<256x2048xf32>
    %select_n3A_186 = arith.select %eq3A_183, %convert_element_type3A, %broadcast_in_dim3A_185 : vector<256x2048xi1>, vector<256x2048xf32>
    %reduce_min3A_187 = arith.constant dense<0x7F800000> : vector<256xf32>
    %reduce_min3A_188 = vector.multi_reduction <minimumf>, %select_n3A_186, %reduce_min3A_187 [1] : vector<256x2048xf32> to vector<256xf32>
    %broadcast_in_dim3A_189 = vector.shape_cast %reduce_min3A_188 : vector<256xf32> to vector<256x1xf32>
    %convert_element_type3A_190 = arith.fptosi %broadcast_in_dim3A_173 : vector<256x1xf32> to vector<256x1xi32>
    %mul3A_191 = arith.constant 16 : i32
    %mul3A_192 = vector.broadcast %mul3A_191 : i32 to vector<256x1xi32>
    %mul3A_193 = arith.muli %convert_element_type3A_190, %mul3A_192 : vector<256x1xi32>
    %add3A_194 = arith.constant 3 : i32
    %add3A_195 = vector.broadcast %add3A_194 : i32 to vector<256x1xi32>
    %add3A_196 = arith.addi %mul3A_193, %add3A_195 : vector<256x1xi32>
    %convert_element_type3A_197 = arith.fptosi %broadcast_in_dim3A_189 : vector<256x1xf32> to vector<256x1xi32>
    %mul3A_198 = arith.constant 16 : i32
    %mul3A_199 = vector.broadcast %mul3A_198 : i32 to vector<256x1xi32>
    %mul3A_200 = arith.muli %convert_element_type3A_197, %mul3A_199 : vector<256x1xi32>
    %add3A_201 = arith.constant 3 : i32
    %add3A_202 = vector.broadcast %add3A_201 : i32 to vector<256x1xi32>
    %add3A_203 = arith.addi %mul3A_200, %add3A_202 : vector<256x1xi32>
    %get3A_204 = arith.constant 0 : index
    %get3A_205 = arith.constant 256 : index
    %get3A_206 = vector.load %arg1[%get3A_204, %get3A_205] : memref<256x1024xf32, #tpu.memory_space<vmem>>, vector<256x64xf32>
    %get3A_207 = arith.constant 0 : index
    %get3A_208 = arith.constant 256 : index
    %get3A_209 = vector.load %arg2[%get3A_207, %get3A_208] : memref<2048x1024xf32, #tpu.memory_space<vmem>>, vector<2048x64xf32>
    %dot_general3A_210 = arith.constant dense<0.000000e+00> : vector<256x2048xf32>
    %dot_general3A_211 = tpu.matmul %get3A_206, %get3A_209, %dot_general3A_210 {dimension_numbers = #tpu.dot_dimension_numbers<[1], [1], [0], [0], [0, 0, 1, 0], [], []>, transpose_lhs_hint = false} : vector<256x64xf32>, vector<2048x64xf32>, vector<256x2048xf32> -> vector<256x2048xf32>
    %jit3A_212 = arith.constant 0xFF800000 : f32
    %broadcast_in_dim3A_213 = vector.broadcast %jit3A_212 : f32 to vector<256x2048xf32>
    %select_n3A_214 = arith.select %eq3A, %broadcast_in_dim3A_213, %dot_general3A_211 : vector<256x2048xi1>, vector<256x2048xf32>
    %reduce_max3A_215 = arith.constant dense<0xFF800000> : vector<256xf32>
    %reduce_max3A_216 = vector.multi_reduction <maximumf>, %select_n3A_214, %reduce_max3A_215 [1] : vector<256x2048xf32> to vector<256xf32>
    %broadcast_in_dim3A_217 = vector.shape_cast %reduce_max3A_216 : vector<256xf32> to vector<256x1xf32>
    %eq3A_218 = vector.broadcast %broadcast_in_dim3A_217 : vector<256x1xf32> to vector<256x2048xf32>
    %eq3A_219 = arith.cmpf oeq, %select_n3A_214, %eq3A_218 : vector<256x2048xf32>
    %jit3A_220 = arith.constant 2.048000e+03 : f32
    %broadcast_in_dim3A_221 = vector.broadcast %jit3A_220 : f32 to vector<256x2048xf32>
    %select_n3A_222 = arith.select %eq3A_219, %convert_element_type3A, %broadcast_in_dim3A_221 : vector<256x2048xi1>, vector<256x2048xf32>
    %reduce_min3A_223 = arith.constant dense<0x7F800000> : vector<256xf32>
    %reduce_min3A_224 = vector.multi_reduction <minimumf>, %select_n3A_222, %reduce_min3A_223 [1] : vector<256x2048xf32> to vector<256xf32>
    %broadcast_in_dim3A_225 = vector.shape_cast %reduce_min3A_224 : vector<256xf32> to vector<256x1xf32>
    %eq3A_226 = vector.broadcast %broadcast_in_dim3A_225 : vector<256x1xf32> to vector<256x2048xf32>
    %eq3A_227 = arith.cmpf oeq, %convert_element_type3A, %eq3A_226 : vector<256x2048xf32>
    %jit3A_228 = arith.constant 0xFF800000 : f32
    %broadcast_in_dim3A_229 = vector.broadcast %jit3A_228 : f32 to vector<256x2048xf32>
    %select_n3A_230 = arith.select %eq3A_227, %broadcast_in_dim3A_229, %select_n3A_214 : vector<256x2048xi1>, vector<256x2048xf32>
    %reduce_max3A_231 = arith.constant dense<0xFF800000> : vector<256xf32>
    %reduce_max3A_232 = vector.multi_reduction <maximumf>, %select_n3A_230, %reduce_max3A_231 [1] : vector<256x2048xf32> to vector<256xf32>
    %broadcast_in_dim3A_233 = vector.shape_cast %reduce_max3A_232 : vector<256xf32> to vector<256x1xf32>
    %eq3A_234 = vector.broadcast %broadcast_in_dim3A_233 : vector<256x1xf32> to vector<256x2048xf32>
    %eq3A_235 = arith.cmpf oeq, %select_n3A_230, %eq3A_234 : vector<256x2048xf32>
    %jit3A_236 = arith.constant 2.048000e+03 : f32
    %broadcast_in_dim3A_237 = vector.broadcast %jit3A_236 : f32 to vector<256x2048xf32>
    %select_n3A_238 = arith.select %eq3A_235, %convert_element_type3A, %broadcast_in_dim3A_237 : vector<256x2048xi1>, vector<256x2048xf32>
    %reduce_min3A_239 = arith.constant dense<0x7F800000> : vector<256xf32>
    %reduce_min3A_240 = vector.multi_reduction <minimumf>, %select_n3A_238, %reduce_min3A_239 [1] : vector<256x2048xf32> to vector<256xf32>
    %broadcast_in_dim3A_241 = vector.shape_cast %reduce_min3A_240 : vector<256xf32> to vector<256x1xf32>
    %convert_element_type3A_242 = arith.fptosi %broadcast_in_dim3A_225 : vector<256x1xf32> to vector<256x1xi32>
    %mul3A_243 = arith.constant 16 : i32
    %mul3A_244 = vector.broadcast %mul3A_243 : i32 to vector<256x1xi32>
    %mul3A_245 = arith.muli %convert_element_type3A_242, %mul3A_244 : vector<256x1xi32>
    %add3A_246 = arith.constant 4 : i32
    %add3A_247 = vector.broadcast %add3A_246 : i32 to vector<256x1xi32>
    %add3A_248 = arith.addi %mul3A_245, %add3A_247 : vector<256x1xi32>
    %convert_element_type3A_249 = arith.fptosi %broadcast_in_dim3A_241 : vector<256x1xf32> to vector<256x1xi32>
    %mul3A_250 = arith.constant 16 : i32
    %mul3A_251 = vector.broadcast %mul3A_250 : i32 to vector<256x1xi32>
    %mul3A_252 = arith.muli %convert_element_type3A_249, %mul3A_251 : vector<256x1xi32>
    %add3A_253 = arith.constant 4 : i32
    %add3A_254 = vector.broadcast %add3A_253 : i32 to vector<256x1xi32>
    %add3A_255 = arith.addi %mul3A_252, %add3A_254 : vector<256x1xi32>
    %get3A_256 = arith.constant 0 : index
    %get3A_257 = arith.constant 320 : index
    %get3A_258 = vector.load %arg1[%get3A_256, %get3A_257] : memref<256x1024xf32, #tpu.memory_space<vmem>>, vector<256x64xf32>
    %get3A_259 = arith.constant 0 : index
    %get3A_260 = arith.constant 320 : index
    %get3A_261 = vector.load %arg2[%get3A_259, %get3A_260] : memref<2048x1024xf32, #tpu.memory_space<vmem>>, vector<2048x64xf32>
    %dot_general3A_262 = arith.constant dense<0.000000e+00> : vector<256x2048xf32>
    %dot_general3A_263 = tpu.matmul %get3A_258, %get3A_261, %dot_general3A_262 {dimension_numbers = #tpu.dot_dimension_numbers<[1], [1], [0], [0], [0, 0, 1, 0], [], []>, transpose_lhs_hint = false} : vector<256x64xf32>, vector<2048x64xf32>, vector<256x2048xf32> -> vector<256x2048xf32>
    %jit3A_264 = arith.constant 0xFF800000 : f32
    %broadcast_in_dim3A_265 = vector.broadcast %jit3A_264 : f32 to vector<256x2048xf32>
    %select_n3A_266 = arith.select %eq3A, %broadcast_in_dim3A_265, %dot_general3A_263 : vector<256x2048xi1>, vector<256x2048xf32>
    %reduce_max3A_267 = arith.constant dense<0xFF800000> : vector<256xf32>
    %reduce_max3A_268 = vector.multi_reduction <maximumf>, %select_n3A_266, %reduce_max3A_267 [1] : vector<256x2048xf32> to vector<256xf32>
    %broadcast_in_dim3A_269 = vector.shape_cast %reduce_max3A_268 : vector<256xf32> to vector<256x1xf32>
    %eq3A_270 = vector.broadcast %broadcast_in_dim3A_269 : vector<256x1xf32> to vector<256x2048xf32>
    %eq3A_271 = arith.cmpf oeq, %select_n3A_266, %eq3A_270 : vector<256x2048xf32>
    %jit3A_272 = arith.constant 2.048000e+03 : f32
    %broadcast_in_dim3A_273 = vector.broadcast %jit3A_272 : f32 to vector<256x2048xf32>
    %select_n3A_274 = arith.select %eq3A_271, %convert_element_type3A, %broadcast_in_dim3A_273 : vector<256x2048xi1>, vector<256x2048xf32>
    %reduce_min3A_275 = arith.constant dense<0x7F800000> : vector<256xf32>
    %reduce_min3A_276 = vector.multi_reduction <minimumf>, %select_n3A_274, %reduce_min3A_275 [1] : vector<256x2048xf32> to vector<256xf32>
    %broadcast_in_dim3A_277 = vector.shape_cast %reduce_min3A_276 : vector<256xf32> to vector<256x1xf32>
    %eq3A_278 = vector.broadcast %broadcast_in_dim3A_277 : vector<256x1xf32> to vector<256x2048xf32>
    %eq3A_279 = arith.cmpf oeq, %convert_element_type3A, %eq3A_278 : vector<256x2048xf32>
    %jit3A_280 = arith.constant 0xFF800000 : f32
    %broadcast_in_dim3A_281 = vector.broadcast %jit3A_280 : f32 to vector<256x2048xf32>
    %select_n3A_282 = arith.select %eq3A_279, %broadcast_in_dim3A_281, %select_n3A_266 : vector<256x2048xi1>, vector<256x2048xf32>
    %reduce_max3A_283 = arith.constant dense<0xFF800000> : vector<256xf32>
    %reduce_max3A_284 = vector.multi_reduction <maximumf>, %select_n3A_282, %reduce_max3A_283 [1] : vector<256x2048xf32> to vector<256xf32>
    %broadcast_in_dim3A_285 = vector.shape_cast %reduce_max3A_284 : vector<256xf32> to vector<256x1xf32>
    %eq3A_286 = vector.broadcast %broadcast_in_dim3A_285 : vector<256x1xf32> to vector<256x2048xf32>
    %eq3A_287 = arith.cmpf oeq, %select_n3A_282, %eq3A_286 : vector<256x2048xf32>
    %jit3A_288 = arith.constant 2.048000e+03 : f32
    %broadcast_in_dim3A_289 = vector.broadcast %jit3A_288 : f32 to vector<256x2048xf32>
    %select_n3A_290 = arith.select %eq3A_287, %convert_element_type3A, %broadcast_in_dim3A_289 : vector<256x2048xi1>, vector<256x2048xf32>
    %reduce_min3A_291 = arith.constant dense<0x7F800000> : vector<256xf32>
    %reduce_min3A_292 = vector.multi_reduction <minimumf>, %select_n3A_290, %reduce_min3A_291 [1] : vector<256x2048xf32> to vector<256xf32>
    %broadcast_in_dim3A_293 = vector.shape_cast %reduce_min3A_292 : vector<256xf32> to vector<256x1xf32>
    %convert_element_type3A_294 = arith.fptosi %broadcast_in_dim3A_277 : vector<256x1xf32> to vector<256x1xi32>
    %mul3A_295 = arith.constant 16 : i32
    %mul3A_296 = vector.broadcast %mul3A_295 : i32 to vector<256x1xi32>
    %mul3A_297 = arith.muli %convert_element_type3A_294, %mul3A_296 : vector<256x1xi32>
    %add3A_298 = arith.constant 5 : i32
    %add3A_299 = vector.broadcast %add3A_298 : i32 to vector<256x1xi32>
    %add3A_300 = arith.addi %mul3A_297, %add3A_299 : vector<256x1xi32>
    %convert_element_type3A_301 = arith.fptosi %broadcast_in_dim3A_293 : vector<256x1xf32> to vector<256x1xi32>
    %mul3A_302 = arith.constant 16 : i32
    %mul3A_303 = vector.broadcast %mul3A_302 : i32 to vector<256x1xi32>
    %mul3A_304 = arith.muli %convert_element_type3A_301, %mul3A_303 : vector<256x1xi32>
    %add3A_305 = arith.constant 5 : i32
    %add3A_306 = vector.broadcast %add3A_305 : i32 to vector<256x1xi32>
    %add3A_307 = arith.addi %mul3A_304, %add3A_306 : vector<256x1xi32>
    %get3A_308 = arith.constant 0 : index
    %get3A_309 = arith.constant 384 : index
    %get3A_310 = vector.load %arg1[%get3A_308, %get3A_309] : memref<256x1024xf32, #tpu.memory_space<vmem>>, vector<256x64xf32>
    %get3A_311 = arith.constant 0 : index
    %get3A_312 = arith.constant 384 : index
    %get3A_313 = vector.load %arg2[%get3A_311, %get3A_312] : memref<2048x1024xf32, #tpu.memory_space<vmem>>, vector<2048x64xf32>
    %dot_general3A_314 = arith.constant dense<0.000000e+00> : vector<256x2048xf32>
    %dot_general3A_315 = tpu.matmul %get3A_310, %get3A_313, %dot_general3A_314 {dimension_numbers = #tpu.dot_dimension_numbers<[1], [1], [0], [0], [0, 0, 1, 0], [], []>, transpose_lhs_hint = false} : vector<256x64xf32>, vector<2048x64xf32>, vector<256x2048xf32> -> vector<256x2048xf32>
    %jit3A_316 = arith.constant 0xFF800000 : f32
    %broadcast_in_dim3A_317 = vector.broadcast %jit3A_316 : f32 to vector<256x2048xf32>
    %select_n3A_318 = arith.select %eq3A, %broadcast_in_dim3A_317, %dot_general3A_315 : vector<256x2048xi1>, vector<256x2048xf32>
    %reduce_max3A_319 = arith.constant dense<0xFF800000> : vector<256xf32>
    %reduce_max3A_320 = vector.multi_reduction <maximumf>, %select_n3A_318, %reduce_max3A_319 [1] : vector<256x2048xf32> to vector<256xf32>
    %broadcast_in_dim3A_321 = vector.shape_cast %reduce_max3A_320 : vector<256xf32> to vector<256x1xf32>
    %eq3A_322 = vector.broadcast %broadcast_in_dim3A_321 : vector<256x1xf32> to vector<256x2048xf32>
    %eq3A_323 = arith.cmpf oeq, %select_n3A_318, %eq3A_322 : vector<256x2048xf32>
    %jit3A_324 = arith.constant 2.048000e+03 : f32
    %broadcast_in_dim3A_325 = vector.broadcast %jit3A_324 : f32 to vector<256x2048xf32>
    %select_n3A_326 = arith.select %eq3A_323, %convert_element_type3A, %broadcast_in_dim3A_325 : vector<256x2048xi1>, vector<256x2048xf32>
    %reduce_min3A_327 = arith.constant dense<0x7F800000> : vector<256xf32>
    %reduce_min3A_328 = vector.multi_reduction <minimumf>, %select_n3A_326, %reduce_min3A_327 [1] : vector<256x2048xf32> to vector<256xf32>
    %broadcast_in_dim3A_329 = vector.shape_cast %reduce_min3A_328 : vector<256xf32> to vector<256x1xf32>
    %eq3A_330 = vector.broadcast %broadcast_in_dim3A_329 : vector<256x1xf32> to vector<256x2048xf32>
    %eq3A_331 = arith.cmpf oeq, %convert_element_type3A, %eq3A_330 : vector<256x2048xf32>
    %jit3A_332 = arith.constant 0xFF800000 : f32
    %broadcast_in_dim3A_333 = vector.broadcast %jit3A_332 : f32 to vector<256x2048xf32>
    %select_n3A_334 = arith.select %eq3A_331, %broadcast_in_dim3A_333, %select_n3A_318 : vector<256x2048xi1>, vector<256x2048xf32>
    %reduce_max3A_335 = arith.constant dense<0xFF800000> : vector<256xf32>
    %reduce_max3A_336 = vector.multi_reduction <maximumf>, %select_n3A_334, %reduce_max3A_335 [1] : vector<256x2048xf32> to vector<256xf32>
    %broadcast_in_dim3A_337 = vector.shape_cast %reduce_max3A_336 : vector<256xf32> to vector<256x1xf32>
    %eq3A_338 = vector.broadcast %broadcast_in_dim3A_337 : vector<256x1xf32> to vector<256x2048xf32>
    %eq3A_339 = arith.cmpf oeq, %select_n3A_334, %eq3A_338 : vector<256x2048xf32>
    %jit3A_340 = arith.constant 2.048000e+03 : f32
    %broadcast_in_dim3A_341 = vector.broadcast %jit3A_340 : f32 to vector<256x2048xf32>
    %select_n3A_342 = arith.select %eq3A_339, %convert_element_type3A, %broadcast_in_dim3A_341 : vector<256x2048xi1>, vector<256x2048xf32>
    %reduce_min3A_343 = arith.constant dense<0x7F800000> : vector<256xf32>
    %reduce_min3A_344 = vector.multi_reduction <minimumf>, %select_n3A_342, %reduce_min3A_343 [1] : vector<256x2048xf32> to vector<256xf32>
    %broadcast_in_dim3A_345 = vector.shape_cast %reduce_min3A_344 : vector<256xf32> to vector<256x1xf32>
    %convert_element_type3A_346 = arith.fptosi %broadcast_in_dim3A_329 : vector<256x1xf32> to vector<256x1xi32>
    %mul3A_347 = arith.constant 16 : i32
    %mul3A_348 = vector.broadcast %mul3A_347 : i32 to vector<256x1xi32>
    %mul3A_349 = arith.muli %convert_element_type3A_346, %mul3A_348 : vector<256x1xi32>
    %add3A_350 = arith.constant 6 : i32
    %add3A_351 = vector.broadcast %add3A_350 : i32 to vector<256x1xi32>
    %add3A_352 = arith.addi %mul3A_349, %add3A_351 : vector<256x1xi32>
    %convert_element_type3A_353 = arith.fptosi %broadcast_in_dim3A_345 : vector<256x1xf32> to vector<256x1xi32>
    %mul3A_354 = arith.constant 16 : i32
    %mul3A_355 = vector.broadcast %mul3A_354 : i32 to vector<256x1xi32>
    %mul3A_356 = arith.muli %convert_element_type3A_353, %mul3A_355 : vector<256x1xi32>
    %add3A_357 = arith.constant 6 : i32
    %add3A_358 = vector.broadcast %add3A_357 : i32 to vector<256x1xi32>
    %add3A_359 = arith.addi %mul3A_356, %add3A_358 : vector<256x1xi32>
    %get3A_360 = arith.constant 0 : index
    %get3A_361 = arith.constant 448 : index
    %get3A_362 = vector.load %arg1[%get3A_360, %get3A_361] : memref<256x1024xf32, #tpu.memory_space<vmem>>, vector<256x64xf32>
    %get3A_363 = arith.constant 0 : index
    %get3A_364 = arith.constant 448 : index
    %get3A_365 = vector.load %arg2[%get3A_363, %get3A_364] : memref<2048x1024xf32, #tpu.memory_space<vmem>>, vector<2048x64xf32>
    %dot_general3A_366 = arith.constant dense<0.000000e+00> : vector<256x2048xf32>
    %dot_general3A_367 = tpu.matmul %get3A_362, %get3A_365, %dot_general3A_366 {dimension_numbers = #tpu.dot_dimension_numbers<[1], [1], [0], [0], [0, 0, 1, 0], [], []>, transpose_lhs_hint = false} : vector<256x64xf32>, vector<2048x64xf32>, vector<256x2048xf32> -> vector<256x2048xf32>
    %jit3A_368 = arith.constant 0xFF800000 : f32
    %broadcast_in_dim3A_369 = vector.broadcast %jit3A_368 : f32 to vector<256x2048xf32>
    %select_n3A_370 = arith.select %eq3A, %broadcast_in_dim3A_369, %dot_general3A_367 : vector<256x2048xi1>, vector<256x2048xf32>
    %reduce_max3A_371 = arith.constant dense<0xFF800000> : vector<256xf32>
    %reduce_max3A_372 = vector.multi_reduction <maximumf>, %select_n3A_370, %reduce_max3A_371 [1] : vector<256x2048xf32> to vector<256xf32>
    %broadcast_in_dim3A_373 = vector.shape_cast %reduce_max3A_372 : vector<256xf32> to vector<256x1xf32>
    %eq3A_374 = vector.broadcast %broadcast_in_dim3A_373 : vector<256x1xf32> to vector<256x2048xf32>
    %eq3A_375 = arith.cmpf oeq, %select_n3A_370, %eq3A_374 : vector<256x2048xf32>
    %jit3A_376 = arith.constant 2.048000e+03 : f32
    %broadcast_in_dim3A_377 = vector.broadcast %jit3A_376 : f32 to vector<256x2048xf32>
    %select_n3A_378 = arith.select %eq3A_375, %convert_element_type3A, %broadcast_in_dim3A_377 : vector<256x2048xi1>, vector<256x2048xf32>
    %reduce_min3A_379 = arith.constant dense<0x7F800000> : vector<256xf32>
    %reduce_min3A_380 = vector.multi_reduction <minimumf>, %select_n3A_378, %reduce_min3A_379 [1] : vector<256x2048xf32> to vector<256xf32>
    %broadcast_in_dim3A_381 = vector.shape_cast %reduce_min3A_380 : vector<256xf32> to vector<256x1xf32>
    %eq3A_382 = vector.broadcast %broadcast_in_dim3A_381 : vector<256x1xf32> to vector<256x2048xf32>
    %eq3A_383 = arith.cmpf oeq, %convert_element_type3A, %eq3A_382 : vector<256x2048xf32>
    %jit3A_384 = arith.constant 0xFF800000 : f32
    %broadcast_in_dim3A_385 = vector.broadcast %jit3A_384 : f32 to vector<256x2048xf32>
    %select_n3A_386 = arith.select %eq3A_383, %broadcast_in_dim3A_385, %select_n3A_370 : vector<256x2048xi1>, vector<256x2048xf32>
    %reduce_max3A_387 = arith.constant dense<0xFF800000> : vector<256xf32>
    %reduce_max3A_388 = vector.multi_reduction <maximumf>, %select_n3A_386, %reduce_max3A_387 [1] : vector<256x2048xf32> to vector<256xf32>
    %broadcast_in_dim3A_389 = vector.shape_cast %reduce_max3A_388 : vector<256xf32> to vector<256x1xf32>
    %eq3A_390 = vector.broadcast %broadcast_in_dim3A_389 : vector<256x1xf32> to vector<256x2048xf32>
    %eq3A_391 = arith.cmpf oeq, %select_n3A_386, %eq3A_390 : vector<256x2048xf32>
    %jit3A_392 = arith.constant 2.048000e+03 : f32
    %broadcast_in_dim3A_393 = vector.broadcast %jit3A_392 : f32 to vector<256x2048xf32>
    %select_n3A_394 = arith.select %eq3A_391, %convert_element_type3A, %broadcast_in_dim3A_393 : vector<256x2048xi1>, vector<256x2048xf32>
    %reduce_min3A_395 = arith.constant dense<0x7F800000> : vector<256xf32>
    %reduce_min3A_396 = vector.multi_reduction <minimumf>, %select_n3A_394, %reduce_min3A_395 [1] : vector<256x2048xf32> to vector<256xf32>
    %broadcast_in_dim3A_397 = vector.shape_cast %reduce_min3A_396 : vector<256xf32> to vector<256x1xf32>
    %convert_element_type3A_398 = arith.fptosi %broadcast_in_dim3A_381 : vector<256x1xf32> to vector<256x1xi32>
    %mul3A_399 = arith.constant 16 : i32
    %mul3A_400 = vector.broadcast %mul3A_399 : i32 to vector<256x1xi32>
    %mul3A_401 = arith.muli %convert_element_type3A_398, %mul3A_400 : vector<256x1xi32>
    %add3A_402 = arith.constant 7 : i32
    %add3A_403 = vector.broadcast %add3A_402 : i32 to vector<256x1xi32>
    %add3A_404 = arith.addi %mul3A_401, %add3A_403 : vector<256x1xi32>
    %convert_element_type3A_405 = arith.fptosi %broadcast_in_dim3A_397 : vector<256x1xf32> to vector<256x1xi32>
    %mul3A_406 = arith.constant 16 : i32
    %mul3A_407 = vector.broadcast %mul3A_406 : i32 to vector<256x1xi32>
    %mul3A_408 = arith.muli %convert_element_type3A_405, %mul3A_407 : vector<256x1xi32>
    %add3A_409 = arith.constant 7 : i32
    %add3A_410 = vector.broadcast %add3A_409 : i32 to vector<256x1xi32>
    %add3A_411 = arith.addi %mul3A_408, %add3A_410 : vector<256x1xi32>
    %get3A_412 = arith.constant 0 : index
    %get3A_413 = arith.constant 512 : index
    %get3A_414 = vector.load %arg1[%get3A_412, %get3A_413] : memref<256x1024xf32, #tpu.memory_space<vmem>>, vector<256x64xf32>
    %get3A_415 = arith.constant 0 : index
    %get3A_416 = arith.constant 512 : index
    %get3A_417 = vector.load %arg2[%get3A_415, %get3A_416] : memref<2048x1024xf32, #tpu.memory_space<vmem>>, vector<2048x64xf32>
    %dot_general3A_418 = arith.constant dense<0.000000e+00> : vector<256x2048xf32>
    %dot_general3A_419 = tpu.matmul %get3A_414, %get3A_417, %dot_general3A_418 {dimension_numbers = #tpu.dot_dimension_numbers<[1], [1], [0], [0], [0, 0, 1, 0], [], []>, transpose_lhs_hint = false} : vector<256x64xf32>, vector<2048x64xf32>, vector<256x2048xf32> -> vector<256x2048xf32>
    %jit3A_420 = arith.constant 0xFF800000 : f32
    %broadcast_in_dim3A_421 = vector.broadcast %jit3A_420 : f32 to vector<256x2048xf32>
    %select_n3A_422 = arith.select %eq3A, %broadcast_in_dim3A_421, %dot_general3A_419 : vector<256x2048xi1>, vector<256x2048xf32>
    %reduce_max3A_423 = arith.constant dense<0xFF800000> : vector<256xf32>
    %reduce_max3A_424 = vector.multi_reduction <maximumf>, %select_n3A_422, %reduce_max3A_423 [1] : vector<256x2048xf32> to vector<256xf32>
    %broadcast_in_dim3A_425 = vector.shape_cast %reduce_max3A_424 : vector<256xf32> to vector<256x1xf32>
    %eq3A_426 = vector.broadcast %broadcast_in_dim3A_425 : vector<256x1xf32> to vector<256x2048xf32>
    %eq3A_427 = arith.cmpf oeq, %select_n3A_422, %eq3A_426 : vector<256x2048xf32>
    %jit3A_428 = arith.constant 2.048000e+03 : f32
    %broadcast_in_dim3A_429 = vector.broadcast %jit3A_428 : f32 to vector<256x2048xf32>
    %select_n3A_430 = arith.select %eq3A_427, %convert_element_type3A, %broadcast_in_dim3A_429 : vector<256x2048xi1>, vector<256x2048xf32>
    %reduce_min3A_431 = arith.constant dense<0x7F800000> : vector<256xf32>
    %reduce_min3A_432 = vector.multi_reduction <minimumf>, %select_n3A_430, %reduce_min3A_431 [1] : vector<256x2048xf32> to vector<256xf32>
    %broadcast_in_dim3A_433 = vector.shape_cast %reduce_min3A_432 : vector<256xf32> to vector<256x1xf32>
    %eq3A_434 = vector.broadcast %broadcast_in_dim3A_433 : vector<256x1xf32> to vector<256x2048xf32>
    %eq3A_435 = arith.cmpf oeq, %convert_element_type3A, %eq3A_434 : vector<256x2048xf32>
    %jit3A_436 = arith.constant 0xFF800000 : f32
    %broadcast_in_dim3A_437 = vector.broadcast %jit3A_436 : f32 to vector<256x2048xf32>
    %select_n3A_438 = arith.select %eq3A_435, %broadcast_in_dim3A_437, %select_n3A_422 : vector<256x2048xi1>, vector<256x2048xf32>
    %reduce_max3A_439 = arith.constant dense<0xFF800000> : vector<256xf32>
    %reduce_max3A_440 = vector.multi_reduction <maximumf>, %select_n3A_438, %reduce_max3A_439 [1] : vector<256x2048xf32> to vector<256xf32>
    %broadcast_in_dim3A_441 = vector.shape_cast %reduce_max3A_440 : vector<256xf32> to vector<256x1xf32>
    %eq3A_442 = vector.broadcast %broadcast_in_dim3A_441 : vector<256x1xf32> to vector<256x2048xf32>
    %eq3A_443 = arith.cmpf oeq, %select_n3A_438, %eq3A_442 : vector<256x2048xf32>
    %jit3A_444 = arith.constant 2.048000e+03 : f32
    %broadcast_in_dim3A_445 = vector.broadcast %jit3A_444 : f32 to vector<256x2048xf32>
    %select_n3A_446 = arith.select %eq3A_443, %convert_element_type3A, %broadcast_in_dim3A_445 : vector<256x2048xi1>, vector<256x2048xf32>
    %reduce_min3A_447 = arith.constant dense<0x7F800000> : vector<256xf32>
    %reduce_min3A_448 = vector.multi_reduction <minimumf>, %select_n3A_446, %reduce_min3A_447 [1] : vector<256x2048xf32> to vector<256xf32>
    %broadcast_in_dim3A_449 = vector.shape_cast %reduce_min3A_448 : vector<256xf32> to vector<256x1xf32>
    %convert_element_type3A_450 = arith.fptosi %broadcast_in_dim3A_433 : vector<256x1xf32> to vector<256x1xi32>
    %mul3A_451 = arith.constant 16 : i32
    %mul3A_452 = vector.broadcast %mul3A_451 : i32 to vector<256x1xi32>
    %mul3A_453 = arith.muli %convert_element_type3A_450, %mul3A_452 : vector<256x1xi32>
    %add3A_454 = arith.constant 8 : i32
    %add3A_455 = vector.broadcast %add3A_454 : i32 to vector<256x1xi32>
    %add3A_456 = arith.addi %mul3A_453, %add3A_455 : vector<256x1xi32>
    %convert_element_type3A_457 = arith.fptosi %broadcast_in_dim3A_449 : vector<256x1xf32> to vector<256x1xi32>
    %mul3A_458 = arith.constant 16 : i32
    %mul3A_459 = vector.broadcast %mul3A_458 : i32 to vector<256x1xi32>
    %mul3A_460 = arith.muli %convert_element_type3A_457, %mul3A_459 : vector<256x1xi32>
    %add3A_461 = arith.constant 8 : i32
    %add3A_462 = vector.broadcast %add3A_461 : i32 to vector<256x1xi32>
    %add3A_463 = arith.addi %mul3A_460, %add3A_462 : vector<256x1xi32>
    %get3A_464 = arith.constant 0 : index
    %get3A_465 = arith.constant 576 : index
    %get3A_466 = vector.load %arg1[%get3A_464, %get3A_465] : memref<256x1024xf32, #tpu.memory_space<vmem>>, vector<256x64xf32>
    %get3A_467 = arith.constant 0 : index
    %get3A_468 = arith.constant 576 : index
    %get3A_469 = vector.load %arg2[%get3A_467, %get3A_468] : memref<2048x1024xf32, #tpu.memory_space<vmem>>, vector<2048x64xf32>
    %dot_general3A_470 = arith.constant dense<0.000000e+00> : vector<256x2048xf32>
    %dot_general3A_471 = tpu.matmul %get3A_466, %get3A_469, %dot_general3A_470 {dimension_numbers = #tpu.dot_dimension_numbers<[1], [1], [0], [0], [0, 0, 1, 0], [], []>, transpose_lhs_hint = false} : vector<256x64xf32>, vector<2048x64xf32>, vector<256x2048xf32> -> vector<256x2048xf32>
    %jit3A_472 = arith.constant 0xFF800000 : f32
    %broadcast_in_dim3A_473 = vector.broadcast %jit3A_472 : f32 to vector<256x2048xf32>
    %select_n3A_474 = arith.select %eq3A, %broadcast_in_dim3A_473, %dot_general3A_471 : vector<256x2048xi1>, vector<256x2048xf32>
    %reduce_max3A_475 = arith.constant dense<0xFF800000> : vector<256xf32>
    %reduce_max3A_476 = vector.multi_reduction <maximumf>, %select_n3A_474, %reduce_max3A_475 [1] : vector<256x2048xf32> to vector<256xf32>
    %broadcast_in_dim3A_477 = vector.shape_cast %reduce_max3A_476 : vector<256xf32> to vector<256x1xf32>
    %eq3A_478 = vector.broadcast %broadcast_in_dim3A_477 : vector<256x1xf32> to vector<256x2048xf32>
    %eq3A_479 = arith.cmpf oeq, %select_n3A_474, %eq3A_478 : vector<256x2048xf32>
    %jit3A_480 = arith.constant 2.048000e+03 : f32
    %broadcast_in_dim3A_481 = vector.broadcast %jit3A_480 : f32 to vector<256x2048xf32>
    %select_n3A_482 = arith.select %eq3A_479, %convert_element_type3A, %broadcast_in_dim3A_481 : vector<256x2048xi1>, vector<256x2048xf32>
    %reduce_min3A_483 = arith.constant dense<0x7F800000> : vector<256xf32>
    %reduce_min3A_484 = vector.multi_reduction <minimumf>, %select_n3A_482, %reduce_min3A_483 [1] : vector<256x2048xf32> to vector<256xf32>
    %broadcast_in_dim3A_485 = vector.shape_cast %reduce_min3A_484 : vector<256xf32> to vector<256x1xf32>
    %eq3A_486 = vector.broadcast %broadcast_in_dim3A_485 : vector<256x1xf32> to vector<256x2048xf32>
    %eq3A_487 = arith.cmpf oeq, %convert_element_type3A, %eq3A_486 : vector<256x2048xf32>
    %jit3A_488 = arith.constant 0xFF800000 : f32
    %broadcast_in_dim3A_489 = vector.broadcast %jit3A_488 : f32 to vector<256x2048xf32>
    %select_n3A_490 = arith.select %eq3A_487, %broadcast_in_dim3A_489, %select_n3A_474 : vector<256x2048xi1>, vector<256x2048xf32>
    %reduce_max3A_491 = arith.constant dense<0xFF800000> : vector<256xf32>
    %reduce_max3A_492 = vector.multi_reduction <maximumf>, %select_n3A_490, %reduce_max3A_491 [1] : vector<256x2048xf32> to vector<256xf32>
    %broadcast_in_dim3A_493 = vector.shape_cast %reduce_max3A_492 : vector<256xf32> to vector<256x1xf32>
    %eq3A_494 = vector.broadcast %broadcast_in_dim3A_493 : vector<256x1xf32> to vector<256x2048xf32>
    %eq3A_495 = arith.cmpf oeq, %select_n3A_490, %eq3A_494 : vector<256x2048xf32>
    %jit3A_496 = arith.constant 2.048000e+03 : f32
    %broadcast_in_dim3A_497 = vector.broadcast %jit3A_496 : f32 to vector<256x2048xf32>
    %select_n3A_498 = arith.select %eq3A_495, %convert_element_type3A, %broadcast_in_dim3A_497 : vector<256x2048xi1>, vector<256x2048xf32>
    %reduce_min3A_499 = arith.constant dense<0x7F800000> : vector<256xf32>
    %reduce_min3A_500 = vector.multi_reduction <minimumf>, %select_n3A_498, %reduce_min3A_499 [1] : vector<256x2048xf32> to vector<256xf32>
    %broadcast_in_dim3A_501 = vector.shape_cast %reduce_min3A_500 : vector<256xf32> to vector<256x1xf32>
    %convert_element_type3A_502 = arith.fptosi %broadcast_in_dim3A_485 : vector<256x1xf32> to vector<256x1xi32>
    %mul3A_503 = arith.constant 16 : i32
    %mul3A_504 = vector.broadcast %mul3A_503 : i32 to vector<256x1xi32>
    %mul3A_505 = arith.muli %convert_element_type3A_502, %mul3A_504 : vector<256x1xi32>
    %add3A_506 = arith.constant 9 : i32
    %add3A_507 = vector.broadcast %add3A_506 : i32 to vector<256x1xi32>
    %add3A_508 = arith.addi %mul3A_505, %add3A_507 : vector<256x1xi32>
    %convert_element_type3A_509 = arith.fptosi %broadcast_in_dim3A_501 : vector<256x1xf32> to vector<256x1xi32>
    %mul3A_510 = arith.constant 16 : i32
    %mul3A_511 = vector.broadcast %mul3A_510 : i32 to vector<256x1xi32>
    %mul3A_512 = arith.muli %convert_element_type3A_509, %mul3A_511 : vector<256x1xi32>
    %add3A_513 = arith.constant 9 : i32
    %add3A_514 = vector.broadcast %add3A_513 : i32 to vector<256x1xi32>
    %add3A_515 = arith.addi %mul3A_512, %add3A_514 : vector<256x1xi32>
    %get3A_516 = arith.constant 0 : index
    %get3A_517 = arith.constant 640 : index
    %get3A_518 = vector.load %arg1[%get3A_516, %get3A_517] : memref<256x1024xf32, #tpu.memory_space<vmem>>, vector<256x64xf32>
    %get3A_519 = arith.constant 0 : index
    %get3A_520 = arith.constant 640 : index
    %get3A_521 = vector.load %arg2[%get3A_519, %get3A_520] : memref<2048x1024xf32, #tpu.memory_space<vmem>>, vector<2048x64xf32>
    %dot_general3A_522 = arith.constant dense<0.000000e+00> : vector<256x2048xf32>
    %dot_general3A_523 = tpu.matmul %get3A_518, %get3A_521, %dot_general3A_522 {dimension_numbers = #tpu.dot_dimension_numbers<[1], [1], [0], [0], [0, 0, 1, 0], [], []>, transpose_lhs_hint = false} : vector<256x64xf32>, vector<2048x64xf32>, vector<256x2048xf32> -> vector<256x2048xf32>
    %jit3A_524 = arith.constant 0xFF800000 : f32
    %broadcast_in_dim3A_525 = vector.broadcast %jit3A_524 : f32 to vector<256x2048xf32>
    %select_n3A_526 = arith.select %eq3A, %broadcast_in_dim3A_525, %dot_general3A_523 : vector<256x2048xi1>, vector<256x2048xf32>
    %reduce_max3A_527 = arith.constant dense<0xFF800000> : vector<256xf32>
    %reduce_max3A_528 = vector.multi_reduction <maximumf>, %select_n3A_526, %reduce_max3A_527 [1] : vector<256x2048xf32> to vector<256xf32>
    %broadcast_in_dim3A_529 = vector.shape_cast %reduce_max3A_528 : vector<256xf32> to vector<256x1xf32>
    %eq3A_530 = vector.broadcast %broadcast_in_dim3A_529 : vector<256x1xf32> to vector<256x2048xf32>
    %eq3A_531 = arith.cmpf oeq, %select_n3A_526, %eq3A_530 : vector<256x2048xf32>
    %jit3A_532 = arith.constant 2.048000e+03 : f32
    %broadcast_in_dim3A_533 = vector.broadcast %jit3A_532 : f32 to vector<256x2048xf32>
    %select_n3A_534 = arith.select %eq3A_531, %convert_element_type3A, %broadcast_in_dim3A_533 : vector<256x2048xi1>, vector<256x2048xf32>
    %reduce_min3A_535 = arith.constant dense<0x7F800000> : vector<256xf32>
    %reduce_min3A_536 = vector.multi_reduction <minimumf>, %select_n3A_534, %reduce_min3A_535 [1] : vector<256x2048xf32> to vector<256xf32>
    %broadcast_in_dim3A_537 = vector.shape_cast %reduce_min3A_536 : vector<256xf32> to vector<256x1xf32>
    %eq3A_538 = vector.broadcast %broadcast_in_dim3A_537 : vector<256x1xf32> to vector<256x2048xf32>
    %eq3A_539 = arith.cmpf oeq, %convert_element_type3A, %eq3A_538 : vector<256x2048xf32>
    %jit3A_540 = arith.constant 0xFF800000 : f32
    %broadcast_in_dim3A_541 = vector.broadcast %jit3A_540 : f32 to vector<256x2048xf32>
    %select_n3A_542 = arith.select %eq3A_539, %broadcast_in_dim3A_541, %select_n3A_526 : vector<256x2048xi1>, vector<256x2048xf32>
    %reduce_max3A_543 = arith.constant dense<0xFF800000> : vector<256xf32>
    %reduce_max3A_544 = vector.multi_reduction <maximumf>, %select_n3A_542, %reduce_max3A_543 [1] : vector<256x2048xf32> to vector<256xf32>
    %broadcast_in_dim3A_545 = vector.shape_cast %reduce_max3A_544 : vector<256xf32> to vector<256x1xf32>
    %eq3A_546 = vector.broadcast %broadcast_in_dim3A_545 : vector<256x1xf32> to vector<256x2048xf32>
    %eq3A_547 = arith.cmpf oeq, %select_n3A_542, %eq3A_546 : vector<256x2048xf32>
    %jit3A_548 = arith.constant 2.048000e+03 : f32
    %broadcast_in_dim3A_549 = vector.broadcast %jit3A_548 : f32 to vector<256x2048xf32>
    %select_n3A_550 = arith.select %eq3A_547, %convert_element_type3A, %broadcast_in_dim3A_549 : vector<256x2048xi1>, vector<256x2048xf32>
    %reduce_min3A_551 = arith.constant dense<0x7F800000> : vector<256xf32>
    %reduce_min3A_552 = vector.multi_reduction <minimumf>, %select_n3A_550, %reduce_min3A_551 [1] : vector<256x2048xf32> to vector<256xf32>
    %broadcast_in_dim3A_553 = vector.shape_cast %reduce_min3A_552 : vector<256xf32> to vector<256x1xf32>
    %convert_element_type3A_554 = arith.fptosi %broadcast_in_dim3A_537 : vector<256x1xf32> to vector<256x1xi32>
    %mul3A_555 = arith.constant 16 : i32
    %mul3A_556 = vector.broadcast %mul3A_555 : i32 to vector<256x1xi32>
    %mul3A_557 = arith.muli %convert_element_type3A_554, %mul3A_556 : vector<256x1xi32>
    %add3A_558 = arith.constant 10 : i32
    %add3A_559 = vector.broadcast %add3A_558 : i32 to vector<256x1xi32>
    %add3A_560 = arith.addi %mul3A_557, %add3A_559 : vector<256x1xi32>
    %convert_element_type3A_561 = arith.fptosi %broadcast_in_dim3A_553 : vector<256x1xf32> to vector<256x1xi32>
    %mul3A_562 = arith.constant 16 : i32
    %mul3A_563 = vector.broadcast %mul3A_562 : i32 to vector<256x1xi32>
    %mul3A_564 = arith.muli %convert_element_type3A_561, %mul3A_563 : vector<256x1xi32>
    %add3A_565 = arith.constant 10 : i32
    %add3A_566 = vector.broadcast %add3A_565 : i32 to vector<256x1xi32>
    %add3A_567 = arith.addi %mul3A_564, %add3A_566 : vector<256x1xi32>
    %get3A_568 = arith.constant 0 : index
    %get3A_569 = arith.constant 704 : index
    %get3A_570 = vector.load %arg1[%get3A_568, %get3A_569] : memref<256x1024xf32, #tpu.memory_space<vmem>>, vector<256x64xf32>
    %get3A_571 = arith.constant 0 : index
    %get3A_572 = arith.constant 704 : index
    %get3A_573 = vector.load %arg2[%get3A_571, %get3A_572] : memref<2048x1024xf32, #tpu.memory_space<vmem>>, vector<2048x64xf32>
    %dot_general3A_574 = arith.constant dense<0.000000e+00> : vector<256x2048xf32>
    %dot_general3A_575 = tpu.matmul %get3A_570, %get3A_573, %dot_general3A_574 {dimension_numbers = #tpu.dot_dimension_numbers<[1], [1], [0], [0], [0, 0, 1, 0], [], []>, transpose_lhs_hint = false} : vector<256x64xf32>, vector<2048x64xf32>, vector<256x2048xf32> -> vector<256x2048xf32>
    %jit3A_576 = arith.constant 0xFF800000 : f32
    %broadcast_in_dim3A_577 = vector.broadcast %jit3A_576 : f32 to vector<256x2048xf32>
    %select_n3A_578 = arith.select %eq3A, %broadcast_in_dim3A_577, %dot_general3A_575 : vector<256x2048xi1>, vector<256x2048xf32>
    %reduce_max3A_579 = arith.constant dense<0xFF800000> : vector<256xf32>
    %reduce_max3A_580 = vector.multi_reduction <maximumf>, %select_n3A_578, %reduce_max3A_579 [1] : vector<256x2048xf32> to vector<256xf32>
    %broadcast_in_dim3A_581 = vector.shape_cast %reduce_max3A_580 : vector<256xf32> to vector<256x1xf32>
    %eq3A_582 = vector.broadcast %broadcast_in_dim3A_581 : vector<256x1xf32> to vector<256x2048xf32>
    %eq3A_583 = arith.cmpf oeq, %select_n3A_578, %eq3A_582 : vector<256x2048xf32>
    %jit3A_584 = arith.constant 2.048000e+03 : f32
    %broadcast_in_dim3A_585 = vector.broadcast %jit3A_584 : f32 to vector<256x2048xf32>
    %select_n3A_586 = arith.select %eq3A_583, %convert_element_type3A, %broadcast_in_dim3A_585 : vector<256x2048xi1>, vector<256x2048xf32>
    %reduce_min3A_587 = arith.constant dense<0x7F800000> : vector<256xf32>
    %reduce_min3A_588 = vector.multi_reduction <minimumf>, %select_n3A_586, %reduce_min3A_587 [1] : vector<256x2048xf32> to vector<256xf32>
    %broadcast_in_dim3A_589 = vector.shape_cast %reduce_min3A_588 : vector<256xf32> to vector<256x1xf32>
    %eq3A_590 = vector.broadcast %broadcast_in_dim3A_589 : vector<256x1xf32> to vector<256x2048xf32>
    %eq3A_591 = arith.cmpf oeq, %convert_element_type3A, %eq3A_590 : vector<256x2048xf32>
    %jit3A_592 = arith.constant 0xFF800000 : f32
    %broadcast_in_dim3A_593 = vector.broadcast %jit3A_592 : f32 to vector<256x2048xf32>
    %select_n3A_594 = arith.select %eq3A_591, %broadcast_in_dim3A_593, %select_n3A_578 : vector<256x2048xi1>, vector<256x2048xf32>
    %reduce_max3A_595 = arith.constant dense<0xFF800000> : vector<256xf32>
    %reduce_max3A_596 = vector.multi_reduction <maximumf>, %select_n3A_594, %reduce_max3A_595 [1] : vector<256x2048xf32> to vector<256xf32>
    %broadcast_in_dim3A_597 = vector.shape_cast %reduce_max3A_596 : vector<256xf32> to vector<256x1xf32>
    %eq3A_598 = vector.broadcast %broadcast_in_dim3A_597 : vector<256x1xf32> to vector<256x2048xf32>
    %eq3A_599 = arith.cmpf oeq, %select_n3A_594, %eq3A_598 : vector<256x2048xf32>
    %jit3A_600 = arith.constant 2.048000e+03 : f32
    %broadcast_in_dim3A_601 = vector.broadcast %jit3A_600 : f32 to vector<256x2048xf32>
    %select_n3A_602 = arith.select %eq3A_599, %convert_element_type3A, %broadcast_in_dim3A_601 : vector<256x2048xi1>, vector<256x2048xf32>
    %reduce_min3A_603 = arith.constant dense<0x7F800000> : vector<256xf32>
    %reduce_min3A_604 = vector.multi_reduction <minimumf>, %select_n3A_602, %reduce_min3A_603 [1] : vector<256x2048xf32> to vector<256xf32>
    %broadcast_in_dim3A_605 = vector.shape_cast %reduce_min3A_604 : vector<256xf32> to vector<256x1xf32>
    %convert_element_type3A_606 = arith.fptosi %broadcast_in_dim3A_589 : vector<256x1xf32> to vector<256x1xi32>
    %mul3A_607 = arith.constant 16 : i32
    %mul3A_608 = vector.broadcast %mul3A_607 : i32 to vector<256x1xi32>
    %mul3A_609 = arith.muli %convert_element_type3A_606, %mul3A_608 : vector<256x1xi32>
    %add3A_610 = arith.constant 11 : i32
    %add3A_611 = vector.broadcast %add3A_610 : i32 to vector<256x1xi32>
    %add3A_612 = arith.addi %mul3A_609, %add3A_611 : vector<256x1xi32>
    %convert_element_type3A_613 = arith.fptosi %broadcast_in_dim3A_605 : vector<256x1xf32> to vector<256x1xi32>
    %mul3A_614 = arith.constant 16 : i32
    %mul3A_615 = vector.broadcast %mul3A_614 : i32 to vector<256x1xi32>
    %mul3A_616 = arith.muli %convert_element_type3A_613, %mul3A_615 : vector<256x1xi32>
    %add3A_617 = arith.constant 11 : i32
    %add3A_618 = vector.broadcast %add3A_617 : i32 to vector<256x1xi32>
    %add3A_619 = arith.addi %mul3A_616, %add3A_618 : vector<256x1xi32>
    %get3A_620 = arith.constant 0 : index
    %get3A_621 = arith.constant 768 : index
    %get3A_622 = vector.load %arg1[%get3A_620, %get3A_621] : memref<256x1024xf32, #tpu.memory_space<vmem>>, vector<256x64xf32>
    %get3A_623 = arith.constant 0 : index
    %get3A_624 = arith.constant 768 : index
    %get3A_625 = vector.load %arg2[%get3A_623, %get3A_624] : memref<2048x1024xf32, #tpu.memory_space<vmem>>, vector<2048x64xf32>
    %dot_general3A_626 = arith.constant dense<0.000000e+00> : vector<256x2048xf32>
    %dot_general3A_627 = tpu.matmul %get3A_622, %get3A_625, %dot_general3A_626 {dimension_numbers = #tpu.dot_dimension_numbers<[1], [1], [0], [0], [0, 0, 1, 0], [], []>, transpose_lhs_hint = false} : vector<256x64xf32>, vector<2048x64xf32>, vector<256x2048xf32> -> vector<256x2048xf32>
    %jit3A_628 = arith.constant 0xFF800000 : f32
    %broadcast_in_dim3A_629 = vector.broadcast %jit3A_628 : f32 to vector<256x2048xf32>
    %select_n3A_630 = arith.select %eq3A, %broadcast_in_dim3A_629, %dot_general3A_627 : vector<256x2048xi1>, vector<256x2048xf32>
    %reduce_max3A_631 = arith.constant dense<0xFF800000> : vector<256xf32>
    %reduce_max3A_632 = vector.multi_reduction <maximumf>, %select_n3A_630, %reduce_max3A_631 [1] : vector<256x2048xf32> to vector<256xf32>
    %broadcast_in_dim3A_633 = vector.shape_cast %reduce_max3A_632 : vector<256xf32> to vector<256x1xf32>
    %eq3A_634 = vector.broadcast %broadcast_in_dim3A_633 : vector<256x1xf32> to vector<256x2048xf32>
    %eq3A_635 = arith.cmpf oeq, %select_n3A_630, %eq3A_634 : vector<256x2048xf32>
    %jit3A_636 = arith.constant 2.048000e+03 : f32
    %broadcast_in_dim3A_637 = vector.broadcast %jit3A_636 : f32 to vector<256x2048xf32>
    %select_n3A_638 = arith.select %eq3A_635, %convert_element_type3A, %broadcast_in_dim3A_637 : vector<256x2048xi1>, vector<256x2048xf32>
    %reduce_min3A_639 = arith.constant dense<0x7F800000> : vector<256xf32>
    %reduce_min3A_640 = vector.multi_reduction <minimumf>, %select_n3A_638, %reduce_min3A_639 [1] : vector<256x2048xf32> to vector<256xf32>
    %broadcast_in_dim3A_641 = vector.shape_cast %reduce_min3A_640 : vector<256xf32> to vector<256x1xf32>
    %eq3A_642 = vector.broadcast %broadcast_in_dim3A_641 : vector<256x1xf32> to vector<256x2048xf32>
    %eq3A_643 = arith.cmpf oeq, %convert_element_type3A, %eq3A_642 : vector<256x2048xf32>
    %jit3A_644 = arith.constant 0xFF800000 : f32
    %broadcast_in_dim3A_645 = vector.broadcast %jit3A_644 : f32 to vector<256x2048xf32>
    %select_n3A_646 = arith.select %eq3A_643, %broadcast_in_dim3A_645, %select_n3A_630 : vector<256x2048xi1>, vector<256x2048xf32>
    %reduce_max3A_647 = arith.constant dense<0xFF800000> : vector<256xf32>
    %reduce_max3A_648 = vector.multi_reduction <maximumf>, %select_n3A_646, %reduce_max3A_647 [1] : vector<256x2048xf32> to vector<256xf32>
    %broadcast_in_dim3A_649 = vector.shape_cast %reduce_max3A_648 : vector<256xf32> to vector<256x1xf32>
    %eq3A_650 = vector.broadcast %broadcast_in_dim3A_649 : vector<256x1xf32> to vector<256x2048xf32>
    %eq3A_651 = arith.cmpf oeq, %select_n3A_646, %eq3A_650 : vector<256x2048xf32>
    %jit3A_652 = arith.constant 2.048000e+03 : f32
    %broadcast_in_dim3A_653 = vector.broadcast %jit3A_652 : f32 to vector<256x2048xf32>
    %select_n3A_654 = arith.select %eq3A_651, %convert_element_type3A, %broadcast_in_dim3A_653 : vector<256x2048xi1>, vector<256x2048xf32>
    %reduce_min3A_655 = arith.constant dense<0x7F800000> : vector<256xf32>
    %reduce_min3A_656 = vector.multi_reduction <minimumf>, %select_n3A_654, %reduce_min3A_655 [1] : vector<256x2048xf32> to vector<256xf32>
    %broadcast_in_dim3A_657 = vector.shape_cast %reduce_min3A_656 : vector<256xf32> to vector<256x1xf32>
    %convert_element_type3A_658 = arith.fptosi %broadcast_in_dim3A_641 : vector<256x1xf32> to vector<256x1xi32>
    %mul3A_659 = arith.constant 16 : i32
    %mul3A_660 = vector.broadcast %mul3A_659 : i32 to vector<256x1xi32>
    %mul3A_661 = arith.muli %convert_element_type3A_658, %mul3A_660 : vector<256x1xi32>
    %add3A_662 = arith.constant 12 : i32
    %add3A_663 = vector.broadcast %add3A_662 : i32 to vector<256x1xi32>
    %add3A_664 = arith.addi %mul3A_661, %add3A_663 : vector<256x1xi32>
    %convert_element_type3A_665 = arith.fptosi %broadcast_in_dim3A_657 : vector<256x1xf32> to vector<256x1xi32>
    %mul3A_666 = arith.constant 16 : i32
    %mul3A_667 = vector.broadcast %mul3A_666 : i32 to vector<256x1xi32>
    %mul3A_668 = arith.muli %convert_element_type3A_665, %mul3A_667 : vector<256x1xi32>
    %add3A_669 = arith.constant 12 : i32
    %add3A_670 = vector.broadcast %add3A_669 : i32 to vector<256x1xi32>
    %add3A_671 = arith.addi %mul3A_668, %add3A_670 : vector<256x1xi32>
    %get3A_672 = arith.constant 0 : index
    %get3A_673 = arith.constant 832 : index
    %get3A_674 = vector.load %arg1[%get3A_672, %get3A_673] : memref<256x1024xf32, #tpu.memory_space<vmem>>, vector<256x64xf32>
    %get3A_675 = arith.constant 0 : index
    %get3A_676 = arith.constant 832 : index
    %get3A_677 = vector.load %arg2[%get3A_675, %get3A_676] : memref<2048x1024xf32, #tpu.memory_space<vmem>>, vector<2048x64xf32>
    %dot_general3A_678 = arith.constant dense<0.000000e+00> : vector<256x2048xf32>
    %dot_general3A_679 = tpu.matmul %get3A_674, %get3A_677, %dot_general3A_678 {dimension_numbers = #tpu.dot_dimension_numbers<[1], [1], [0], [0], [0, 0, 1, 0], [], []>, transpose_lhs_hint = false} : vector<256x64xf32>, vector<2048x64xf32>, vector<256x2048xf32> -> vector<256x2048xf32>
    %jit3A_680 = arith.constant 0xFF800000 : f32
    %broadcast_in_dim3A_681 = vector.broadcast %jit3A_680 : f32 to vector<256x2048xf32>
    %select_n3A_682 = arith.select %eq3A, %broadcast_in_dim3A_681, %dot_general3A_679 : vector<256x2048xi1>, vector<256x2048xf32>
    %reduce_max3A_683 = arith.constant dense<0xFF800000> : vector<256xf32>
    %reduce_max3A_684 = vector.multi_reduction <maximumf>, %select_n3A_682, %reduce_max3A_683 [1] : vector<256x2048xf32> to vector<256xf32>
    %broadcast_in_dim3A_685 = vector.shape_cast %reduce_max3A_684 : vector<256xf32> to vector<256x1xf32>
    %eq3A_686 = vector.broadcast %broadcast_in_dim3A_685 : vector<256x1xf32> to vector<256x2048xf32>
    %eq3A_687 = arith.cmpf oeq, %select_n3A_682, %eq3A_686 : vector<256x2048xf32>
    %jit3A_688 = arith.constant 2.048000e+03 : f32
    %broadcast_in_dim3A_689 = vector.broadcast %jit3A_688 : f32 to vector<256x2048xf32>
    %select_n3A_690 = arith.select %eq3A_687, %convert_element_type3A, %broadcast_in_dim3A_689 : vector<256x2048xi1>, vector<256x2048xf32>
    %reduce_min3A_691 = arith.constant dense<0x7F800000> : vector<256xf32>
    %reduce_min3A_692 = vector.multi_reduction <minimumf>, %select_n3A_690, %reduce_min3A_691 [1] : vector<256x2048xf32> to vector<256xf32>
    %broadcast_in_dim3A_693 = vector.shape_cast %reduce_min3A_692 : vector<256xf32> to vector<256x1xf32>
    %eq3A_694 = vector.broadcast %broadcast_in_dim3A_693 : vector<256x1xf32> to vector<256x2048xf32>
    %eq3A_695 = arith.cmpf oeq, %convert_element_type3A, %eq3A_694 : vector<256x2048xf32>
    %jit3A_696 = arith.constant 0xFF800000 : f32
    %broadcast_in_dim3A_697 = vector.broadcast %jit3A_696 : f32 to vector<256x2048xf32>
    %select_n3A_698 = arith.select %eq3A_695, %broadcast_in_dim3A_697, %select_n3A_682 : vector<256x2048xi1>, vector<256x2048xf32>
    %reduce_max3A_699 = arith.constant dense<0xFF800000> : vector<256xf32>
    %reduce_max3A_700 = vector.multi_reduction <maximumf>, %select_n3A_698, %reduce_max3A_699 [1] : vector<256x2048xf32> to vector<256xf32>
    %broadcast_in_dim3A_701 = vector.shape_cast %reduce_max3A_700 : vector<256xf32> to vector<256x1xf32>
    %eq3A_702 = vector.broadcast %broadcast_in_dim3A_701 : vector<256x1xf32> to vector<256x2048xf32>
    %eq3A_703 = arith.cmpf oeq, %select_n3A_698, %eq3A_702 : vector<256x2048xf32>
    %jit3A_704 = arith.constant 2.048000e+03 : f32
    %broadcast_in_dim3A_705 = vector.broadcast %jit3A_704 : f32 to vector<256x2048xf32>
    %select_n3A_706 = arith.select %eq3A_703, %convert_element_type3A, %broadcast_in_dim3A_705 : vector<256x2048xi1>, vector<256x2048xf32>
    %reduce_min3A_707 = arith.constant dense<0x7F800000> : vector<256xf32>
    %reduce_min3A_708 = vector.multi_reduction <minimumf>, %select_n3A_706, %reduce_min3A_707 [1] : vector<256x2048xf32> to vector<256xf32>
    %broadcast_in_dim3A_709 = vector.shape_cast %reduce_min3A_708 : vector<256xf32> to vector<256x1xf32>
    %convert_element_type3A_710 = arith.fptosi %broadcast_in_dim3A_693 : vector<256x1xf32> to vector<256x1xi32>
    %mul3A_711 = arith.constant 16 : i32
    %mul3A_712 = vector.broadcast %mul3A_711 : i32 to vector<256x1xi32>
    %mul3A_713 = arith.muli %convert_element_type3A_710, %mul3A_712 : vector<256x1xi32>
    %add3A_714 = arith.constant 13 : i32
    %add3A_715 = vector.broadcast %add3A_714 : i32 to vector<256x1xi32>
    %add3A_716 = arith.addi %mul3A_713, %add3A_715 : vector<256x1xi32>
    %convert_element_type3A_717 = arith.fptosi %broadcast_in_dim3A_709 : vector<256x1xf32> to vector<256x1xi32>
    %mul3A_718 = arith.constant 16 : i32
    %mul3A_719 = vector.broadcast %mul3A_718 : i32 to vector<256x1xi32>
    %mul3A_720 = arith.muli %convert_element_type3A_717, %mul3A_719 : vector<256x1xi32>
    %add3A_721 = arith.constant 13 : i32
    %add3A_722 = vector.broadcast %add3A_721 : i32 to vector<256x1xi32>
    %add3A_723 = arith.addi %mul3A_720, %add3A_722 : vector<256x1xi32>
    %get3A_724 = arith.constant 0 : index
    %get3A_725 = arith.constant 896 : index
    %get3A_726 = vector.load %arg1[%get3A_724, %get3A_725] : memref<256x1024xf32, #tpu.memory_space<vmem>>, vector<256x64xf32>
    %get3A_727 = arith.constant 0 : index
    %get3A_728 = arith.constant 896 : index
    %get3A_729 = vector.load %arg2[%get3A_727, %get3A_728] : memref<2048x1024xf32, #tpu.memory_space<vmem>>, vector<2048x64xf32>
    %dot_general3A_730 = arith.constant dense<0.000000e+00> : vector<256x2048xf32>
    %dot_general3A_731 = tpu.matmul %get3A_726, %get3A_729, %dot_general3A_730 {dimension_numbers = #tpu.dot_dimension_numbers<[1], [1], [0], [0], [0, 0, 1, 0], [], []>, transpose_lhs_hint = false} : vector<256x64xf32>, vector<2048x64xf32>, vector<256x2048xf32> -> vector<256x2048xf32>
    %jit3A_732 = arith.constant 0xFF800000 : f32
    %broadcast_in_dim3A_733 = vector.broadcast %jit3A_732 : f32 to vector<256x2048xf32>
    %select_n3A_734 = arith.select %eq3A, %broadcast_in_dim3A_733, %dot_general3A_731 : vector<256x2048xi1>, vector<256x2048xf32>
    %reduce_max3A_735 = arith.constant dense<0xFF800000> : vector<256xf32>
    %reduce_max3A_736 = vector.multi_reduction <maximumf>, %select_n3A_734, %reduce_max3A_735 [1] : vector<256x2048xf32> to vector<256xf32>
    %broadcast_in_dim3A_737 = vector.shape_cast %reduce_max3A_736 : vector<256xf32> to vector<256x1xf32>
    %eq3A_738 = vector.broadcast %broadcast_in_dim3A_737 : vector<256x1xf32> to vector<256x2048xf32>
    %eq3A_739 = arith.cmpf oeq, %select_n3A_734, %eq3A_738 : vector<256x2048xf32>
    %jit3A_740 = arith.constant 2.048000e+03 : f32
    %broadcast_in_dim3A_741 = vector.broadcast %jit3A_740 : f32 to vector<256x2048xf32>
    %select_n3A_742 = arith.select %eq3A_739, %convert_element_type3A, %broadcast_in_dim3A_741 : vector<256x2048xi1>, vector<256x2048xf32>
    %reduce_min3A_743 = arith.constant dense<0x7F800000> : vector<256xf32>
    %reduce_min3A_744 = vector.multi_reduction <minimumf>, %select_n3A_742, %reduce_min3A_743 [1] : vector<256x2048xf32> to vector<256xf32>
    %broadcast_in_dim3A_745 = vector.shape_cast %reduce_min3A_744 : vector<256xf32> to vector<256x1xf32>
    %eq3A_746 = vector.broadcast %broadcast_in_dim3A_745 : vector<256x1xf32> to vector<256x2048xf32>
    %eq3A_747 = arith.cmpf oeq, %convert_element_type3A, %eq3A_746 : vector<256x2048xf32>
    %jit3A_748 = arith.constant 0xFF800000 : f32
    %broadcast_in_dim3A_749 = vector.broadcast %jit3A_748 : f32 to vector<256x2048xf32>
    %select_n3A_750 = arith.select %eq3A_747, %broadcast_in_dim3A_749, %select_n3A_734 : vector<256x2048xi1>, vector<256x2048xf32>
    %reduce_max3A_751 = arith.constant dense<0xFF800000> : vector<256xf32>
    %reduce_max3A_752 = vector.multi_reduction <maximumf>, %select_n3A_750, %reduce_max3A_751 [1] : vector<256x2048xf32> to vector<256xf32>
    %broadcast_in_dim3A_753 = vector.shape_cast %reduce_max3A_752 : vector<256xf32> to vector<256x1xf32>
    %eq3A_754 = vector.broadcast %broadcast_in_dim3A_753 : vector<256x1xf32> to vector<256x2048xf32>
    %eq3A_755 = arith.cmpf oeq, %select_n3A_750, %eq3A_754 : vector<256x2048xf32>
    %jit3A_756 = arith.constant 2.048000e+03 : f32
    %broadcast_in_dim3A_757 = vector.broadcast %jit3A_756 : f32 to vector<256x2048xf32>
    %select_n3A_758 = arith.select %eq3A_755, %convert_element_type3A, %broadcast_in_dim3A_757 : vector<256x2048xi1>, vector<256x2048xf32>
    %reduce_min3A_759 = arith.constant dense<0x7F800000> : vector<256xf32>
    %reduce_min3A_760 = vector.multi_reduction <minimumf>, %select_n3A_758, %reduce_min3A_759 [1] : vector<256x2048xf32> to vector<256xf32>
    %broadcast_in_dim3A_761 = vector.shape_cast %reduce_min3A_760 : vector<256xf32> to vector<256x1xf32>
    %convert_element_type3A_762 = arith.fptosi %broadcast_in_dim3A_745 : vector<256x1xf32> to vector<256x1xi32>
    %mul3A_763 = arith.constant 16 : i32
    %mul3A_764 = vector.broadcast %mul3A_763 : i32 to vector<256x1xi32>
    %mul3A_765 = arith.muli %convert_element_type3A_762, %mul3A_764 : vector<256x1xi32>
    %add3A_766 = arith.constant 14 : i32
    %add3A_767 = vector.broadcast %add3A_766 : i32 to vector<256x1xi32>
    %add3A_768 = arith.addi %mul3A_765, %add3A_767 : vector<256x1xi32>
    %convert_element_type3A_769 = arith.fptosi %broadcast_in_dim3A_761 : vector<256x1xf32> to vector<256x1xi32>
    %mul3A_770 = arith.constant 16 : i32
    %mul3A_771 = vector.broadcast %mul3A_770 : i32 to vector<256x1xi32>
    %mul3A_772 = arith.muli %convert_element_type3A_769, %mul3A_771 : vector<256x1xi32>
    %add3A_773 = arith.constant 14 : i32
    %add3A_774 = vector.broadcast %add3A_773 : i32 to vector<256x1xi32>
    %add3A_775 = arith.addi %mul3A_772, %add3A_774 : vector<256x1xi32>
    %get3A_776 = arith.constant 0 : index
    %get3A_777 = arith.constant 960 : index
    %get3A_778 = vector.load %arg1[%get3A_776, %get3A_777] : memref<256x1024xf32, #tpu.memory_space<vmem>>, vector<256x64xf32>
    %get3A_779 = arith.constant 0 : index
    %get3A_780 = arith.constant 960 : index
    %get3A_781 = vector.load %arg2[%get3A_779, %get3A_780] : memref<2048x1024xf32, #tpu.memory_space<vmem>>, vector<2048x64xf32>
    %dot_general3A_782 = arith.constant dense<0.000000e+00> : vector<256x2048xf32>
    %dot_general3A_783 = tpu.matmul %get3A_778, %get3A_781, %dot_general3A_782 {dimension_numbers = #tpu.dot_dimension_numbers<[1], [1], [0], [0], [0, 0, 1, 0], [], []>, transpose_lhs_hint = false} : vector<256x64xf32>, vector<2048x64xf32>, vector<256x2048xf32> -> vector<256x2048xf32>
    %jit3A_784 = arith.constant 0xFF800000 : f32
    %broadcast_in_dim3A_785 = vector.broadcast %jit3A_784 : f32 to vector<256x2048xf32>
    %select_n3A_786 = arith.select %eq3A, %broadcast_in_dim3A_785, %dot_general3A_783 : vector<256x2048xi1>, vector<256x2048xf32>
    %reduce_max3A_787 = arith.constant dense<0xFF800000> : vector<256xf32>
    %reduce_max3A_788 = vector.multi_reduction <maximumf>, %select_n3A_786, %reduce_max3A_787 [1] : vector<256x2048xf32> to vector<256xf32>
    %broadcast_in_dim3A_789 = vector.shape_cast %reduce_max3A_788 : vector<256xf32> to vector<256x1xf32>
    %eq3A_790 = vector.broadcast %broadcast_in_dim3A_789 : vector<256x1xf32> to vector<256x2048xf32>
    %eq3A_791 = arith.cmpf oeq, %select_n3A_786, %eq3A_790 : vector<256x2048xf32>
    %jit3A_792 = arith.constant 2.048000e+03 : f32
    %broadcast_in_dim3A_793 = vector.broadcast %jit3A_792 : f32 to vector<256x2048xf32>
    %select_n3A_794 = arith.select %eq3A_791, %convert_element_type3A, %broadcast_in_dim3A_793 : vector<256x2048xi1>, vector<256x2048xf32>
    %reduce_min3A_795 = arith.constant dense<0x7F800000> : vector<256xf32>
    %reduce_min3A_796 = vector.multi_reduction <minimumf>, %select_n3A_794, %reduce_min3A_795 [1] : vector<256x2048xf32> to vector<256xf32>
    %broadcast_in_dim3A_797 = vector.shape_cast %reduce_min3A_796 : vector<256xf32> to vector<256x1xf32>
    %eq3A_798 = vector.broadcast %broadcast_in_dim3A_797 : vector<256x1xf32> to vector<256x2048xf32>
    %eq3A_799 = arith.cmpf oeq, %convert_element_type3A, %eq3A_798 : vector<256x2048xf32>
    %jit3A_800 = arith.constant 0xFF800000 : f32
    %broadcast_in_dim3A_801 = vector.broadcast %jit3A_800 : f32 to vector<256x2048xf32>
    %select_n3A_802 = arith.select %eq3A_799, %broadcast_in_dim3A_801, %select_n3A_786 : vector<256x2048xi1>, vector<256x2048xf32>
    %reduce_max3A_803 = arith.constant dense<0xFF800000> : vector<256xf32>
    %reduce_max3A_804 = vector.multi_reduction <maximumf>, %select_n3A_802, %reduce_max3A_803 [1] : vector<256x2048xf32> to vector<256xf32>
    %broadcast_in_dim3A_805 = vector.shape_cast %reduce_max3A_804 : vector<256xf32> to vector<256x1xf32>
    %eq3A_806 = vector.broadcast %broadcast_in_dim3A_805 : vector<256x1xf32> to vector<256x2048xf32>
    %eq3A_807 = arith.cmpf oeq, %select_n3A_802, %eq3A_806 : vector<256x2048xf32>
    %jit3A_808 = arith.constant 2.048000e+03 : f32
    %broadcast_in_dim3A_809 = vector.broadcast %jit3A_808 : f32 to vector<256x2048xf32>
    %select_n3A_810 = arith.select %eq3A_807, %convert_element_type3A, %broadcast_in_dim3A_809 : vector<256x2048xi1>, vector<256x2048xf32>
    %reduce_min3A_811 = arith.constant dense<0x7F800000> : vector<256xf32>
    %reduce_min3A_812 = vector.multi_reduction <minimumf>, %select_n3A_810, %reduce_min3A_811 [1] : vector<256x2048xf32> to vector<256xf32>
    %broadcast_in_dim3A_813 = vector.shape_cast %reduce_min3A_812 : vector<256xf32> to vector<256x1xf32>
    %convert_element_type3A_814 = arith.fptosi %broadcast_in_dim3A_797 : vector<256x1xf32> to vector<256x1xi32>
    %mul3A_815 = arith.constant 16 : i32
    %mul3A_816 = vector.broadcast %mul3A_815 : i32 to vector<256x1xi32>
    %mul3A_817 = arith.muli %convert_element_type3A_814, %mul3A_816 : vector<256x1xi32>
    %add3A_818 = arith.constant 15 : i32
    %add3A_819 = vector.broadcast %add3A_818 : i32 to vector<256x1xi32>
    %add3A_820 = arith.addi %mul3A_817, %add3A_819 : vector<256x1xi32>
    %convert_element_type3A_821 = arith.fptosi %broadcast_in_dim3A_813 : vector<256x1xf32> to vector<256x1xi32>
    %mul3A_822 = arith.constant 16 : i32
    %mul3A_823 = vector.broadcast %mul3A_822 : i32 to vector<256x1xi32>
    %mul3A_824 = arith.muli %convert_element_type3A_821, %mul3A_823 : vector<256x1xi32>
    %add3A_825 = arith.constant 15 : i32
    %add3A_826 = vector.broadcast %add3A_825 : i32 to vector<256x1xi32>
    %add3A_827 = arith.addi %mul3A_824, %add3A_826 : vector<256x1xi32>
    %concatenate3A = tpu.concatenate %add3A_40, %add3A_92, %add3A_144, %add3A_196, %add3A_248, %add3A_300, %add3A_352, %add3A_404, %add3A_456, %add3A_508, %add3A_560, %add3A_612, %add3A_664, %add3A_716, %add3A_768, %add3A_820 in 1 : vector<256x1xi32>, vector<256x1xi32>, vector<256x1xi32>, vector<256x1xi32>, vector<256x1xi32>, vector<256x1xi32>, vector<256x1xi32>, vector<256x1xi32>, vector<256x1xi32>, vector<256x1xi32>, vector<256x1xi32>, vector<256x1xi32>, vector<256x1xi32>, vector<256x1xi32>, vector<256x1xi32>, vector<256x1xi32> -> vector<256x16xi32>
    %swap3A = arith.constant 0 : index
    %swap3A_828 = arith.constant 0 : index
    %swap3A_829 = vector.load %arg3[%swap3A, %swap3A_828] : memref<256x16xi32, #tpu.memory_space<vmem>>, vector<256x16xi32>
    tpu.vector_store %arg3[%swap3A, %swap3A_828], %concatenate3A {strides = array<i32>} : memref<256x16xi32, #tpu.memory_space<vmem>>, vector<256x16xi32>,
    %concatenate3A_830 = tpu.concatenate %add3A_47, %add3A_99, %add3A_151, %add3A_203, %add3A_255, %add3A_307, %add3A_359, %add3A_411, %add3A_463, %add3A_515, %add3A_567, %add3A_619, %add3A_671, %add3A_723, %add3A_775, %add3A_827 in 1 : vector<256x1xi32>, vector<256x1xi32>, vector<256x1xi32>, vector<256x1xi32>, vector<256x1xi32>, vector<256x1xi32>, vector<256x1xi32>, vector<256x1xi32>, vector<256x1xi32>, vector<256x1xi32>, vector<256x1xi32>, vector<256x1xi32>, vector<256x1xi32>, vector<256x1xi32>, vector<256x1xi32>, vector<256x1xi32> -> vector<256x16xi32>
    %swap3A_831 = arith.constant 0 : index
    %swap3A_832 = arith.constant 0 : index
    %swap3A_833 = vector.load %arg4[%swap3A_831, %swap3A_832] : memref<256x16xi32, #tpu.memory_space<vmem>>, vector<256x16xi32>
    tpu.vector_store %arg4[%swap3A_831, %swap3A_832], %concatenate3A_830 {strides = array<i32>} : memref<256x16xi32, #tpu.memory_space<vmem>>, vector<256x16xi32>,
    return
  }
  func.func @transform_0(%arg0: i32) -> (i32, i32) {
    %c0_i32 = arith.constant 0 : i32
    %c0_i32_0 = arith.constant 0 : i32
    return %arg0, %c0_i32 : i32, i32
  }
  func.func @transform_1(%arg0: i32) -> (i32, i32) {
    %c0_i32 = arith.constant 0 : i32
    %c0_i32_0 = arith.constant 0 : i32
    %c0_i32_1 = arith.constant 0 : i32
    return %c0_i32, %c0_i32_0 : i32, i32
  }
  func.func @transform_2(%arg0: i32) -> (i32, i32) {
    %c0_i32 = arith.constant 0 : i32
    %c0_i32_0 = arith.constant 0 : i32
    return %arg0, %c0_i32 : i32, i32
  }
  func.func @transform_3(%arg0: i32) -> (i32, i32) {
    %c0_i32 = arith.constant 0 : i32
    %c0_i32_0 = arith.constant 0 : i32
    return %arg0, %c0_i32 : i32, i32
  }
}

module attributes {stable_mosaic.version = 14 : i64} {
  func.func @_softmed_out_body(%arg0: i32, %arg1: memref<256x1024xf32, #tpu.memory_space<vmem>>, %arg2: memref<256x1024xf32, #tpu.memory_space<vmem>>, %arg3: memref<256x1024xf32, #tpu.memory_space<vmem>>, %arg4: memref<1024x1024xf32, #tpu.memory_space<vmem>>, %arg5: memref<256x1024xf32, #tpu.memory_space<vmem>>) attributes {dimension_semantics = [#tpu.dimension_semantics<arbitrary>], iteration_bounds = array<i64: 8>, scalar_prefetch = 0 : i64, scratch_operands = 0 : i64, tpu.core_type = #tpu.core_type<tc>, window_params = [{transform_indices = @transform_0, window_bounds = array<i64: 256, 1024>}, {transform_indices = @transform_1, window_bounds = array<i64: 256, 1024>}, {transform_indices = @transform_2, window_bounds = array<i64: 256, 1024>}, {pipeline_mode = #tpu.pipeline_mode<synchronous>, transform_indices = @transform_3, window_bounds = array<i64: 1024, 1024>}, {transform_indices = @transform_4, window_bounds = array<i64: 256, 1024>}]} {
    %get3A = arith.constant 0 : index
    %get3A_0 = arith.constant 0 : index
    %get3A_1 = vector.load %arg1[%get3A, %get3A_0] : memref<256x1024xf32, #tpu.memory_space<vmem>>, vector<256x1024xf32>
    %get3A_2 = arith.constant 0 : index
    %get3A_3 = arith.constant 0 : index
    %get3A_4 = vector.load %arg2[%get3A_2, %get3A_3] : memref<256x1024xf32, #tpu.memory_space<vmem>>, vector<256x1024xf32>
    %get3A_5 = arith.constant 0 : index
    %get3A_6 = arith.constant 0 : index
    %get3A_7 = vector.load %arg3[%get3A_5, %get3A_6] : memref<256x1024xf32, #tpu.memory_space<vmem>>, vector<256x1024xf32>
    %min3A = arith.minimumf %get3A_1, %get3A_4 : vector<256x1024xf32>
    %max3A = arith.maximumf %get3A_1, %get3A_4 : vector<256x1024xf32>
    %min3A_8 = arith.minimumf %max3A, %get3A_7 : vector<256x1024xf32>
    %max3A_9 = arith.maximumf %min3A, %min3A_8 : vector<256x1024xf32>
    %sub3A = arith.subf %max3A_9, %get3A_1 : vector<256x1024xf32>
    %sub3A_10 = arith.subf %max3A_9, %get3A_4 : vector<256x1024xf32>
    %sub3A_11 = arith.subf %max3A_9, %get3A_7 : vector<256x1024xf32>
    %jit3A = arith.constant -1.000000e-03 : f32
    %jit3A_12 = arith.constant 1.000000e-03 : f32
    %max3A_13 = vector.broadcast %jit3A : f32 to vector<256x1024xf32>
    %max3A_14 = arith.maximumf %max3A_13, %sub3A : vector<256x1024xf32>
    %min3A_15 = vector.broadcast %jit3A_12 : f32 to vector<256x1024xf32>
    %min3A_16 = arith.minimumf %min3A_15, %max3A_14 : vector<256x1024xf32>
    %jit3A_17 = arith.constant -1.000000e-03 : f32
    %jit3A_18 = arith.constant 1.000000e-03 : f32
    %max3A_19 = vector.broadcast %jit3A_17 : f32 to vector<256x1024xf32>
    %max3A_20 = arith.maximumf %max3A_19, %sub3A_10 : vector<256x1024xf32>
    %min3A_21 = vector.broadcast %jit3A_18 : f32 to vector<256x1024xf32>
    %min3A_22 = arith.minimumf %min3A_21, %max3A_20 : vector<256x1024xf32>
    %add3A = arith.addf %min3A_16, %min3A_22 : vector<256x1024xf32>
    %jit3A_23 = arith.constant -1.000000e-03 : f32
    %jit3A_24 = arith.constant 1.000000e-03 : f32
    %max3A_25 = vector.broadcast %jit3A_23 : f32 to vector<256x1024xf32>
    %max3A_26 = arith.maximumf %max3A_25, %sub3A_11 : vector<256x1024xf32>
    %min3A_27 = vector.broadcast %jit3A_24 : f32 to vector<256x1024xf32>
    %min3A_28 = arith.minimumf %min3A_27, %max3A_26 : vector<256x1024xf32>
    %add3A_29 = arith.addf %add3A, %min3A_28 : vector<256x1024xf32>
    %abs3A = math.absf %sub3A : vector<256x1024xf32>
    %le3A = arith.constant 1.000000e-03 : f32
    %le3A_30 = vector.broadcast %le3A : f32 to vector<256x1024xf32>
    %le3A_31 = arith.cmpf ole, %abs3A, %le3A_30 : vector<256x1024xf32>
    %convert_element_type3A = arith.extui %le3A_31 : vector<256x1024xi1> to vector<256x1024xi32>
    %convert_element_type3A_32 = arith.sitofp %convert_element_type3A : vector<256x1024xi32> to vector<256x1024xf32>
    %abs3A_33 = math.absf %sub3A_10 : vector<256x1024xf32>
    %le3A_34 = arith.constant 1.000000e-03 : f32
    %le3A_35 = vector.broadcast %le3A_34 : f32 to vector<256x1024xf32>
    %le3A_36 = arith.cmpf ole, %abs3A_33, %le3A_35 : vector<256x1024xf32>
    %convert_element_type3A_37 = arith.extui %le3A_36 : vector<256x1024xi1> to vector<256x1024xi32>
    %convert_element_type3A_38 = arith.sitofp %convert_element_type3A_37 : vector<256x1024xi32> to vector<256x1024xf32>
    %add3A_39 = arith.addf %convert_element_type3A_32, %convert_element_type3A_38 : vector<256x1024xf32>
    %abs3A_40 = math.absf %sub3A_11 : vector<256x1024xf32>
    %le3A_41 = arith.constant 1.000000e-03 : f32
    %le3A_42 = vector.broadcast %le3A_41 : f32 to vector<256x1024xf32>
    %le3A_43 = arith.cmpf ole, %abs3A_40, %le3A_42 : vector<256x1024xf32>
    %convert_element_type3A_44 = arith.extui %le3A_43 : vector<256x1024xi1> to vector<256x1024xi32>
    %convert_element_type3A_45 = arith.sitofp %convert_element_type3A_44 : vector<256x1024xi32> to vector<256x1024xf32>
    %add3A_46 = arith.addf %add3A_39, %convert_element_type3A_45 : vector<256x1024xf32>
    %gt3A = arith.constant 0.000000e+00 : f32
    %gt3A_47 = vector.broadcast %gt3A : f32 to vector<256x1024xf32>
    %gt3A_48 = arith.cmpf ogt, %add3A_46, %gt3A_47 : vector<256x1024xf32>
    %jit3A_49 = arith.constant 9.99999997E-7 : f32
    %max3A_50 = vector.broadcast %jit3A_49 : f32 to vector<256x1024xf32>
    %max3A_51 = arith.maximumf %max3A_50, %add3A_46 : vector<256x1024xf32>
    %div3A = arith.divf %add3A_29, %max3A_51 : vector<256x1024xf32>
    %broadcast_in_dim3A = arith.constant 0.000000e+00 : f32
    %broadcast_in_dim3A_52 = vector.broadcast %broadcast_in_dim3A : f32 to vector<256x1024xf32>
    %select_n3A = arith.select %gt3A_48, %div3A, %broadcast_in_dim3A_52 : vector<256x1024xi1>, vector<256x1024xf32>
    %sub3A_53 = arith.subf %max3A_9, %select_n3A : vector<256x1024xf32>
    %sub3A_54 = arith.subf %sub3A_53, %get3A_1 : vector<256x1024xf32>
    %sub3A_55 = arith.subf %sub3A_53, %get3A_4 : vector<256x1024xf32>
    %sub3A_56 = arith.subf %sub3A_53, %get3A_7 : vector<256x1024xf32>
    %jit3A_57 = arith.constant -1.000000e-03 : f32
    %jit3A_58 = arith.constant 1.000000e-03 : f32
    %max3A_59 = vector.broadcast %jit3A_57 : f32 to vector<256x1024xf32>
    %max3A_60 = arith.maximumf %max3A_59, %sub3A_54 : vector<256x1024xf32>
    %min3A_61 = vector.broadcast %jit3A_58 : f32 to vector<256x1024xf32>
    %min3A_62 = arith.minimumf %min3A_61, %max3A_60 : vector<256x1024xf32>
    %jit3A_63 = arith.constant -1.000000e-03 : f32
    %jit3A_64 = arith.constant 1.000000e-03 : f32
    %max3A_65 = vector.broadcast %jit3A_63 : f32 to vector<256x1024xf32>
    %max3A_66 = arith.maximumf %max3A_65, %sub3A_55 : vector<256x1024xf32>
    %min3A_67 = vector.broadcast %jit3A_64 : f32 to vector<256x1024xf32>
    %min3A_68 = arith.minimumf %min3A_67, %max3A_66 : vector<256x1024xf32>
    %add3A_69 = arith.addf %min3A_62, %min3A_68 : vector<256x1024xf32>
    %jit3A_70 = arith.constant -1.000000e-03 : f32
    %jit3A_71 = arith.constant 1.000000e-03 : f32
    %max3A_72 = vector.broadcast %jit3A_70 : f32 to vector<256x1024xf32>
    %max3A_73 = arith.maximumf %max3A_72, %sub3A_56 : vector<256x1024xf32>
    %min3A_74 = vector.broadcast %jit3A_71 : f32 to vector<256x1024xf32>
    %min3A_75 = arith.minimumf %min3A_74, %max3A_73 : vector<256x1024xf32>
    %add3A_76 = arith.addf %add3A_69, %min3A_75 : vector<256x1024xf32>
    %abs3A_77 = math.absf %sub3A_54 : vector<256x1024xf32>
    %le3A_78 = arith.constant 1.000000e-03 : f32
    %le3A_79 = vector.broadcast %le3A_78 : f32 to vector<256x1024xf32>
    %le3A_80 = arith.cmpf ole, %abs3A_77, %le3A_79 : vector<256x1024xf32>
    %convert_element_type3A_81 = arith.extui %le3A_80 : vector<256x1024xi1> to vector<256x1024xi32>
    %convert_element_type3A_82 = arith.sitofp %convert_element_type3A_81 : vector<256x1024xi32> to vector<256x1024xf32>
    %abs3A_83 = math.absf %sub3A_55 : vector<256x1024xf32>
    %le3A_84 = arith.constant 1.000000e-03 : f32
    %le3A_85 = vector.broadcast %le3A_84 : f32 to vector<256x1024xf32>
    %le3A_86 = arith.cmpf ole, %abs3A_83, %le3A_85 : vector<256x1024xf32>
    %convert_element_type3A_87 = arith.extui %le3A_86 : vector<256x1024xi1> to vector<256x1024xi32>
    %convert_element_type3A_88 = arith.sitofp %convert_element_type3A_87 : vector<256x1024xi32> to vector<256x1024xf32>
    %add3A_89 = arith.addf %convert_element_type3A_82, %convert_element_type3A_88 : vector<256x1024xf32>
    %abs3A_90 = math.absf %sub3A_56 : vector<256x1024xf32>
    %le3A_91 = arith.constant 1.000000e-03 : f32
    %le3A_92 = vector.broadcast %le3A_91 : f32 to vector<256x1024xf32>
    %le3A_93 = arith.cmpf ole, %abs3A_90, %le3A_92 : vector<256x1024xf32>
    %convert_element_type3A_94 = arith.extui %le3A_93 : vector<256x1024xi1> to vector<256x1024xi32>
    %convert_element_type3A_95 = arith.sitofp %convert_element_type3A_94 : vector<256x1024xi32> to vector<256x1024xf32>
    %add3A_96 = arith.addf %add3A_89, %convert_element_type3A_95 : vector<256x1024xf32>
    %gt3A_97 = arith.constant 0.000000e+00 : f32
    %gt3A_98 = vector.broadcast %gt3A_97 : f32 to vector<256x1024xf32>
    %gt3A_99 = arith.cmpf ogt, %add3A_96, %gt3A_98 : vector<256x1024xf32>
    %jit3A_100 = arith.constant 9.99999997E-7 : f32
    %max3A_101 = vector.broadcast %jit3A_100 : f32 to vector<256x1024xf32>
    %max3A_102 = arith.maximumf %max3A_101, %add3A_96 : vector<256x1024xf32>
    %div3A_103 = arith.divf %add3A_76, %max3A_102 : vector<256x1024xf32>
    %broadcast_in_dim3A_104 = arith.constant 0.000000e+00 : f32
    %broadcast_in_dim3A_105 = vector.broadcast %broadcast_in_dim3A_104 : f32 to vector<256x1024xf32>
    %select_n3A_106 = arith.select %gt3A_99, %div3A_103, %broadcast_in_dim3A_105 : vector<256x1024xi1>, vector<256x1024xf32>
    %sub3A_107 = arith.subf %sub3A_53, %select_n3A_106 : vector<256x1024xf32>
    %get3A_108 = arith.constant 0 : index
    %get3A_109 = arith.constant 0 : index
    %get3A_110 = vector.load %arg4[%get3A_108, %get3A_109] : memref<1024x1024xf32, #tpu.memory_space<vmem>>, vector<1024x1024xf32>
    %dot_general3A = arith.constant dense<0.000000e+00> : vector<256x1024xf32>
    %dot_general3A_111 = tpu.matmul %sub3A_107, %get3A_110, %dot_general3A {dimension_numbers = #tpu.dot_dimension_numbers<[1], [0], [0], [1], [0, 0, 1, 1], [], []>, transpose_lhs_hint = false} : vector<256x1024xf32>, vector<1024x1024xf32>, vector<256x1024xf32> -> vector<256x1024xf32>
    %swap3A = arith.constant 0 : index
    %swap3A_112 = arith.constant 0 : index
    %swap3A_113 = vector.load %arg5[%swap3A, %swap3A_112] : memref<256x1024xf32, #tpu.memory_space<vmem>>, vector<256x1024xf32>
    tpu.vector_store %arg5[%swap3A, %swap3A_112], %dot_general3A_111 {strides = array<i32>} : memref<256x1024xf32, #tpu.memory_space<vmem>>, vector<256x1024xf32>,
    return
  }
  func.func @transform_0(%arg0: i32) -> (i32, i32) {
    %c0_i32 = arith.constant 0 : i32
    %c0_i32_0 = arith.constant 0 : i32
    return %arg0, %c0_i32 : i32, i32
  }
  func.func @transform_1(%arg0: i32) -> (i32, i32) {
    %c0_i32 = arith.constant 0 : i32
    %c0_i32_0 = arith.constant 0 : i32
    return %arg0, %c0_i32 : i32, i32
  }
  func.func @transform_2(%arg0: i32) -> (i32, i32) {
    %c0_i32 = arith.constant 0 : i32
    %c0_i32_0 = arith.constant 0 : i32
    return %arg0, %c0_i32 : i32, i32
  }
  func.func @transform_3(%arg0: i32) -> (i32, i32) {
    %c0_i32 = arith.constant 0 : i32
    %c0_i32_0 = arith.constant 0 : i32
    %c0_i32_1 = arith.constant 0 : i32
    return %c0_i32, %c0_i32_0 : i32, i32
  }
  func.func @transform_4(%arg0: i32) -> (i32, i32) {
    %c0_i32 = arith.constant 0 : i32
    %c0_i32_0 = arith.constant 0 : i32
    return %arg0, %c0_i32 : i32, i32
  }
}

</mosaic_0001>

<sc_bundles>
// kernel: kernel.6.cloned.1.call-start
scs
__scs_entry_jumppad:
0x0: {  	(pc) =	sbr.rel $0x88, $3  }
0x1: {  	(tag) =	ssettag $0x0;
	lr =	simm.s32 $0x1  }
0x2: {  	[smem:$0x3F9C] =	sst lr;
	_ =	strace $0xD0000000  }
0x3: {  	_ = 	snop  }
0x4: {  	_ = 	snop  }
0x5: {  	_ = 	snop  }
0x6: {  	_ = 	snop  }
0x7: {  	_ = 	snop  }
__scs_overlays_trampoline_lowered:
0x8: {  	[smem:$0x3FAB] =	sst s0  }
0x9: {  	[smem:$0x3FAC] =	sst s1  }
0xa: {  	[smem:$0x3FAD] =	sst s2  }
0xb: {  	[smem:$0x3FAE] =	sst s3  }
0xc: {  	[smem:$0x3FAF] =	sst s4  }
0xd: {  	[smem:$0x3FB0] =	sst s5  }
0xe: {  	[smem:$0x3FB1] =	sst s6  }
0xf: {  	[smem:$0x3FB2] =	sst s7  }
0x10: {  	[smem:$0x3FB3] =	sst s8  }
0x11: {  	[smem:$0x3FB4] =	sst s9;
	s0 =	simm.s32 @!p0 $0x0  }
0x12: {  	s1 =	sld [smem:$0x3F9A];
	s0 =	simm.s32 @p0 $0x1  }
0x13: {  	[smem:$0x3FB5] =	sst s0;
	s0 =	simm.s32 @!p1 $0x0  }
0x14: {  	s2 =	sld [smem:$0x3F99];
	s0 =	simm.s32 @p1 $0x1  }
0x15: {  	[smem:$0x3FB6] =	sst s0;
	s0 =	simm.s32 @!p2 $0x0  }
0x16: {  	s3 =	sld [smem:$0x3FDB];
	s0 =	simm.s32 @p2 $0x1  }
0x17: {  	s4 =	simm.s32 $0x1BF5;
	[smem:$0x3FB8] =	sst s0  }
0x18: {  	s0 =	sld [smem:$0x3F9B];
	_ =	swait.ge [sflag:s4], $0x0  }
0x19: {  	s7 =	sld [smem:$0x3F9C]  }
0x1a: {  	s8 =	sadd.s32 $0xFFFFE003, lr  }
0x1b: {  	s9 =	sadd.s32 $0xFFFFFEF7, lr;
	s5 =	simm.s32 $0xFFFFFFFF;
	p2 =	slt.u32 s8, $0xFFFFF086  }
0x1c: {  	p1 =	slt.u32 s9, $0xF7A;
	s5 =	simm.s32 @!p2 $0x0  }
0x1d: {  	s5 =	simm.s32 @p1 $0x1;
	p0 =	seq.s32 s7, s2  }
0x1e: {  	s7 =	smul.u32 @!p0 $0xF7A, s2;
	p2 =	seq.s32 @!p0 s5, $0x0  }
0x1f: {  	s9 =	smul.u32 $0xF7A, s1;
	s8 =	simm.s32 @!p0 $0x1BF5;
	p2 =	por !p2, p0  }
0x20: {  	[sflag:s8] =	ssyncset.s32 @!p0 $0xFFFFF086;
	s6 =	sadd.s32 @!p0 s3, s7;
	s7 =	simm.s32 @!p0 $0x108  }
0x21: {  	s3 =	sadd.s32 s3, s9;
	s6 =	sadd.s32 @!p0 $0x88, s6;
	s7 =	simm.s32 @p2 $0x1082  }
0x22: {  	[simem:s7], [sflag:s8] =	dma.local @!p0 [hbm:s6], $0xF7A  }
0x23: {  	s9 =	sor.u32 $0xD0000000, s2;
	s6 =	simm.s32 $0x108;
	_ =	swait.ge @!p0 [sflag:s8], $0x0  }
0x24: {  	s3 =	sadd.s32 $0x88, s3;
	s6 =	simm.s32 @!p1 $0x1082;
	[sflag:s4] =	ssyncset.s32 $0xFFFFF086  }
0x25: {  	[simem:s6], [sflag:s4] =	dma.local [hbm:s3], $0xF7A  }
0x26: {  	[smem:$0x3F9C] =	sst s1;
	(tag) =	ssettag s2;
	_ =	strace s9  }
0x27: {  	s1 =	sld [smem:$0x3FAC]  }
0x28: {  	s2 =	sld [smem:$0x3FAD]  }
0x29: {  	s4 =	sld [smem:$0x3FAF]  }
0x2a: {  	p0 =	seq.s32 s5, $0x0;
	s5 =	sld [smem:$0x3FB0]  }
0x2b: {  	s6 =	sld [smem:$0x3FB1]  }
0x2c: {  	s7 =	sld [smem:$0x3FB2]  }
0x2d: {  	s3 =	simm.s32 $0x108;
	s8 =	sld [smem:$0x3FB3]  }
0x2e: {  	s3 =	simm.s32 @!p0 $0x1082;
	s9 =	sld [smem:$0x3FB4]  }
0x2f: {  	lr =	sadd.s32 s0, s3;
	s0 =	sld [smem:$0x3FAB]  }
0x30: {  	s3 =	sld [smem:$0x3FAE]  }
0x31: {  	[smem:$0x3FB7] =	sst s10  }
0x32: {  	s10 =	sld [smem:$0x3FB5];
	_ =	sdelay $0x3  }
0x33: {  	p0 =	seq.s32 s10, $0x1;
	s10 =	sld [smem:$0x3FB7];
	_ =	sdelay $0x3  }
0x34: {  	[smem:$0x3FB7] =	sst s10  }
0x35: {  	s10 =	sld [smem:$0x3FB6];
	_ =	sdelay $0x3  }
0x36: {  	p1 =	seq.s32 s10, $0x1;
	s10 =	sld [smem:$0x3FB7];
	_ =	sdelay $0x3  }
0x37: {  	[smem:$0x3FB7] =	sst s10  }
0x38: {  	s10 =	sld [smem:$0x3FB8]  }
0x39: {  	_ = 	snop;
	(pc) =	sbr.ind lr, $3  }
0x3a: {  	_ = 	snop  }
0x3b: {  	_ = 	snop  }
0x3c: {  	p2 =	seq.s32 s10, $0x1;
	s10 =	sld [smem:$0x3FB7]  }
0x3d: {  	_ =	shalt  }
0x3e: {  	_ =	shalt  }
0x3f: {  	_ =	shalt  }
0x40: {  	_ =	shalt  }
0x41: {  	_ =	shalt  }
0x42: {  	_ =	shalt  }
0x43: {  	_ =	shalt  }
0x44: {  	_ =	shalt  }
0x45: {  	_ =	shalt  }
0x46: {  	_ =	shalt  }
0x47: {  	_ =	shalt  }
0x48: {  	_ =	shalt  }
0x49: {  	_ =	shalt  }
0x4a: {  	_ =	shalt  }
0x4b: {  	_ =	shalt  }
0x4c: {  	_ =	shalt  }
0x4d: {  	_ =	shalt  }
0x4e: {  	_ =	shalt  }
0x4f: {  	_ =	shalt  }
0x50: {  	_ =	shalt  }
0x51: {  	_ =	shalt  }
0x52: {  	_ =	shalt  }
0x53: {  	_ =	shalt  }
0x54: {  	_ =	shalt  }
0x55: {  	_ =	shalt  }
0x56: {  	_ =	shalt  }
0x57: {  	_ =	shalt  }
0x58: {  	_ =	shalt  }
0x59: {  	_ =	shalt  }
0x5a: {  	_ =	shalt  }
0x5b: {  	_ =	shalt  }
0x5c: {  	_ =	shalt  }
0x5d: {  	_ =	shalt  }
0x5e: {  	_ =	shalt  }
0x5f: {  	_ =	shalt  }
0x60: {  	_ =	shalt  }
0x61: {  	_ =	shalt  }
0x62: {  	_ =	shalt  }
0x63: {  	_ =	shalt  }
0x64: {  	_ =	shalt  }
0x65: {  	_ =	shalt  }
0x66: {  	_ =	shalt  }
0x67: {  	_ =	shalt  }
0x68: {  	_ =	shalt  }
0x69: {  	_ =	shalt  }
0x6a: {  	_ =	shalt  }
0x6b: {  	_ =	shalt  }
0x6c: {  	_ =	shalt  }
0x6d: {  	_ =	shalt  }
0x6e: {  	_ =	shalt  }
0x6f: {  	_ =	shalt  }
0x70: {  	_ =	shalt  }
0x71: {  	_ =	shalt  }
0x72: {  	_ =	shalt  }
0x73: {  	_ =	shalt  }
0x74: {  	_ =	shalt  }
0x75: {  	_ =	shalt  }
0x76: {  	_ =	shalt  }
0x77: {  	_ =	shalt  }
0x78: {  	_ =	shalt  }
0x79: {  	_ =	shalt  }
0x7a: {  	_ =	shalt  }
0x7b: {  	_ =	shalt  }
0x7c: {  	_ =	shalt  }
0x7d: {  	_ =	shalt  }
0x7e: {  	_ =	shalt  }
0x7f: {  	_ =	shalt  }
0x80: {  	_ =	shalt  }
0x81: {  	_ =	shalt  }
0x82: {  	_ =	shalt  }
0x83: {  	_ =	shalt  }
0x84: {  	_ =	shalt  }
0x85: {  	_ =	shalt  }
0x86: {  	_ =	shalt  }
0x87: {  	_ =	shalt  }
.Lfunc_end0:
.L_simem_size_0:
called_computation_lowered:
.L_overlay_start_0:
0x88: {  	s2 =	sld [smem:$0x3FD9]  }
0x89: {  	s3 =	sld [smem:$0x3FFE];
	_ =	sdelay $0x1  }
0x8a: {  	s1 =	srdreg.scid  }
0x8b: {  	s0 =	sand.u32 $0x1, s1  }
0x8c: {  	s17 =	sshll.u32 s0, $0xA;
	s2 =	sadd.s32 s3, s2  }
0x8d: {  	s2 =	sadd.s32 s2, s17  }
0x8e: {  	[smem:$0x3FC3] =	sst s2  }
0x8f: {  	_ = 	snop  }
0x90: {  	s2 =	sld [smem:$0x3FD0];
	(tm) =	ssettm $0x1  }
0x91: {  	s18 =	sld [smem:$0x3FFB];
	_ =	sdelay $0x3  }
0x92: {  	_ =	strace s18  }
0x93: {  	s3 =	sld [smem:$0x3FFC];
	_ =	sdelay $0x3  }
0x94: {  	_ =	strace s3  }
0x95: {  	s3 =	sld [smem:$0x3FFD];
	_ =	sdelay $0x3  }
0x96: {  	_ =	strace s3  }
0x97: {  	_ =	strace $0x8FFFFFFF  }
0x98: {  	s19 =	sld [smem:$0x3FDB];
	_ =	sdelay $0x1  }
0x99: {  	s4 =	simm.s32 $_scs_section_size  }
0x9a: {  	s5 =	simm.s32 $_size__tile_overlayer_lowered;
	s6 =	simm.s32 $_tile_overlayer_lowered  }
0x9b: {  	s22 =	simm.s32 $0x1BFF;
	s21 =	sshll.u32 s6, $0x1;
	s3 =	sadd.s32 s4, s19  }
0x9c: {  	s7 =	simm.s32 $0x0;
	s20 =	sshll.u32 s5, $0x1;
	s5 =	sadd.s32 s21, s3  }
0x9d: {  	[timem:s7], [sflag:s22] =	dma.local [hbm:s5], s20  }
0x9e: {  	_ =	swait.ge [sflag:s22], s20  }
0x9f: {  	s4 =	ssub.s32 $0x0, s20;
	[sflag:s22] =	ssyncset.done $0x0  }
0xa0: {  	[sflag:s22] =	ssyncadd.s32 s4;
	_ =	sdelay $0x1  }
0xa1: {  	s23 =	simm.s32 $0x1B8B  }
0xa2: {  	_ =	swait.ge [sflag:s23], $0x1  }
0xa3: {  	[sflag:s23] =	ssyncset.done $0x0  }
0xa4: {  	s25 =	simm.s32 $0x1B8E;
	s24 =	sld [smem:$0x3FFE];
	[sflag:s23] =	ssyncadd.s32 $0xFFFFFFFF  }
0xa5: {  	s26 =	simm.s32 $execute0_lowered;
	[smem:$0x3FD2] =	sst s25  }
0xa6: {  	s5 =	sshll.u32 s26, $0x1;
	_ =	strace $0x80000046;
	[dreg:$0x1] =	wrdreg $0xFFFFFFFF  }
0xa7: {  	s28 =	simm.s32 $_size_execute0_lowered;
	s3 =	sadd.s32 s3, s5;
	[dreg:$0x0] =	wrdreg $0x0  }
0xa8: {  	s5 =	sshll.u32 s28, $0x1;
	[dreg:$0x2] =	wrdreg s3  }
0xa9: {  	[dreg:$0x3] =	wrdreg s5  }
0xaa: {  	[dreg:$0x4] =	wrdreg $0xC0  }
0xab: {  	_ =	task [dreg:s7], $0x5FFFF  }
0xac: {  	[dreg:$0x1] =	wrdreg $0xFFFFFFFF  }
0xad: {  	[dreg:$0x0] =	wrdreg $0x60  }
0xae: {  	[dreg:$0x2] =	wrdreg s2  }
0xaf: {  	[dreg:$0x3] =	wrdreg s24  }
0xb0: {  	[dreg:$0x4] =	wrdreg $0x9  }
0xb1: {  	_ =	task.clear_ibuf [dreg:s7], $0x5FFFF;
	_ =	strace $0x90000046  }
0xb2: {  	s29 =	simm.s32 $0x9;
	_ =	strace $0x80000048  }
0xb3: {  	_ =	swait.ge [sflag:s29], $0x1  }
0xb4: {  	[sflag:s29] =	ssyncadd.s32 $0xFFFFFFFF  }
0xb5: {  	_ =	strace $0x90000048  }
0xb6: {  	_ =	sfence  }
0xb7: {  	s30 =	sld [smem:$0x0];
	_ =	sdelay $0x2  }
0xb8: {  	s31 =	sshll.u32 s1, $0xD;
	s1 =	sshrl.u32 s1, $0x2  }
0xb9: {  	s3 =	sand.u32 $0x4000, s31;
	s1 =	sadd.s32 s1, s30  }
0xba: {  	s0 =	sor.u32 s3, s0;
	s1 =	sshll.u32 s1, $0x11  }
0xbb: {  	s0 =	sor.u32 s1, s0  }
0xbc: {  	s0 =	sadd.s32 $0x8F2B, s0  }
0xbd: {  	[sflag:s0] =	ssyncadd.remote.s32 $0x1  }
0xbe: {  	_ =	sfence.sel $0xFFFF  }
0xbf: {  	[dreg:$0x0] =	wrdreg $0xFFFFFFFF;
	(pc) =	sbr.abs _section_cstart, $3  }
0xc0: {  	[dreg:$0x1] =	wrdreg $0xFFFFFFFF  }
0xc1: {  	_ =	task.clear_ibuf [dreg:s7], $0x2FFFF;
	_ =	strace $0x9FFFFFFF  }
0xc2: {  	(tm) =	ssettm $0x7FFFFFFF  }
0xc3: {  	_ =	shalt  }
tec
execute0_lowered:
.L_overlay_start_1:
0x0: {  	(tag) =	ssettag $0x1  }
0x1: {  	s0 =	srdreg.scid;
	s3 =	rddreg [dreg:$0x0]  }
0x2: {  	s30 =	stileid.u32;
	s4 =	rddreg [dreg:$0x1];
	s2 =	simm.s32 $0x0  }
0x3: {  	s31 =	simm.s32 $0x11;
	s29 =	simm.s32 $0x1;
	s28 =	simm.s32 $0x5  }
0x4: {  	p0 =	por $0x0, $0x0;
	s0 =	sand.u32 $0x1, s0;
	s1 =	sshll.u32 s30, $0x1  }
0x5: {  	[smem:$0x7FF] =	sst s2;
	s6 =	sadd.s32 $0x1E00, s4;
	s1 =	sor.u32 s0, s1  }
0x6: {  	_ =	strace $0x80000047;
	s5 =	sshll.u32 s1, $0x7;
	s1 =	sshll.u32 s1, $0xD  }
0x7: {  	s0 =	ssub.s32 $0x2, s0;
	s5 =	sadd.s32 s5, s4;
	s23 =	sadd.s32 s6, s1  }
0x8: {  	s4 =	sadd.s32 $0x43E00, s4;
	s7 =	sadd.s32 $0x41E00, s5;
	[dreg:$0x5] =	wrdreg s23  }
0x9: {  	s25 =	sor.u32 $0x400, s1;
	s5 =	sadd.s32 $0x42E00, s5;
	[dreg:$0x3] =	wrdreg s7  }
0xa: {  	s8 =	sor.u32 $0x800, s1;
	s24 =	sadd.s32 s4, s1;
	[dreg:$0x4] =	wrdreg s5  }
0xb: {  	s11 =	sor.u32 $0xC00, s1;
	s26 =	sadd.s32 s6, s25;
	[dreg:$0x6] =	wrdreg s24  }
0xc: {  	s14 =	sor.u32 $0x1000, s1;
	s9 =	sadd.s32 s6, s8;
	[dreg:$0x7] =	wrdreg s26  }
0xd: {  	s17 =	sor.u32 $0x1400, s1;
	s10 =	sadd.s32 s4, s8;
	[dreg:$0x9] =	wrdreg s9  }
0xe: {  	s20 =	sor.u32 $0x1800, s1;
	s12 =	sadd.s32 s6, s11;
	[dreg:$0xa] =	wrdreg s10  }
0xf: {  	s13 =	sadd.s32 s4, s11;
	s15 =	sadd.s32 s6, s14;
	[dreg:$0xb] =	wrdreg s12  }
0x10: {  	s16 =	sadd.s32 s4, s14;
	s18 =	sadd.s32 s6, s17;
	[dreg:$0xc] =	wrdreg s13  }
0x11: {  	s19 =	sadd.s32 s4, s17;
	s21 =	sadd.s32 s6, s20;
	[dreg:$0xd] =	wrdreg s15  }
0x12: {  	s22 =	sadd.s32 s4, s20;
	s1 =	sor.u32 $0x1C00, s1;
	[dreg:$0xe] =	wrdreg s16  }
0x13: {  	s23 =	sshrl.u32 s0, $0x1;
	s17 =	simm.s32 $0x2800;
	[dreg:$0xf] =	wrdreg s18  }
0x14: {  	s8 =	simm.s32 $0x180;
	s11 =	simm.s32 $0x600;
	[dreg:$0x10] =	wrdreg s19  }
0x15: {  	s20 =	simm.s32 $0x3;
	s14 =	simm.s32 $0x300;
	[dreg:$0x11] =	wrdreg s21  }
0x16: {  	s7 =	sadd.s32 s4, s25;
	[dreg:$0x12] =	wrdreg s22;
	s24 =	sadd.s32 s6, s1  }
0x17: {  	s0 =	ssub.s32 s0, s23;
	s1 =	sadd.s32 s4, s1;
	[dreg:$0x18] =	wrdreg s8  }
0x18: {  	s4 =	simm.s32 $0x80;
	s26 =	simm.s32 $0x800;
	[dreg:$0x1b] =	wrdreg s11  }
0x19: {  	s25 =	simm.s32 $0x480;
	s15 =	simm.s32 $0xA800;
	[dreg:$0x1e] =	wrdreg s14  }
0x1a: {  	s5 =	simm.s32 $0x100;
	s6 =	simm.s32 $0x500;
	[dreg:$0x8] =	wrdreg s7  }
0x1b: {  	s9 =	simm.s32 $0x580;
	s23 =	simm.s32 $0x6;
	[dreg:$0x13] =	wrdreg s24  }
0x1c: {  	s10 =	simm.s32 $0x200;
	s8 =	simm.s32 $0x6800;
	[dreg:$0x14] =	wrdreg s1  }
0x1d: {  	s12 =	simm.s32 $0x280;
	s13 =	simm.s32 $0x680;
	[dreg:$0x15] =	wrdreg s25  }
0x1e: {  	s19 =	simm.s32 $0x7;
	s16 =	simm.s32 $0x700;
	[dreg:$0x16] =	wrdreg s5  }
0x1f: {  	s11 =	simm.s32 $0xD;
	s18 =	simm.s32 $0x380;
	[dreg:$0x17] =	wrdreg s6  }
0x20: {  	s22 =	simm.s32 $0x4;
	s21 =	simm.s32 $0x780;
	[dreg:$0x19] =	wrdreg s9  }
0x21: {  	s14 =	simm.s32 $0xB;
	s0 =	smax.u32 s0, $0x1;
	[dreg:$0x1a] =	wrdreg s10  }
0x22: {  	s24 =	simm.s32 $0x8800;
	s7 =	simm.s32 $0x4800;
	[dreg:$0x1c] =	wrdreg s12  }
0x23: {  	s5 =	simm.s32 $0xC800;
	[dreg:$0x1d] =	wrdreg s13;
	p1 =	sne.s32 s0, $0x1  }
.Ltmp0:
0x24: {  	s25 =	simm.s32 $0x2;
	[dreg:$0x1f] =	wrdreg s16;
	(pc) =	sbr.rel @!p1 .LBB2_5-.Ltmp0, $4  }
0x25: {  	s6 =	simm.s32 $0xE800;
	s10 =	simm.s32 $0x9;
	[smem:$0x7FC] =	sst s18  }
0x26: {  	[smem:$0x7FD] =	sst s21;
	s21 =	simm.s32 $0x8;
	s18 =	simm.s32 $0xA  }
0x27: {  	s16 =	simm.s32 $0xE;
	s13 =	simm.s32 $0xF;
	s12 =	simm.s32 $0xC  }
0x28: {  	s9 =	simm.s32 $0x10;
	s1 =	sadd.s32 $0xFFFFFFFF, s0;
	s0 =	rddreg [dreg:$0x3]  }
0x29: {  	[tilespmem:s2], [sflag:$0x11] =	stream.linear.gather [hbm4b:s0+s2], $0x400, $0x38;
	[tilespmem:$0x10800] =	vst v63  }
0x2a: {  	_ =	swait.ge [sflag:s31], $0x400  }
0x2b: {  	s30 =	smov.u32 s1;
	[sflag:s31] =	ssyncset.done $0x0  }
0x2c: {  	s1 =	simm.s32 $0x400;
	s0 =	rddreg [dreg:$0x4];
	[sflag:s31] =	ssyncadd.s32 $0xFFFFFC00  }
0x2d: {  	[tilespmem:s1], [sflag:$0x11] =	stream.linear.gather [hbm4b:s0+s2], $0x400, $0x38;
	[tilespmem:$0x10800] =	vst v63  }
0x2e: {  	_ =	swait.ge [sflag:s31], $0x400  }
0x2f: {  	[sflag:s31] =	ssyncset.done $0x0  }
0x30: {  	[sflag:s31] =	ssyncadd.s32 $0xFFFFFC00  }
0x31: {  	[tilespmem:s26], [sflag:$0x1] =	stream.indirect.gather [hbm4b:s3+s4], $0x40, s2, s4, $0xb8;
	[tilespmem:$0x10800] =	vst v63  }
0x32: {  	_ = 	snop  }
0x33: {  	[tilespmem:s24], [sflag:$0x5] =	stream.indirect.gather [hbm4b:s3+s4], $0x40, s1, s4, $0xb8;
	[tilespmem:$0x10800] =	vst v63  }
0x34: {  	_ = 	snop  }
0x35: {  	[tilespmem:s17], [sflag:$0x2] =	stream.indirect.gather [hbm4b:s3+s4], $0x40, s4, s4, $0xb8;
	[tilespmem:$0x10800] =	vst v63  }
0x36: {  	s1 =	rddreg [dreg:$0x15]  }
0x37: {  	[tilespmem:s15], [sflag:$0x6] =	stream.indirect.gather [hbm4b:s3+s4], $0x40, s1, s4, $0xb8;
	[tilespmem:$0x10800] =	vst v63  }
0x38: {  	_ =	swait.ge [sflag:s29], $0x2000  }
0x39: {  	[sflag:s29] =	ssyncset.done $0x0  }
0x3a: {  	s1 =	rddreg [dreg:$0x5];
	[sflag:s29] =	ssyncadd.s32 $0xFFFFE000  }
0x3b: {  	[hbm4b:s1+s2] =	stream.linear.scatter [tilespmem:s26], [sflag:$0x9], $0x2000, $0x38;
	[tilespmem:$0x10800] =	vst v63  }
0x3c: {  	_ =	swait.ge [sflag:s28], $0x2000  }
0x3d: {  	[sflag:s28] =	ssyncset.done $0x0  }
0x3e: {  	s0 =	rddreg [dreg:$0x6];
	[sflag:s28] =	ssyncadd.s32 $0xFFFFE000  }
0x3f: {  	[hbm4b:s0+s2] =	stream.linear.scatter [tilespmem:s24], [sflag:$0xD], $0x2000, $0x38;
	[tilespmem:$0x10800] =	vst v63  }
0x40: {  	s1 =	rddreg [dreg:$0x16]  }
0x41: {  	[tilespmem:s7], [sflag:$0x3] =	stream.indirect.gather [hbm4b:s3+s4], $0x40, s1, s4, $0xb8;
	[tilespmem:$0x10800] =	vst v63  }
0x42: {  	s0 =	rddreg [dreg:$0x17]  }
0x43: {  	[tilespmem:s5], [sflag:$0x7] =	stream.indirect.gather [hbm4b:s3+s4], $0x40, s0, s4, $0xb8;
	[tilespmem:$0x10800] =	vst v63  }
0x44: {  	_ =	swait.ge [sflag:s25], $0x2000  }
0x45: {  	[sflag:s25] =	ssyncset.done $0x0  }
0x46: {  	s1 =	rddreg [dreg:$0x7];
	[sflag:s25] =	ssyncadd.s32 $0xFFFFE000  }
0x47: {  	[hbm4b:s1+s2] =	stream.linear.scatter [tilespmem:s17], [sflag:$0xA], $0x2000, $0x38;
	[tilespmem:$0x10800] =	vst v63  }
0x48: {  	_ =	swait.ge [sflag:s23], $0x2000  }
0x49: {  	[sflag:s23] =	ssyncset.done $0x0  }
0x4a: {  	s0 =	rddreg [dreg:$0x8];
	[sflag:s23] =	ssyncadd.s32 $0xFFFFE000  }
0x4b: {  	[hbm4b:s0+s2] =	stream.linear.scatter [tilespmem:s15], [sflag:$0xE], $0x2000, $0x38;
	[tilespmem:$0x10800] =	vst v63  }
0x4c: {  	s1 =	rddreg [dreg:$0x18]  }
0x4d: {  	[tilespmem:s8], [sflag:$0x4] =	stream.indirect.gather [hbm4b:s3+s4], $0x40, s1, s4, $0xb8;
	[tilespmem:$0x10800] =	vst v63  }
0x4e: {  	s0 =	rddreg [dreg:$0x19]  }
0x4f: {  	[tilespmem:s6], [sflag:$0x8] =	stream.indirect.gather [hbm4b:s3+s4], $0x40, s0, s4, $0xb8;
	[tilespmem:$0x10800] =	vst v63  }
0x50: {  	_ =	swait.ge [sflag:s20], $0x2000  }
0x51: {  	[sflag:s20] =	ssyncset.done $0x0  }
0x52: {  	s1 =	rddreg [dreg:$0x9];
	[sflag:s20] =	ssyncadd.s32 $0xFFFFE000  }
0x53: {  	[hbm4b:s1+s2] =	stream.linear.scatter [tilespmem:s7], [sflag:$0xB], $0x2000, $0x38;
	[tilespmem:$0x10800] =	vst v63  }
0x54: {  	_ =	swait.ge [sflag:s19], $0x2000  }
0x55: {  	[sflag:s19] =	ssyncset.done $0x0  }
0x56: {  	s1 =	rddreg [dreg:$0xa];
	[sflag:s19] =	ssyncadd.s32 $0xFFFFE000  }
0x57: {  	[hbm4b:s1+s2] =	stream.linear.scatter [tilespmem:s5], [sflag:$0xF], $0x2000, $0x38;
	[tilespmem:$0x10800] =	vst v63  }
0x58: {  	_ =	swait.ge [sflag:s10], $0x2000  }
0x59: {  	[sflag:s10] =	ssyncset.done $0x0  }
0x5a: {  	[sflag:s10] =	ssyncadd.s32 $0xFFFFE000  }
0x5b: {  	_ =	swait.ge [sflag:s11], $0x2000  }
0x5c: {  	[sflag:s11] =	ssyncset.done $0x0  }
0x5d: {  	s0 =	rddreg [dreg:$0x1a];
	[sflag:s11] =	ssyncadd.s32 $0xFFFFE000  }
0x5e: {  	[tilespmem:s26], [sflag:$0x1] =	stream.indirect.gather [hbm4b:s3+s4], $0x40, s0, s4, $0xb8;
	[tilespmem:$0x10800] =	vst v63  }
0x5f: {  	s1 =	rddreg [dreg:$0x1b]  }
0x60: {  	[tilespmem:s24], [sflag:$0x5] =	stream.indirect.gather [hbm4b:s3+s4], $0x40, s1, s4, $0xb8;
	[tilespmem:$0x10800] =	vst v63  }
0x61: {  	_ =	swait.ge [sflag:s22], $0x2000  }
0x62: {  	[sflag:s22] =	ssyncset.done $0x0  }
0x63: {  	s1 =	rddreg [dreg:$0xb];
	[sflag:s22] =	ssyncadd.s32 $0xFFFFE000  }
0x64: {  	[hbm4b:s1+s2] =	stream.linear.scatter [tilespmem:s8], [sflag:$0xC], $0x2000, $0x38;
	[tilespmem:$0x10800] =	vst v63  }
0x65: {  	_ =	swait.ge [sflag:s21], $0x2000  }
0x66: {  	[sflag:s21] =	ssyncset.done $0x0  }
0x67: {  	s1 =	rddreg [dreg:$0xc];
	[sflag:s21] =	ssyncadd.s32 $0xFFFFE000  }
0x68: {  	[hbm4b:s1+s2] =	stream.linear.scatter [tilespmem:s6], [sflag:$0x10], $0x2000, $0x38;
	[tilespmem:$0x10800] =	vst v63  }
0x69: {  	_ =	swait.ge [sflag:s18], $0x2000  }
0x6a: {  	[sflag:s18] =	ssyncset.done $0x0  }
0x6b: {  	[sflag:s18] =	ssyncadd.s32 $0xFFFFE000  }
0x6c: {  	_ =	swait.ge [sflag:s16], $0x2000  }
0x6d: {  	[sflag:s16] =	ssyncset.done $0x0  }
0x6e: {  	s0 =	rddreg [dreg:$0x1c];
	[sflag:s16] =	ssyncadd.s32 $0xFFFFE000  }
0x6f: {  	[tilespmem:s17], [sflag:$0x2] =	stream.indirect.gather [hbm4b:s3+s4], $0x40, s0, s4, $0xb8;
	[tilespmem:$0x10800] =	vst v63  }
0x70: {  	s1 =	rddreg [dreg:$0x1d]  }
0x71: {  	[tilespmem:s15], [sflag:$0x6] =	stream.indirect.gather [hbm4b:s3+s4], $0x40, s1, s4, $0xb8;
	[tilespmem:$0x10800] =	vst v63  }
0x72: {  	_ =	swait.ge [sflag:s29], $0x2000  }
0x73: {  	[sflag:s29] =	ssyncset.done $0x0  }
0x74: {  	s1 =	rddreg [dreg:$0xd];
	[sflag:s29] =	ssyncadd.s32 $0xFFFFE000  }
0x75: {  	[hbm4b:s1+s2] =	stream.linear.scatter [tilespmem:s26], [sflag:$0x9], $0x2000, $0x38;
	[tilespmem:$0x10800] =	vst v63  }
0x76: {  	_ =	swait.ge [sflag:s28], $0x2000  }
0x77: {  	[sflag:s28] =	ssyncset.done $0x0  }
0x78: {  	s1 =	rddreg [dreg:$0xe];
	[sflag:s28] =	ssyncadd.s32 $0xFFFFE000  }
0x79: {  	[hbm4b:s1+s2] =	stream.linear.scatter [tilespmem:s24], [sflag:$0xD], $0x2000, $0x38;
	[tilespmem:$0x10800] =	vst v63  }
0x7a: {  	_ =	swait.ge [sflag:s14], $0x2000  }
0x7b: {  	[sflag:s14] =	ssyncset.done $0x0  }
0x7c: {  	[sflag:s14] =	ssyncadd.s32 $0xFFFFE000  }
0x7d: {  	_ =	swait.ge [sflag:s13], $0x2000  }
0x7e: {  	[sflag:s13] =	ssyncset.done $0x0  }
0x7f: {  	s0 =	rddreg [dreg:$0x1e];
	[sflag:s13] =	ssyncadd.s32 $0xFFFFE000  }
0x80: {  	[tilespmem:s7], [sflag:$0x3] =	stream.indirect.gather [hbm4b:s3+s4], $0x40, s0, s4, $0xb8;
	[tilespmem:$0x10800] =	vst v63  }
0x81: {  	s1 =	rddreg [dreg:$0x1f]  }
0x82: {  	[tilespmem:s5], [sflag:$0x7] =	stream.indirect.gather [hbm4b:s3+s4], $0x40, s1, s4, $0xb8;
	[tilespmem:$0x10800] =	vst v63  }
0x83: {  	_ =	swait.ge [sflag:s25], $0x2000  }
0x84: {  	[sflag:s25] =	ssyncset.done $0x0  }
0x85: {  	s1 =	rddreg [dreg:$0xf];
	[sflag:s25] =	ssyncadd.s32 $0xFFFFE000  }
0x86: {  	[hbm4b:s1+s2] =	stream.linear.scatter [tilespmem:s17], [sflag:$0xA], $0x2000, $0x38;
	[tilespmem:$0x10800] =	vst v63  }
0x87: {  	_ =	swait.ge [sflag:s23], $0x2000  }
0x88: {  	[sflag:s23] =	ssyncset.done $0x0  }
0x89: {  	s1 =	rddreg [dreg:$0x10];
	[sflag:s23] =	ssyncadd.s32 $0xFFFFE000  }
0x8a: {  	[hbm4b:s1+s2] =	stream.linear.scatter [tilespmem:s15], [sflag:$0xE], $0x2000, $0x38;
	[tilespmem:$0x10800] =	vst v63  }
0x8b: {  	_ =	swait.ge [sflag:s12], $0x2000  }
0x8c: {  	[sflag:s12] =	ssyncset.done $0x0  }
0x8d: {  	[sflag:s12] =	ssyncadd.s32 $0xFFFFE000  }
0x8e: {  	_ =	swait.ge [sflag:s9], $0x2000  }
0x8f: {  	s0 =	sld [smem:$0x7FC]  }
0x90: {  	[sflag:s9] =	ssyncset.done $0x0  }
0x91: {  	s1 =	sld [smem:$0x7FD];
	[sflag:s9] =	ssyncadd.s32 $0xFFFFE000  }
0x92: {  	[tilespmem:s8], [sflag:$0x4] =	stream.indirect.gather [hbm4b:s3+s4], $0x40, s0, s4, $0xb8;
	[tilespmem:$0x10800] =	vst v63  }
0x93: {  	_ = 	snop  }
0x94: {  	[tilespmem:s6], [sflag:$0x8] =	stream.indirect.gather [hbm4b:s3+s4], $0x40, s1, s4, $0xb8;
	[tilespmem:$0x10800] =	vst v63  }
0x95: {  	_ =	swait.ge [sflag:s20], $0x2000  }
0x96: {  	[sflag:s20] =	ssyncset.done $0x0  }
0x97: {  	s1 =	rddreg [dreg:$0x11];
	[sflag:s20] =	ssyncadd.s32 $0xFFFFE000  }
0x98: {  	[hbm4b:s1+s2] =	stream.linear.scatter [tilespmem:s7], [sflag:$0xB], $0x2000, $0x38;
	[tilespmem:$0x10800] =	vst v63  }
0x99: {  	_ =	swait.ge [sflag:s19], $0x2000  }
0x9a: {  	[sflag:s19] =	ssyncset.done $0x0  }
0x9b: {  	s1 =	rddreg [dreg:$0x12];
	[sflag:s19] =	ssyncadd.s32 $0xFFFFE000  }
0x9c: {  	[hbm4b:s1+s2] =	stream.linear.scatter [tilespmem:s5], [sflag:$0xF], $0x2000, $0x38;
	[tilespmem:$0x10800] =	vst v63  }
0x9d: {  	_ =	swait.ge [sflag:s22], $0x2000  }
0x9e: {  	[sflag:s22] =	ssyncset.done $0x0  }
0x9f: {  	s1 =	rddreg [dreg:$0x13];
	[sflag:s22] =	ssyncadd.s32 $0xFFFFE000  }
0xa0: {  	[hbm4b:s1+s2] =	stream.linear.scatter [tilespmem:s8], [sflag:$0xC], $0x2000, $0x38;
	[tilespmem:$0x10800] =	vst v63  }
0xa1: {  	_ =	swait.ge [sflag:s21], $0x2000  }
0xa2: {  	[sflag:s21] =	ssyncset.done $0x0  }
0xa3: {  	s1 =	rddreg [dreg:$0x14];
	[sflag:s21] =	ssyncadd.s32 $0xFFFFE000  }
0xa4: {  	[hbm4b:s1+s2] =	stream.linear.scatter [tilespmem:s6], [sflag:$0x10], $0x2000, $0x38;
	[tilespmem:$0x10800] =	vst v63  }
0xa5: {  	_ =	swait.ge [sflag:s10], $0x2000  }
0xa6: {  	[sflag:s10] =	ssyncset.done $0x0  }
0xa7: {  	[sflag:s10] =	ssyncadd.s32 $0xFFFFE000  }
0xa8: {  	_ =	swait.ge [sflag:s11], $0x2000  }
0xa9: {  	[sflag:s11] =	ssyncset.done $0x0  }
0xaa: {  	[sflag:s11] =	ssyncadd.s32 $0xFFFFE000  }
0xab: {  	_ =	swait.ge [sflag:s18], $0x2000  }
0xac: {  	[sflag:s18] =	ssyncset.done $0x0  }
0xad: {  	[sflag:s18] =	ssyncadd.s32 $0xFFFFE000  }
0xae: {  	_ =	swait.ge [sflag:s16], $0x2000  }
0xaf: {  	[sflag:s16] =	ssyncset.done $0x0  }
0xb0: {  	[sflag:s16] =	ssyncadd.s32 $0xFFFFE000  }
0xb1: {  	_ =	swait.ge [sflag:s14], $0x2000  }
0xb2: {  	[sflag:s14] =	ssyncset.done $0x0  }
0xb3: {  	[sflag:s14] =	ssyncadd.s32 $0xFFFFE000  }
0xb4: {  	_ =	swait.ge [sflag:s13], $0x2000  }
0xb5: {  	[sflag:s13] =	ssyncset.done $0x0  }
0xb6: {  	p1 =	sne.s32 s30, $0x1;
	[sflag:s13] =	ssyncadd.s32 $0xFFFFE000  }
.Ltmp1:
0xb7: {  	_ =	swait.ge [sflag:s12], $0x2000;
	(pc) =	sbr.rel @!p1 .LBB2_2-.Ltmp1, $4  }
0xb8: {  	[sflag:s12] =	ssyncset.done $0x0  }
0xb9: {  	[sflag:s12] =	ssyncadd.s32 $0xFFFFE000  }
0xba: {  	p0 =	por $0x1, $0x1;
	_ =	swait.ge [sflag:s9], $0x2000  }
0xbb: {  	s1 =	sadd.s32 $0xFFFFFFFF, s30;
	s0 =	rddreg [dreg:$0x3];
	[sflag:s9] =	ssyncset.done $0x0  }
.LBB2_3:
0xbc: {  	[sflag:s9] =	ssyncadd.s32 $0xFFFFE000  }
0xbd: {  	[tilespmem:s2], [sflag:$0x11] =	stream.linear.gather [hbm4b:s0+s2], $0x400, $0x38;
	[tilespmem:$0x10800] =	vst v63  }
0xbe: {  	_ =	swait.ge [sflag:s31], $0x400  }
0xbf: {  	[sflag:s31] =	ssyncset.done $0x0  }
0xc0: {  	s30 =	simm.s32 $0x400;
	s0 =	rddreg [dreg:$0x4];
	[sflag:s31] =	ssyncadd.s32 $0xFFFFFC00  }
0xc1: {  	[tilespmem:s30], [sflag:$0x11] =	stream.linear.gather [hbm4b:s0+s2], $0x400, $0x38;
	[tilespmem:$0x10800] =	vst v63  }
0xc2: {  	_ =	swait.ge [sflag:s31], $0x400  }
0xc3: {  	[sflag:s31] =	ssyncset.done $0x0  }
0xc4: {  	[sflag:s31] =	ssyncadd.s32 $0xFFFFFC00  }
0xc5: {  	[tilespmem:s26], [sflag:$0x1] =	stream.indirect.gather [hbm4b:s3+s4], $0x40, s2, s4, $0xb8;
	[tilespmem:$0x10800] =	vst v63  }
0xc6: {  	_ = 	snop  }
0xc7: {  	[tilespmem:s24], [sflag:$0x5] =	stream.indirect.gather [hbm4b:s3+s4], $0x40, s30, s4, $0xb8;
	[tilespmem:$0x10800] =	vst v63  }
0xc8: {  	_ = 	snop  }
0xc9: {  	[tilespmem:s17], [sflag:$0x2] =	stream.indirect.gather [hbm4b:s3+s4], $0x40, s4, s4, $0xb8;
	[tilespmem:$0x10800] =	vst v63  }
0xca: {  	s30 =	rddreg [dreg:$0x15]  }
0xcb: {  	[tilespmem:s15], [sflag:$0x6] =	stream.indirect.gather [hbm4b:s3+s4], $0x40, s30, s4, $0xb8;
	[tilespmem:$0x10800] =	vst v63  }
0xcc: {  	_ =	swait.ge [sflag:s29], $0x2000  }
0xcd: {  	[sflag:s29] =	ssyncset.done $0x0  }
0xce: {  	s30 =	rddreg [dreg:$0x5];
	[sflag:s29] =	ssyncadd.s32 $0xFFFFE000  }
0xcf: {  	[hbm4b:s30+s2] =	stream.linear.scatter [tilespmem:s26], [sflag:$0x9], $0x2000, $0x38;
	[tilespmem:$0x10800] =	vst v63  }
0xd0: {  	_ =	swait.ge [sflag:s28], $0x2000  }
0xd1: {  	[sflag:s28] =	ssyncset.done $0x0  }
0xd2: {  	s0 =	rddreg [dreg:$0x6];
	[sflag:s28] =	ssyncadd.s32 $0xFFFFE000  }
0xd3: {  	[hbm4b:s0+s2] =	stream.linear.scatter [tilespmem:s24], [sflag:$0xD], $0x2000, $0x38;
	[tilespmem:$0x10800] =	vst v63  }
0xd4: {  	s30 =	rddreg [dreg:$0x16]  }
0xd5: {  	[tilespmem:s7], [sflag:$0x3] =	stream.indirect.gather [hbm4b:s3+s4], $0x40, s30, s4, $0xb8;
	[tilespmem:$0x10800] =	vst v63  }
0xd6: {  	s0 =	rddreg [dreg:$0x17]  }
0xd7: {  	[tilespmem:s5], [sflag:$0x7] =	stream.indirect.gather [hbm4b:s3+s4], $0x40, s0, s4, $0xb8;
	[tilespmem:$0x10800] =	vst v63  }
0xd8: {  	_ =	swait.ge [sflag:s25], $0x2000  }
0xd9: {  	[sflag:s25] =	ssyncset.done $0x0  }
0xda: {  	s30 =	rddreg [dreg:$0x7];
	[sflag:s25] =	ssyncadd.s32 $0xFFFFE000  }
0xdb: {  	[hbm4b:s30+s2] =	stream.linear.scatter [tilespmem:s17], [sflag:$0xA], $0x2000, $0x38;
	[tilespmem:$0x10800] =	vst v63  }
0xdc: {  	_ =	swait.ge [sflag:s23], $0x2000  }
0xdd: {  	[sflag:s23] =	ssyncset.done $0x0  }
0xde: {  	s0 =	rddreg [dreg:$0x8];
	[sflag:s23] =	ssyncadd.s32 $0xFFFFE000  }
0xdf: {  	[hbm4b:s0+s2] =	stream.linear.scatter [tilespmem:s15], [sflag:$0xE], $0x2000, $0x38;
	[tilespmem:$0x10800] =	vst v63  }
0xe0: {  	s30 =	rddreg [dreg:$0x18]  }
0xe1: {  	[tilespmem:s8], [sflag:$0x4] =	stream.indirect.gather [hbm4b:s3+s4], $0x40, s30, s4, $0xb8;
	[tilespmem:$0x10800] =	vst v63  }
0xe2: {  	s0 =	rddreg [dreg:$0x19]  }
0xe3: {  	[tilespmem:s6], [sflag:$0x8] =	stream.indirect.gather [hbm4b:s3+s4], $0x40, s0, s4, $0xb8;
	[tilespmem:$0x10800] =	vst v63  }
0xe4: {  	_ =	swait.ge [sflag:s20], $0x2000  }
0xe5: {  	[sflag:s20] =	ssyncset.done $0x0  }
0xe6: {  	s30 =	rddreg [dreg:$0x9];
	[sflag:s20] =	ssyncadd.s32 $0xFFFFE000  }
0xe7: {  	[hbm4b:s30+s2] =	stream.linear.scatter [tilespmem:s7], [sflag:$0xB], $0x2000, $0x38;
	[tilespmem:$0x10800] =	vst v63  }
0xe8: {  	_ =	swait.ge [sflag:s19], $0x2000  }
0xe9: {  	[sflag:s19] =	ssyncset.done $0x0  }
0xea: {  	s30 =	rddreg [dreg:$0xa];
	[sflag:s19] =	ssyncadd.s32 $0xFFFFE000  }
0xeb: {  	[hbm4b:s30+s2] =	stream.linear.scatter [tilespmem:s5], [sflag:$0xF], $0x2000, $0x38;
	[tilespmem:$0x10800] =	vst v63  }
0xec: {  	_ =	swait.ge [sflag:s10], $0x2000  }
0xed: {  	[sflag:s10] =	ssyncset.done $0x0  }
0xee: {  	[sflag:s10] =	ssyncadd.s32 $0xFFFFE000  }
0xef: {  	_ =	swait.ge [sflag:s11], $0x2000  }
0xf0: {  	[sflag:s11] =	ssyncset.done $0x0  }
0xf1: {  	s0 =	rddreg [dreg:$0x1a];
	[sflag:s11] =	ssyncadd.s32 $0xFFFFE000  }
0xf2: {  	[tilespmem:s26], [sflag:$0x1] =	stream.indirect.gather [hbm4b:s3+s4], $0x40, s0, s4, $0xb8;
	[tilespmem:$0x10800] =	vst v63  }
0xf3: {  	s30 =	rddreg [dreg:$0x1b]  }
0xf4: {  	[tilespmem:s24], [sflag:$0x5] =	stream.indirect.gather [hbm4b:s3+s4], $0x40, s30, s4, $0xb8;
	[tilespmem:$0x10800] =	vst v63  }
0xf5: {  	_ =	swait.ge [sflag:s22], $0x2000  }
0xf6: {  	[sflag:s22] =	ssyncset.done $0x0  }
0xf7: {  	s30 =	rddreg [dreg:$0xb];
	[sflag:s22] =	ssyncadd.s32 $0xFFFFE000  }
0xf8: {  	[hbm4b:s30+s2] =	stream.linear.scatter [tilespmem:s8], [sflag:$0xC], $0x2000, $0x38;
	[tilespmem:$0x10800] =	vst v63  }
0xf9: {  	_ =	swait.ge [sflag:s21], $0x2000  }
0xfa: {  	[sflag:s21] =	ssyncset.done $0x0  }
0xfb: {  	s30 =	rddreg [dreg:$0xc];
	[sflag:s21] =	ssyncadd.s32 $0xFFFFE000  }
0xfc: {  	[hbm4b:s30+s2] =	stream.linear.scatter [tilespmem:s6], [sflag:$0x10], $0x2000, $0x38;
	[tilespmem:$0x10800] =	vst v63  }
0xfd: {  	_ =	swait.ge [sflag:s18], $0x2000  }
0xfe: {  	[sflag:s18] =	ssyncset.done $0x0  }
0xff: {  	[sflag:s18] =	ssyncadd.s32 $0xFFFFE000  }
0x100: {  	_ =	swait.ge [sflag:s16], $0x2000  }
0x101: {  	[sflag:s16] =	ssyncset.done $0x0  }
0x102: {  	s0 =	rddreg [dreg:$0x1c];
	[sflag:s16] =	ssyncadd.s32 $0xFFFFE000  }
0x103: {  	[tilespmem:s17], [sflag:$0x2] =	stream.indirect.gather [hbm4b:s3+s4], $0x40, s0, s4, $0xb8;
	[tilespmem:$0x10800] =	vst v63  }
0x104: {  	s30 =	rddreg [dreg:$0x1d]  }
0x105: {  	[tilespmem:s15], [sflag:$0x6] =	stream.indirect.gather [hbm4b:s3+s4], $0x40, s30, s4, $0xb8;
	[tilespmem:$0x10800] =	vst v63  }
0x106: {  	_ =	swait.ge [sflag:s29], $0x2000  }
0x107: {  	[sflag:s29] =	ssyncset.done $0x0  }
0x108: {  	s30 =	rddreg [dreg:$0xd];
	[sflag:s29] =	ssyncadd.s32 $0xFFFFE000  }
0x109: {  	[hbm4b:s30+s2] =	stream.linear.scatter [tilespmem:s26], [sflag:$0x9], $0x2000, $0x38;
	[tilespmem:$0x10800] =	vst v63  }
0x10a: {  	_ =	swait.ge [sflag:s28], $0x2000  }
0x10b: {  	[sflag:s28] =	ssyncset.done $0x0  }
0x10c: {  	s30 =	rddreg [dreg:$0xe];
	[sflag:s28] =	ssyncadd.s32 $0xFFFFE000  }
0x10d: {  	[hbm4b:s30+s2] =	stream.linear.scatter [tilespmem:s24], [sflag:$0xD], $0x2000, $0x38;
	[tilespmem:$0x10800] =	vst v63  }
0x10e: {  	_ =	swait.ge [sflag:s14], $0x2000  }
0x10f: {  	[sflag:s14] =	ssyncset.done $0x0  }
0x110: {  	[sflag:s14] =	ssyncadd.s32 $0xFFFFE000  }
0x111: {  	_ =	swait.ge [sflag:s13], $0x2000  }
0x112: {  	[sflag:s13] =	ssyncset.done $0x0  }
0x113: {  	s0 =	rddreg [dreg:$0x1e];
	[sflag:s13] =	ssyncadd.s32 $0xFFFFE000  }
0x114: {  	[tilespmem:s7], [sflag:$0x3] =	stream.indirect.gather [hbm4b:s3+s4], $0x40, s0, s4, $0xb8;
	[tilespmem:$0x10800] =	vst v63  }
0x115: {  	s30 =	rddreg [dreg:$0x1f]  }
0x116: {  	[tilespmem:s5], [sflag:$0x7] =	stream.indirect.gather [hbm4b:s3+s4], $0x40, s30, s4, $0xb8;
	[tilespmem:$0x10800] =	vst v63  }
0x117: {  	_ =	swait.ge [sflag:s25], $0x2000  }
0x118: {  	[sflag:s25] =	ssyncset.done $0x0  }
0x119: {  	s30 =	rddreg [dreg:$0xf];
	[sflag:s25] =	ssyncadd.s32 $0xFFFFE000  }
0x11a: {  	[hbm4b:s30+s2] =	stream.linear.scatter [tilespmem:s17], [sflag:$0xA], $0x2000, $0x38;
	[tilespmem:$0x10800] =	vst v63  }
0x11b: {  	_ =	swait.ge [sflag:s23], $0x2000  }
0x11c: {  	[sflag:s23] =	ssyncset.done $0x0  }
0x11d: {  	s30 =	rddreg [dreg:$0x10];
	[sflag:s23] =	ssyncadd.s32 $0xFFFFE000  }
0x11e: {  	[hbm4b:s30+s2] =	stream.linear.scatter [tilespmem:s15], [sflag:$0xE], $0x2000, $0x38;
	[tilespmem:$0x10800] =	vst v63  }
0x11f: {  	_ =	swait.ge [sflag:s12], $0x2000  }
0x120: {  	[sflag:s12] =	ssyncset.done $0x0  }
0x121: {  	[sflag:s12] =	ssyncadd.s32 $0xFFFFE000  }
0x122: {  	_ =	swait.ge [sflag:s9], $0x2000  }
0x123: {  	s0 =	sld [smem:$0x7FC]  }
0x124: {  	[sflag:s9] =	ssyncset.done $0x0  }
0x125: {  	s30 =	sld [smem:$0x7FD];
	[sflag:s9] =	ssyncadd.s32 $0xFFFFE000  }
0x126: {  	[tilespmem:s8], [sflag:$0x4] =	stream.indirect.gather [hbm4b:s3+s4], $0x40, s0, s4, $0xb8;
	[tilespmem:$0x10800] =	vst v63  }
0x127: {  	_ = 	snop  }
0x128: {  	[tilespmem:s6], [sflag:$0x8] =	stream.indirect.gather [hbm4b:s3+s4], $0x40, s30, s4, $0xb8;
	[tilespmem:$0x10800] =	vst v63  }
0x129: {  	_ =	swait.ge [sflag:s20], $0x2000  }
0x12a: {  	[sflag:s20] =	ssyncset.done $0x0  }
0x12b: {  	s30 =	rddreg [dreg:$0x11];
	[sflag:s20] =	ssyncadd.s32 $0xFFFFE000  }
0x12c: {  	[hbm4b:s30+s2] =	stream.linear.scatter [tilespmem:s7], [sflag:$0xB], $0x2000, $0x38;
	[tilespmem:$0x10800] =	vst v63  }
0x12d: {  	_ =	swait.ge [sflag:s19], $0x2000  }
0x12e: {  	[sflag:s19] =	ssyncset.done $0x0  }
0x12f: {  	s30 =	rddreg [dreg:$0x12];
	[sflag:s19] =	ssyncadd.s32 $0xFFFFE000  }
0x130: {  	[hbm4b:s30+s2] =	stream.linear.scatter [tilespmem:s5], [sflag:$0xF], $0x2000, $0x38;
	[tilespmem:$0x10800] =	vst v63  }
0x131: {  	_ =	swait.ge [sflag:s22], $0x2000  }
0x132: {  	[sflag:s22] =	ssyncset.done $0x0  }
0x133: {  	s30 =	rddreg [dreg:$0x13];
	[sflag:s22] =	ssyncadd.s32 $0xFFFFE000  }
0x134: {  	[hbm4b:s30+s2] =	stream.linear.scatter [tilespmem:s8], [sflag:$0xC], $0x2000, $0x38;
	[tilespmem:$0x10800] =	vst v63  }
0x135: {  	_ =	swait.ge [sflag:s21], $0x2000  }
0x136: {  	[sflag:s21] =	ssyncset.done $0x0  }
0x137: {  	s30 =	rddreg [dreg:$0x14];
	[sflag:s21] =	ssyncadd.s32 $0xFFFFE000  }
0x138: {  	[hbm4b:s30+s2] =	stream.linear.scatter [tilespmem:s6], [sflag:$0x10], $0x2000, $0x38;
	[tilespmem:$0x10800] =	vst v63  }
0x139: {  	_ =	swait.ge [sflag:s10], $0x2000  }
0x13a: {  	[sflag:s10] =	ssyncset.done $0x0  }
0x13b: {  	[sflag:s10] =	ssyncadd.s32 $0xFFFFE000  }
0x13c: {  	_ =	swait.ge [sflag:s11], $0x2000  }
0x13d: {  	[sflag:s11] =	ssyncset.done $0x0  }
0x13e: {  	[sflag:s11] =	ssyncadd.s32 $0xFFFFE000  }
0x13f: {  	_ =	swait.ge [sflag:s18], $0x2000  }
0x140: {  	[sflag:s18] =	ssyncset.done $0x0  }
0x141: {  	[sflag:s18] =	ssyncadd.s32 $0xFFFFE000  }
0x142: {  	_ =	swait.ge [sflag:s16], $0x2000  }
0x143: {  	[sflag:s16] =	ssyncset.done $0x0  }
0x144: {  	[sflag:s16] =	ssyncadd.s32 $0xFFFFE000  }
0x145: {  	_ =	swait.ge [sflag:s14], $0x2000  }
0x146: {  	[sflag:s14] =	ssyncset.done $0x0  }
0x147: {  	[sflag:s14] =	ssyncadd.s32 $0xFFFFE000  }
0x148: {  	_ =	swait.ge [sflag:s13], $0x2000  }
0x149: {  	[sflag:s13] =	ssyncset.done $0x0  }
0x14a: {  	p1 =	sne.s32 s1, $0x1;
	[sflag:s13] =	ssyncadd.s32 $0xFFFFE000  }
.Ltmp2:
0x14b: {  	_ =	swait.ge [sflag:s12], $0x2000;
	(pc) =	sbr.rel @p1 .LBB2_3-.Ltmp2, $4  }
0x14c: {  	[sflag:s12] =	ssyncset.done $0x0  }
0x14d: {  	[sflag:s12] =	ssyncadd.s32 $0xFFFFE000  }
0x14e: {  	_ =	swait.ge [sflag:s9], $0x2000  }
0x14f: {  	s1 =	sadd.s32 $0xFFFFFFFF, s1;
	s0 =	rddreg [dreg:$0x3];
	[sflag:s9] =	ssyncset.done $0x0  }
0x150: {  	s30 =	stileid.u32  }
.LBB2_5:
0x151: {  	[sflag:s9] =	ssyncadd.s32 @p0 $0xFFFFE000  }
0x152: {  	[tilespmem:s2], [sflag:$0x11] =	stream.linear.gather [hbm4b:s0+s2], $0x400, $0x38;
	[tilespmem:$0x10800] =	vst v63  }
0x153: {  	_ =	swait.ge [sflag:s31], $0x400  }
0x154: {  	[sflag:s31] =	ssyncset.done $0x0  }
0x155: {  	s1 =	simm.s32 $0x400;
	s0 =	rddreg [dreg:$0x4];
	[sflag:s31] =	ssyncadd.s32 $0xFFFFFC00  }
0x156: {  	[tilespmem:s1], [sflag:$0x11] =	stream.linear.gather [hbm4b:s0+s2], $0x400, $0x38;
	[tilespmem:$0x10800] =	vst v63  }
0x157: {  	_ =	swait.ge [sflag:s31], $0x400  }
0x158: {  	[sflag:s31] =	ssyncset.done $0x0  }
0x159: {  	[sflag:s31] =	ssyncadd.s32 $0xFFFFFC00  }
0x15a: {  	[tilespmem:s26], [sflag:$0x1] =	stream.indirect.gather [hbm4b:s3+s4], $0x40, s2, s4, $0xb8;
	[tilespmem:$0x10800] =	vst v63  }
0x15b: {  	_ = 	snop  }
0x15c: {  	[tilespmem:s24], [sflag:$0x5] =	stream.indirect.gather [hbm4b:s3+s4], $0x40, s1, s4, $0xb8;
	[tilespmem:$0x10800] =	vst v63  }
0x15d: {  	_ = 	snop  }
0x15e: {  	[tilespmem:s17], [sflag:$0x2] =	stream.indirect.gather [hbm4b:s3+s4], $0x40, s4, s4, $0xb8;
	[tilespmem:$0x10800] =	vst v63  }
0x15f: {  	s31 =	rddreg [dreg:$0x15]  }
0x160: {  	[tilespmem:s15], [sflag:$0x6] =	stream.indirect.gather [hbm4b:s3+s4], $0x40, s31, s4, $0xb8;
	[tilespmem:$0x10800] =	vst v63  }
0x161: {  	_ =	swait.ge [sflag:s29], $0x2000  }
0x162: {  	[sflag:s29] =	ssyncset.done $0x0  }
0x163: {  	s1 =	rddreg [dreg:$0x5];
	[sflag:s29] =	ssyncadd.s32 $0xFFFFE000  }
0x164: {  	[hbm4b:s1+s2] =	stream.linear.scatter [tilespmem:s26], [sflag:$0x9], $0x2000, $0x38;
	[tilespmem:$0x10800] =	vst v63  }
0x165: {  	_ =	swait.ge [sflag:s28], $0x2000  }
0x166: {  	[sflag:s28] =	ssyncset.done $0x0  }
0x167: {  	s31 =	rddreg [dreg:$0x6];
	[sflag:s28] =	ssyncadd.s32 $0xFFFFE000  }
0x168: {  	[hbm4b:s31+s2] =	stream.linear.scatter [tilespmem:s24], [sflag:$0xD], $0x2000, $0x38;
	[tilespmem:$0x10800] =	vst v63  }
0x169: {  	s1 =	rddreg [dreg:$0x16]  }
0x16a: {  	[tilespmem:s7], [sflag:$0x3] =	stream.indirect.gather [hbm4b:s3+s4], $0x40, s1, s4, $0xb8;
	[tilespmem:$0x10800] =	vst v63  }
0x16b: {  	s31 =	rddreg [dreg:$0x17]  }
0x16c: {  	[tilespmem:s5], [sflag:$0x7] =	stream.indirect.gather [hbm4b:s3+s4], $0x40, s31, s4, $0xb8;
	[tilespmem:$0x10800] =	vst v63  }
0x16d: {  	_ =	swait.ge [sflag:s25], $0x2000  }
0x16e: {  	[sflag:s25] =	ssyncset.done $0x0  }
0x16f: {  	s1 =	rddreg [dreg:$0x7];
	[sflag:s25] =	ssyncadd.s32 $0xFFFFE000  }
0x170: {  	[hbm4b:s1+s2] =	stream.linear.scatter [tilespmem:s17], [sflag:$0xA], $0x2000, $0x38;
	[tilespmem:$0x10800] =	vst v63  }
0x171: {  	_ =	swait.ge [sflag:s23], $0x2000  }
0x172: {  	[sflag:s23] =	ssyncset.done $0x0  }
0x173: {  	s31 =	rddreg [dreg:$0x8];
	[sflag:s23] =	ssyncadd.s32 $0xFFFFE000  }
0x174: {  	[hbm4b:s31+s2] =	stream.linear.scatter [tilespmem:s15], [sflag:$0xE], $0x2000, $0x38;
	[tilespmem:$0x10800] =	vst v63  }
0x175: {  	s1 =	rddreg [dreg:$0x18]  }
0x176: {  	[tilespmem:s8], [sflag:$0x4] =	stream.indirect.gather [hbm4b:s3+s4], $0x40, s1, s4, $0xb8;
	[tilespmem:$0x10800] =	vst v63  }
0x177: {  	s31 =	rddreg [dreg:$0x19]  }
0x178: {  	[tilespmem:s6], [sflag:$0x8] =	stream.indirect.gather [hbm4b:s3+s4], $0x40, s31, s4, $0xb8;
	[tilespmem:$0x10800] =	vst v63  }
0x179: {  	_ =	swait.ge [sflag:s20], $0x2000  }
0x17a: {  	[sflag:s20] =	ssyncset.done $0x0  }
0x17b: {  	s1 =	rddreg [dreg:$0x9];
	[sflag:s20] =	ssyncadd.s32 $0xFFFFE000  }
0x17c: {  	[hbm4b:s1+s2] =	stream.linear.scatter [tilespmem:s7], [sflag:$0xB], $0x2000, $0x38;
	[tilespmem:$0x10800] =	vst v63  }
0x17d: {  	_ =	swait.ge [sflag:s19], $0x2000  }
0x17e: {  	[sflag:s19] =	ssyncset.done $0x0  }
0x17f: {  	s31 =	rddreg [dreg:$0xa];
	[sflag:s19] =	ssyncadd.s32 $0xFFFFE000  }
0x180: {  	[hbm4b:s31+s2] =	stream.linear.scatter [tilespmem:s5], [sflag:$0xF], $0x2000, $0x38;
	[tilespmem:$0x10800] =	vst v63  }
0x181: {  	_ =	swait.ge [sflag:s10], $0x2000  }
0x182: {  	[sflag:s10] =	ssyncset.done $0x0  }
0x183: {  	[sflag:s10] =	ssyncadd.s32 $0xFFFFE000  }
0x184: {  	_ =	swait.ge [sflag:s11], $0x2000  }
0x185: {  	[sflag:s11] =	ssyncset.done $0x0  }
0x186: {  	s1 =	rddreg [dreg:$0x1a];
	[sflag:s11] =	ssyncadd.s32 $0xFFFFE000  }
0x187: {  	[tilespmem:s26], [sflag:$0x1] =	stream.indirect.gather [hbm4b:s3+s4], $0x40, s1, s4, $0xb8;
	[tilespmem:$0x10800] =	vst v63  }
0x188: {  	s31 =	rddreg [dreg:$0x1b]  }
0x189: {  	[tilespmem:s24], [sflag:$0x5] =	stream.indirect.gather [hbm4b:s3+s4], $0x40, s31, s4, $0xb8;
	[tilespmem:$0x10800] =	vst v63  }
0x18a: {  	_ =	swait.ge [sflag:s22], $0x2000  }
0x18b: {  	[sflag:s22] =	ssyncset.done $0x0  }
0x18c: {  	s1 =	rddreg [dreg:$0xb];
	[sflag:s22] =	ssyncadd.s32 $0xFFFFE000  }
0x18d: {  	[hbm4b:s1+s2] =	stream.linear.scatter [tilespmem:s8], [sflag:$0xC], $0x2000, $0x38;
	[tilespmem:$0x10800] =	vst v63  }
0x18e: {  	_ =	swait.ge [sflag:s21], $0x2000  }
0x18f: {  	[sflag:s21] =	ssyncset.done $0x0  }
0x190: {  	s31 =	rddreg [dreg:$0xc];
	[sflag:s21] =	ssyncadd.s32 $0xFFFFE000  }
0x191: {  	[hbm4b:s31+s2] =	stream.linear.scatter [tilespmem:s6], [sflag:$0x10], $0x2000, $0x38;
	[tilespmem:$0x10800] =	vst v63  }
0x192: {  	_ =	swait.ge [sflag:s18], $0x2000  }
0x193: {  	[sflag:s18] =	ssyncset.done $0x0  }
0x194: {  	[sflag:s18] =	ssyncadd.s32 $0xFFFFE000  }
0x195: {  	_ =	swait.ge [sflag:s16], $0x2000  }
0x196: {  	[sflag:s16] =	ssyncset.done $0x0  }
0x197: {  	s1 =	rddreg [dreg:$0x1c];
	[sflag:s16] =	ssyncadd.s32 $0xFFFFE000  }
0x198: {  	[tilespmem:s17], [sflag:$0x2] =	stream.indirect.gather [hbm4b:s3+s4], $0x40, s1, s4, $0xb8;
	[tilespmem:$0x10800] =	vst v63  }
0x199: {  	s31 =	rddreg [dreg:$0x1d]  }
0x19a: {  	[tilespmem:s15], [sflag:$0x6] =	stream.indirect.gather [hbm4b:s3+s4], $0x40, s31, s4, $0xb8;
	[tilespmem:$0x10800] =	vst v63  }
0x19b: {  	_ =	swait.ge [sflag:s29], $0x2000  }
0x19c: {  	[sflag:s29] =	ssyncset.done $0x0  }
0x19d: {  	s1 =	rddreg [dreg:$0xd];
	[sflag:s29] =	ssyncadd.s32 $0xFFFFE000  }
0x19e: {  	[hbm4b:s1+s2] =	stream.linear.scatter [tilespmem:s26], [sflag:$0x9], $0x2000, $0x38;
	[tilespmem:$0x10800] =	vst v63  }
0x19f: {  	_ =	swait.ge [sflag:s28], $0x2000  }
0x1a0: {  	[sflag:s28] =	ssyncset.done $0x0  }
0x1a1: {  	s26 =	rddreg [dreg:$0xe];
	[sflag:s28] =	ssyncadd.s32 $0xFFFFE000  }
0x1a2: {  	[hbm4b:s26+s2] =	stream.linear.scatter [tilespmem:s24], [sflag:$0xD], $0x2000, $0x38;
	[tilespmem:$0x10800] =	vst v63  }
0x1a3: {  	_ =	swait.ge [sflag:s14], $0x2000  }
0x1a4: {  	[sflag:s14] =	ssyncset.done $0x0  }
0x1a5: {  	[sflag:s14] =	ssyncadd.s32 $0xFFFFE000  }
0x1a6: {  	_ =	swait.ge [sflag:s13], $0x2000  }
0x1a7: {  	[sflag:s13] =	ssyncset.done $0x0  }
0x1a8: {  	s29 =	rddreg [dreg:$0x1e];
	[sflag:s13] =	ssyncadd.s32 $0xFFFFE000  }
0x1a9: {  	[tilespmem:s7], [sflag:$0x3] =	stream.indirect.gather [hbm4b:s3+s4], $0x40, s29, s4, $0xb8;
	[tilespmem:$0x10800] =	vst v63  }
0x1aa: {  	s31 =	rddreg [dreg:$0x1f]  }
0x1ab: {  	[tilespmem:s5], [sflag:$0x7] =	stream.indirect.gather [hbm4b:s3+s4], $0x40, s31, s4, $0xb8;
	[tilespmem:$0x10800] =	vst v63  }
0x1ac: {  	_ =	swait.ge [sflag:s25], $0x2000  }
0x1ad: {  	[sflag:s25] =	ssyncset.done $0x0  }
0x1ae: {  	s1 =	rddreg [dreg:$0xf];
	[sflag:s25] =	ssyncadd.s32 $0xFFFFE000  }
0x1af: {  	[hbm4b:s1+s2] =	stream.linear.scatter [tilespmem:s17], [sflag:$0xA], $0x2000, $0x38;
	[tilespmem:$0x10800] =	vst v63  }
0x1b0: {  	_ =	swait.ge [sflag:s23], $0x2000  }
0x1b1: {  	[sflag:s23] =	ssyncset.done $0x0  }
0x1b2: {  	s17 =	rddreg [dreg:$0x10];
	[sflag:s23] =	ssyncadd.s32 $0xFFFFE000  }
0x1b3: {  	[hbm4b:s17+s2] =	stream.linear.scatter [tilespmem:s15], [sflag:$0xE], $0x2000, $0x38;
	[tilespmem:$0x10800] =	vst v63  }
0x1b4: {  	_ =	swait.ge [sflag:s12], $0x2000  }
0x1b5: {  	[sflag:s12] =	ssyncset.done $0x0  }
0x1b6: {  	[sflag:s12] =	ssyncadd.s32 $0xFFFFE000  }
0x1b7: {  	_ =	swait.ge [sflag:s9], $0x2000  }
0x1b8: {  	s24 =	sld [smem:$0x7FC]  }
0x1b9: {  	[sflag:s9] =	ssyncset.done $0x0  }
0x1ba: {  	s25 =	sld [smem:$0x7FD];
	[sflag:s9] =	ssyncadd.s32 $0xFFFFE000  }
0x1bb: {  	[tilespmem:s8], [sflag:$0x4] =	stream.indirect.gather [hbm4b:s3+s4], $0x40, s24, s4, $0xb8;
	[tilespmem:$0x10800] =	vst v63  }
0x1bc: {  	_ = 	snop  }
0x1bd: {  	[tilespmem:s6], [sflag:$0x8] =	stream.indirect.gather [hbm4b:s3+s4], $0x40, s25, s4, $0xb8;
	[tilespmem:$0x10800] =	vst v63  }
0x1be: {  	_ =	swait.ge [sflag:s20], $0x2000  }
0x1bf: {  	[sflag:s20] =	ssyncset.done $0x0  }
0x1c0: {  	s26 =	rddreg [dreg:$0x11];
	[sflag:s20] =	ssyncadd.s32 $0xFFFFE000  }
0x1c1: {  	[hbm4b:s26+s2] =	stream.linear.scatter [tilespmem:s7], [sflag:$0xB], $0x2000, $0x38;
	[tilespmem:$0x10800] =	vst v63  }
0x1c2: {  	_ =	swait.ge [sflag:s19], $0x2000  }
0x1c3: {  	[sflag:s19] =	ssyncset.done $0x0  }
0x1c4: {  	s28 =	rddreg [dreg:$0x12];
	[sflag:s19] =	ssyncadd.s32 $0xFFFFE000  }
0x1c5: {  	[hbm4b:s28+s2] =	stream.linear.scatter [tilespmem:s5], [sflag:$0xF], $0x2000, $0x38;
	[tilespmem:$0x10800] =	vst v63  }
0x1c6: {  	_ =	swait.ge [sflag:s22], $0x2000  }
0x1c7: {  	[sflag:s22] =	ssyncset.done $0x0  }
0x1c8: {  	s29 =	rddreg [dreg:$0x13];
	[sflag:s22] =	ssyncadd.s32 $0xFFFFE000  }
0x1c9: {  	[hbm4b:s29+s2] =	stream.linear.scatter [tilespmem:s8], [sflag:$0xC], $0x2000, $0x38;
	[tilespmem:$0x10800] =	vst v63  }
0x1ca: {  	_ =	swait.ge [sflag:s21], $0x2000  }
0x1cb: {  	[sflag:s21] =	ssyncset.done $0x0  }
0x1cc: {  	s31 =	rddreg [dreg:$0x14];
	[sflag:s21] =	ssyncadd.s32 $0xFFFFE000  }
0x1cd: {  	[hbm4b:s31+s2] =	stream.linear.scatter [tilespmem:s6], [sflag:$0x10], $0x2000, $0x38;
	[tilespmem:$0x10800] =	vst v63  }
0x1ce: {  	_ =	swait.ge [sflag:s10], $0x2000  }
0x1cf: {  	[sflag:s10] =	ssyncset.done $0x0  }
0x1d0: {  	[sflag:s10] =	ssyncadd.s32 $0xFFFFE000  }
0x1d1: {  	_ =	swait.ge [sflag:s11], $0x2000  }
0x1d2: {  	[sflag:s11] =	ssyncset.done $0x0  }
0x1d3: {  	[sflag:s11] =	ssyncadd.s32 $0xFFFFE000  }
0x1d4: {  	_ =	swait.ge [sflag:s18], $0x2000  }
0x1d5: {  	[sflag:s18] =	ssyncset.done $0x0  }
0x1d6: {  	[sflag:s18] =	ssyncadd.s32 $0xFFFFE000  }
0x1d7: {  	_ =	swait.ge [sflag:s16], $0x2000  }
0x1d8: {  	[sflag:s16] =	ssyncset.done $0x0  }
0x1d9: {  	[sflag:s16] =	ssyncadd.s32 $0xFFFFE000  }
0x1da: {  	_ =	swait.ge [sflag:s14], $0x2000  }
0x1db: {  	[sflag:s14] =	ssyncset.done $0x0  }
0x1dc: {  	[sflag:s14] =	ssyncadd.s32 $0xFFFFE000  }
0x1dd: {  	_ =	swait.ge [sflag:s13], $0x2000  }
0x1de: {  	[sflag:s13] =	ssyncset.done $0x0  }
0x1df: {  	[sflag:s13] =	ssyncadd.s32 $0xFFFFE000  }
0x1e0: {  	_ =	swait.ge [sflag:s12], $0x2000  }
0x1e1: {  	[sflag:s12] =	ssyncset.done $0x0  }
0x1e2: {  	[sflag:s12] =	ssyncadd.s32 $0xFFFFE000  }
0x1e3: {  	_ =	swait.ge [sflag:s9], $0x2000  }
0x1e4: {  	[sflag:s9] =	ssyncset.done $0x0  }
0x1e5: {  	[sflag:s9] =	ssyncadd.s32 $0xFFFFE000  }
0x1e6: {  	_ =	sfence.sel $0x180000  }
0x1e7: {  	[bflag:$0x0] =	sbarrier.arrive $0xFFFF  }
0x1e8: {  	_ =	strace $0x90000047  }
0x1e9: {  	[bflag:$0x2] =	sbarrier.arrive $0xFFFF  }
0x1ea: {  	p0 =	sne.s32 s30, $0x0;
	s0 =	rddreg [dreg:$0x2]  }
0x1eb: {  	s0 =	sadd.s32 @!p0 $0x100000, s0  }
0x1ec: {  	[sflag:s0] =	ssyncadd.tile.s32 @!p0 $0x1;
	_ =	shalt  }
.LBB2_2:
.Ltmp3:
0x1ed: {  	(pc) =	sbr.rel .LBB2_5-.Ltmp3, $2  }
0x1ee: {  	_ =	sdelay $0x2  }
0x1ef: {  	s30 =	stileid.u32  }
.Lfunc_end2:
_tile_overlayer_lowered:
.L_overlay_start_2:
0x1f0: {  	(tag) =	ssettag $0x2  }
0x1f1: {  	s0 =	rddreg [dreg:$0x0];
	s2 =	stileid.u32  }
0x1f2: {  	s1 =	rddreg [dreg:$0x1];
	p0 =	sne.s32 s2, $0x0  }
0x1f3: {  	s3 =	rddreg [dreg:$0x2];
	[bflag:$0x3] =	sbarrier.arrive $0xFFFF;
	s2 =	simm.s32 @!p0 $0x1C11  }
0x1f4: {  	[timem:s3], [sflag:s2] =	dma.local @!p0 [hbm:s0], s1  }
0x1f5: {  	s0 =	simm.s32 @!p0 $0x11  }
0x1f6: {  	_ =	swait.ge @!p0 [sflag:s0], s1  }
0x1f7: {  	s1 =	ssub.s32 @!p0 $0x0, s1;
	[sflag:s0] =	ssyncset.done @!p0 $0x0  }
0x1f8: {  	[sflag:s0] =	ssyncadd.s32 @!p0 s1  }
0x1f9: {  	[bflag:$0x3] =	sbarrier.arrive $0xFFFF  }
0x1fa: {  	_ =	shalt  }

</sc_bundles>
